<compile_context>
chip_gen: v7x
topology: tpu7x:2x2x1
jax: 0.10.2.dev20260603
libtpu: 0.0.44.dev20260713+nightly
codegen_flags: <defaults>
</compile_context>

<pallas_src>
import functools

import jax
import jax.numpy as jnp
from jax import lax
from jax.experimental import pallas as pl
from jax.experimental.pallas import tpu as pltpu
from jax.experimental.pallas import tpu_sc as plsc

N = 10000
E = 320000
D = 128
T = 10
STEPS = 8
B = 64
L = 128
DS = 512
C = 14

NC = 2
NS = 16
NW = NC * NS
K = 128
NCHUNK = 79
PW = NCHUNK * K
E_PAD = NW * PW
NACC = N + 112
RPS = NACC // NS

BN = 2000
NBLK = N // BN
BN1 = 1000
NBLK1 = N // BN1
BL = 32


def _build_sc_agg():
    mesh = plsc.VectorSubcoreMesh(core_axis_name="c", subcore_axis_name="s")

    @functools.partial(
        pl.kernel,
        mesh=mesh,
        out_type=jax.ShapeDtypeStruct((NC, NACC, D), jnp.float32),
        scratch_types=[
            pltpu.VMEM_SHARED((NACC, D), jnp.float32),
            pltpu.VMEM((K,), jnp.int32),
            pltpu.VMEM((K,), jnp.int32),
            pltpu.VMEM((K, D), jnp.float32),
            pltpu.SemaphoreType.DMA,
        ],
    )
    def sc_agg(trans_hbm, gidx_hbm, dst_hbm, zeros_hbm, out_hbm,
               acc, idxc, dstc, rows, sem):
        c = lax.axis_index("c")
        s = lax.axis_index("s")
        wid = s * NC + c
        row0 = s * RPS
        pltpu.sync_copy(zeros_hbm.at[pl.ds(row0, RPS)],
                        acc.at[pl.ds(row0, RPS)])
        plsc.subcore_barrier()
        base = wid * PW

        def body(j, carry):
            off = base + j * K
            pltpu.sync_copy(gidx_hbm.at[pl.ds(off, K)], idxc)
            pltpu.sync_copy(dst_hbm.at[pl.ds(off, K)], dstc)
            pltpu.async_copy(trans_hbm.at[idxc], rows, sem).wait()
            pltpu.sync_copy(rows, acc.at[dstc], add=True)
            return carry

        lax.fori_loop(0, NCHUNK, body, 0)
        plsc.subcore_barrier()
        pltpu.sync_copy(acc.at[pl.ds(row0, RPS)],
                        out_hbm.at[c, pl.ds(row0, RPS)])

    return sc_agg


def _transform_body(h_ref, w_ref, b_ref, out_ref):
    out_ref[0] = (
        jnp.dot(h_ref[...], w_ref[0], preferred_element_type=jnp.float32)
        + b_ref[0]
    )


def _build_transform(interpret=False):
    return pl.pallas_call(
        _transform_body,
        grid=(T, NBLK),
        in_specs=[
            pl.BlockSpec((BN, D), lambda t, n: (n, 0)),
            pl.BlockSpec((1, D, D), lambda t, n: (t, 0, 0)),
            pl.BlockSpec((1, 1, D), lambda t, n: (t, 0, 0)),
        ],
        out_specs=pl.BlockSpec((1, BN, D), lambda t, n: (t, n, 0)),
        out_shape=jax.ShapeDtypeStruct((T, N, D), jnp.float32),
        interpret=interpret,
    )


def _gru_body(part_ref, h_ref, wih_ref, whh_ref, bih_ref, bhh_ref, out_ref):
    agg = part_ref[0] + part_ref[1]
    h = h_ref[...]
    gi = jnp.dot(agg, wih_ref[...], preferred_element_type=jnp.float32) + bih_ref[...]
    gh = jnp.dot(h, whh_ref[...], preferred_element_type=jnp.float32) + bhh_ref[...]
    r = jax.nn.sigmoid(gi[:, 0:D] + gh[:, 0:D])
    z = jax.nn.sigmoid(gi[:, D:2 * D] + gh[:, D:2 * D])
    n = jnp.tanh(gi[:, 2 * D:3 * D] + r * gh[:, 2 * D:3 * D])
    out_ref[...] = (1.0 - z) * n + z * h


def _build_gru(interpret=False):
    return pl.pallas_call(
        _gru_body,
        grid=(NBLK,),
        in_specs=[
            pl.BlockSpec((NC, BN, D), lambda n: (0, n, 0)),
            pl.BlockSpec((BN, D), lambda n: (n, 0)),
            pl.BlockSpec((D, 3 * D), lambda n: (0, 0)),
            pl.BlockSpec((D, 3 * D), lambda n: (0, 0)),
            pl.BlockSpec((1, 3 * D), lambda n: (0, 0)),
            pl.BlockSpec((1, 3 * D), lambda n: (0, 0)),
        ],
        out_specs=pl.BlockSpec((BN, D), lambda n: (n, 0)),
        out_shape=jax.ShapeDtypeStruct((N, D), jnp.float32),
        interpret=interpret,
    )


def _gru_tr_body(part_ref, h_ref, wih_ref, whh_ref, bih_ref, bhh_ref,
                 we_ref, be_ref, out_ref, tr_ref):
    agg = part_ref[0] + part_ref[1]
    h = h_ref[...]
    gi = jnp.dot(agg, wih_ref[...], preferred_element_type=jnp.float32) + bih_ref[...]
    gh = jnp.dot(h, whh_ref[...], preferred_element_type=jnp.float32) + bhh_ref[...]
    r = jax.nn.sigmoid(gi[:, 0:D] + gh[:, 0:D])
    z = jax.nn.sigmoid(gi[:, D:2 * D] + gh[:, D:2 * D])
    n = jnp.tanh(gi[:, 2 * D:3 * D] + r * gh[:, 2 * D:3 * D])
    hn = (1.0 - z) * n + z * h
    out_ref[...] = hn
    for t in range(T):
        tr_ref[t] = (
            jnp.dot(hn, we_ref[t], preferred_element_type=jnp.float32)
            + be_ref[t]
        )


def _build_gru_tr(interpret=False):
    return pl.pallas_call(
        _gru_tr_body,
        grid=(NBLK,),
        in_specs=[
            pl.BlockSpec((NC, BN, D), lambda n: (0, n, 0)),
            pl.BlockSpec((BN, D), lambda n: (n, 0)),
            pl.BlockSpec((D, 3 * D), lambda n: (0, 0)),
            pl.BlockSpec((D, 3 * D), lambda n: (0, 0)),
            pl.BlockSpec((1, 3 * D), lambda n: (0, 0)),
            pl.BlockSpec((1, 3 * D), lambda n: (0, 0)),
            pl.BlockSpec((T, D, D), lambda n: (0, 0, 0)),
            pl.BlockSpec((T, 1, D), lambda n: (0, 0, 0)),
        ],
        out_specs=[
            pl.BlockSpec((BN, D), lambda n: (n, 0)),
            pl.BlockSpec((T, BN, D), lambda n: (0, n, 0)),
        ],
        out_shape=[
            jax.ShapeDtypeStruct((N, D), jnp.float32),
            jax.ShapeDtypeStruct((T, N, D), jnp.float32),
        ],
        interpret=interpret,
    )


def _gsum_body(h_ref, x_ref, gid_ref, out_ref):
    i = pl.program_id(0)
    gids = gid_ref[0, 0, :]
    b_iota = lax.broadcasted_iota(jnp.int32, (B, BN1), 0)
    onehot = (gids[None, :] == b_iota).astype(jnp.float32)
    feat = jnp.concatenate(
        [h_ref[...], x_ref[...], jnp.ones((BN1, D), jnp.float32)], axis=1)
    contrib = jnp.dot(onehot, feat, preferred_element_type=jnp.float32)

    @pl.when(i == 0)
    def _():
        out_ref[...] = jnp.zeros_like(out_ref)

    out_ref[...] += contrib


def _build_gsum(interpret=False):
    return pl.pallas_call(
        _gsum_body,
        grid=(NBLK1,),
        in_specs=[
            pl.BlockSpec((BN1, D), lambda n: (n, 0)),
            pl.BlockSpec((BN1, D), lambda n: (n, 0)),
            pl.BlockSpec((1, 1, BN1), lambda n: (n, 0, 0)),
        ],
        out_specs=pl.BlockSpec((B, 3 * D), lambda n: (0, 0)),
        out_shape=jax.ShapeDtypeStruct((B, 3 * D), jnp.float32),
        interpret=interpret,
    )


def _seqsum_body(seq_ref, out_ref):
    i = pl.program_id(0)

    @pl.when(i == 0)
    def _():
        out_ref[...] = jnp.zeros_like(out_ref)

    out_ref[...] += jnp.sum(seq_ref[...], axis=1)


def _build_seqsum(interpret=False):
    return pl.pallas_call(
        _seqsum_body,
        grid=(L // BL,),
        in_specs=[pl.BlockSpec((B, BL, DS), lambda i: (0, i, 0))],
        out_specs=pl.BlockSpec((B, DS), lambda i: (0, 0)),
        out_shape=jax.ShapeDtypeStruct((B, DS), jnp.float32),
        interpret=interpret,
    )


def _final_body(gsum_ref, ssum_ref, wseq, bseq, wg0, bg0, wg1, bg1, wg2, bg2,
                ws0, bs0, ws1, bs1, ws2, bs2, out_ref):
    gs = gsum_ref[...]
    sums = gs[:, 0:2 * D]
    cnt = gs[:, 2 * D:2 * D + 1]
    gfeat = sums / jnp.maximum(cnt, 1.0)
    f = jnp.dot

    def relu(v):
        return jnp.maximum(v, 0.0)

    h1 = relu(f(gfeat, wg0[...], preferred_element_type=jnp.float32) + bg0[...])
    h2 = relu(f(h1, wg1[...], preferred_element_type=jnp.float32) + bg1[...])
    l1 = f(h2, wg2[...], preferred_element_type=jnp.float32) + bg2[...]
    smean = ssum_ref[...] * (1.0 / L)
    sf = relu(f(smean, wseq[...], preferred_element_type=jnp.float32) + bseq[...])
    s1 = relu(f(sf, ws0[...], preferred_element_type=jnp.float32) + bs0[...])
    s2 = relu(f(s1, ws1[...], preferred_element_type=jnp.float32) + bs1[...])
    l2 = f(s2, ws2[...], preferred_element_type=jnp.float32) + bs2[...]
    out_ref[...] = l1 + l2


def _build_final(interpret=False):
    full = lambda *shape: pl.BlockSpec(shape, lambda: (0,) * len(shape))
    return pl.pallas_call(
        _final_body,
        grid=(),
        in_specs=[
            full(B, 3 * D),
            full(B, DS),
            full(DS, 1024), full(1, 1024),
            full(2 * D, 128), full(1, 128),
            full(128, 64), full(1, 64),
            full(64, C), full(1, C),
            full(1024, 512), full(1, 512),
            full(512, 256), full(1, 256),
            full(256, C), full(1, C),
        ],
        out_specs=full(B, C),
        out_shape=jax.ShapeDtypeStruct((B, C), jnp.float32),
        interpret=interpret,
    )


def kernel(x, edge_index, edge_type, graph_ids, sequences,
           W_edge, b_edge, W_ih, W_hh, b_ih, b_hh, W_seq, b_seq,
           Wg0, bg0, Wg1, bg1, Wg2, bg2,
           Ws0, bs0, Ws1, bs1, Ws2, bs2):
    src = edge_index[0].astype(jnp.int32)
    dst = edge_index[1].astype(jnp.int32)
    et = edge_type.astype(jnp.int32)
    gidx = et * N + src
    pad = E_PAD - E
    gidx_p = jnp.concatenate([gidx, jnp.zeros((pad,), jnp.int32)])
    dst_p = jnp.concatenate([dst, jnp.full((pad,), N, jnp.int32)])
    zeros = jnp.zeros((NACC, D), jnp.float32)

    gids3 = graph_ids.astype(jnp.int32).reshape(NBLK1, 1, BN1)
    bih2 = b_ih.reshape(1, 3 * D)
    bhh2 = b_hh.reshape(1, 3 * D)

    transform = _build_transform()
    sc_agg = _build_sc_agg()
    gru = _build_gru()
    gru_tr = _build_gru_tr()
    gsum_k = _build_gsum()
    seqsum_k = _build_seqsum()
    final_k = _build_final()

    be3 = b_edge.reshape(T, 1, D)
    h = x
    trans = transform(h, W_edge, be3).reshape(T * N, D)
    for step in range(STEPS):
        parts = sc_agg(trans, gidx_p, dst_p, zeros)
        if step < STEPS - 1:
            h, trans = gru_tr(parts, h, W_ih, W_hh, bih2, bhh2, W_edge, be3)
            trans = trans.reshape(T * N, D)
        else:
            h = gru(parts, h, W_ih, W_hh, bih2, bhh2)

    gsum = gsum_k(h, x, gids3)
    ssum = seqsum_k(sequences)
    return final_k(
        gsum, ssum,
        W_seq, b_seq.reshape(1, 1024),
        Wg0, bg0.reshape(1, 128), Wg1, bg1.reshape(1, 64),
        Wg2, bg2.reshape(1, C),
        Ws0, bs0.reshape(1, 512), Ws1, bs1.reshape(1, 256),
        Ws2, bs2.reshape(1, C),
    )

# --- scband reference (transcript-rebuilt; emitter-appended) ---
"""Pipeline reference for scband-livablemulti-class-model-40338332844347 (READ-ONLY COPY).

The authoritative reference and input builder live on the scoring server;
editing this copy changes nothing except your own understanding.
"""

import jax, jax.numpy as jnp
import numpy as np

N = 10000
E = 320000
D = 128
T = 10
STEPS = 8
B = 64
L = 128
DS = 512
C = 14


def _mlp_readout(h, params):
    # MLPReadout: two hidden layers halving width, ReLU, then linear to C
    (W0, b0), (W1, b1), (W2, b2) = params
    h = jax.nn.relu(h @ W0 + b0)
    h = jax.nn.relu(h @ W1 + b1)
    return h @ W2 + b2


def setup_inputs(seed: int = 0) -> dict:
    key = jax.random.key(seed)
    ks = jax.random.split(key, 24)
    s = 0.05
    inp = {}
    inp["x"] = jax.random.normal(ks[0], (N, D), jnp.float32)
    inp["edge_index"] = jax.random.randint(ks[1], (2, E), 0, N, dtype=jnp.int64)
    inp["edge_type"] = jax.random.randint(ks[2], (E,), 0, T, dtype=jnp.int64)
    inp["graph_ids"] = jnp.sort(jax.random.randint(ks[3], (N,), 0, B, dtype=jnp.int64))
    inp["sequences"] = jax.random.normal(ks[4], (B, L, DS), jnp.float32)
    # GGNN per-edge-type transforms
    inp["W_edge"] = jax.random.normal(ks[5], (T, D, D), jnp.float32) * s
    inp["b_edge"] = jnp.zeros((T, D), jnp.float32)
    # GRU cell params (3 gates: r, z, n)
    inp["W_ih"] = jax.random.normal(ks[6], (D, 3 * D), jnp.float32) * s
    inp["W_hh"] = jax.random.normal(ks[7], (D, 3 * D), jnp.float32) * s
    inp["b_ih"] = jnp.zeros((3 * D,), jnp.float32)
    inp["b_hh"] = jnp.zeros((3 * D,), jnp.float32)
    # sequence branch projection to 1024
    inp["W_seq"] = jax.random.normal(ks[8], (DS, 1024), jnp.float32) * s
    inp["b_seq"] = jnp.zeros((1024,), jnp.float32)
    # MPL_layer: MLPReadout(256, C)
    inp["Wg0"] = jax.random.normal(ks[9], (256, 128), jnp.float32) * s
    inp["bg0"] = jnp.zeros((128,), jnp.float32)
    inp["Wg1"] = jax.random.normal(ks[10], (128, 64), jnp.float32) * s
    inp["bg1"] = jnp.zeros((64,), jnp.float32)
    inp["Wg2"] = jax.random.normal(ks[11], (64, C), jnp.float32) * s
    inp["bg2"] = jnp.zeros((C,), jnp.float32)
    # MPL_layer1: MLPReadout(1024, C)
    inp["Ws0"] = jax.random.normal(ks[12], (1024, 512), jnp.float32) * s
    inp["bs0"] = jnp.zeros((512,), jnp.float32)
    inp["Ws1"] = jax.random.normal(ks[13], (512, 256), jnp.float32) * s
    inp["bs1"] = jnp.zeros((256,), jnp.float32)
    inp["Ws2"] = jax.random.normal(ks[14], (256, C), jnp.float32) * s
    inp["bs2"] = jnp.zeros((C,), jnp.float32)
    return inp


def reference(x, edge_index, edge_type, graph_ids, sequences,
              W_edge, b_edge, W_ih, W_hh, b_ih, b_hh, W_seq, b_seq,
              Wg0, bg0, Wg1, bg1, Wg2, bg2,
              Ws0, bs0, Ws1, bs1, Ws2, bs2):
    src = edge_index[0]
    dst = edge_index[1]
    h = x
    for _ in range(STEPS):
        # per-edge-type dense transform of all node states: [T, N, D]
        transformed = jnp.einsum('nd,tde->tne', h, W_edge) + b_edge[:, None, :]
        # gather message per edge by (type, src)
        msgs = transformed[edge_type, src]  # [E, D]
        agg = jax.ops.segment_sum(msgs, dst, num_segments=N)  # [N, D]
        # GRUCell update (PyTorch convention)
        gi = agg @ W_ih + b_ih
        gh = h @ W_hh + b_hh
        i_r, i_z, i_n = jnp.split(gi, 3, axis=-1)
        h_r, h_z, h_n = jnp.split(gh, 3, axis=-1)
        r = jax.nn.sigmoid(i_r + h_r)
        z = jax.nn.sigmoid(i_z + h_z)
        n = jnp.tanh(i_n + r * h_n)
        h = (1.0 - z) * n + z * h
    # graph readout: concat [h, x] -> mean per graph -> MLPReadout(256, C)
    feat = jnp.concatenate([h, x], axis=-1)  # [N, 256]
    sums = jax.ops.segment_sum(feat, graph_ids, num_segments=B)
    cnt = jax.ops.segment_sum(jnp.ones((N,), jnp.float32), graph_ids, num_segments=B)
    gfeat = sums / jnp.maximum(cnt, 1.0)[:, None]
    logits1 = _mlp_readout(gfeat, [(Wg0, bg0), (Wg1, bg1), (Wg2, bg2)])
    # sequence branch: mean pool -> 1024 -> MLPReadout(1024, C)
    sfeat = jax.nn.relu(jnp.mean(sequences, axis=1) @ W_seq + b_seq)
    logits2 = _mlp_readout(sfeat, [(Ws0, bs0), (Ws1, bs1), (Ws2, bs2)])
    return logits1 + logits2

if __name__ == "__main__":
    import jax
    _d = setup_inputs()
    print(jax.jit(kernel)(*tuple(_d.values())))

</pallas_src>

<mosaic_0001>
#map = affine_map<(d0, d1) -> (0, 0)>
#map1 = affine_map<(d0, d1) -> (0)>
#map2 = affine_map<(d0, d1) -> (0, 0, 0)>
module attributes {stable_mosaic.version = 14 : i64} {
  func.func @sc_agg(%arg0: i32, %arg1: i32, %arg2: memref<100000x128xf32, #tpu.memory_space<hbm>>, %arg3: memref<323584xi32, #tpu.memory_space<hbm>>, %arg4: memref<323584xi32, #tpu.memory_space<hbm>>, %arg5: memref<10112x128xf32, #tpu.memory_space<hbm>>, %arg6: memref<2x10112x128xf32, #tpu.memory_space<hbm>>, %arg7: memref<10112x128xf32, #tpu.memory_space<vmem_shared>>, %arg8: memref<128xi32, #tpu.memory_space<vmem>>, %arg9: memref<128xi32, #tpu.memory_space<vmem>>, %arg10: memref<128x128xf32, #tpu.memory_space<vmem>>, %arg11: memref<!tpu.dma_semaphore, #tpu.memory_space<semaphore_mem>>) attributes {dimension_semantics = [#tpu.dimension_semantics<core_parallel>, #tpu.dimension_semantics<subcore_parallel>], iteration_bounds = array<i64: 2, 16>, scalar_prefetch = 0 : i64, scratch_operands = 5 : i64, tpu.core_type = #tpu.core_type<sc_vector_subcore>, window_params = [{transform_indices = #map}, {transform_indices = #map1}, {transform_indices = #map1}, {transform_indices = #map}, {transform_indices = #map2}]} {
    %mul3A = arith.constant 2 : i32
    %mul3A_0 = arith.muli %arg1, %mul3A : i32
    %add3A = arith.addi %mul3A_0, %arg0 : i32
    %mul3A_1 = arith.constant 632 : i32
    %mul3A_2 = arith.muli %arg1, %mul3A_1 : i32
    "tpu.region"() ({
      %run_scoped3A = tpu.sem_alloc : memref<!tpu.dma_semaphore, #tpu.memory_space<semaphore_mem>>
      %dma_start3A = arith.constant 0 : i32
      %dma_start3A_11 = tpu.memref_slice %arg7[%mul3A_2, %dma_start3A] : memref<10112x128xf32, #tpu.memory_space<vmem_shared>> -> memref<632x128xf32, #tpu.memory_space<vmem_shared>>
      %dma_start3A_12 = arith.constant 0 : i32
      %dma_start3A_13 = tpu.memref_slice %arg5[%mul3A_2, %dma_start3A_12] : memref<10112x128xf32, #tpu.memory_space<hbm>> -> memref<632x128xf32, #tpu.memory_space<hbm>>
      tpu.enqueue_dma source(%dma_start3A_13 : memref<632x128xf32, #tpu.memory_space<hbm>>) target(%dma_start3A_11 : memref<632x128xf32, #tpu.memory_space<vmem_shared>>) target_semaphore(%run_scoped3A : memref<!tpu.dma_semaphore, #tpu.memory_space<semaphore_mem>>)
      %dma_wait3A = arith.constant 0 : i32
      %dma_wait3A_14 = tpu.memref_slice %arg7[%mul3A_2, %dma_wait3A] : memref<10112x128xf32, #tpu.memory_space<vmem_shared>> -> memref<632x128xf32, #tpu.memory_space<vmem_shared>>
      %dma_wait3A_15 = arith.constant 0 : i32
      %dma_wait3A_16 = tpu.memref_slice %arg5[%mul3A_2, %dma_wait3A_15] : memref<10112x128xf32, #tpu.memory_space<hbm>> -> memref<632x128xf32, #tpu.memory_space<hbm>>
      tpu.wait_dma2 semaphore(%run_scoped3A : memref<!tpu.dma_semaphore, #tpu.memory_space<semaphore_mem>>) src(%dma_wait3A_16 : memref<632x128xf32, #tpu.memory_space<hbm>>) dst(%dma_wait3A_14 : memref<632x128xf32, #tpu.memory_space<vmem_shared>>)
      tpu.yield
    }) : () -> ()
    %barrier3A = arith.constant 0 : index
    tpu.barrier barrier_id(%barrier3A)
    %mul3A_3 = arith.constant 10112 : i32
    %mul3A_4 = arith.muli %add3A, %mul3A_3 : i32
    %scan3A = arith.constant 0 : i32
    %scan3A_5 = arith.constant 0 : i32
    %scan3A_6 = arith.constant 79 : i32
    %scan3A_7 = arith.addi %scan3A_5, %scan3A_6 : i32
    %scan3A_8 = arith.constant 1 : i32
    scf.for %scan3A_11 = %scan3A_5 to %scan3A_7 step %scan3A_8  : i32 {
      %mul3A_12 = arith.constant 128 : i32
      %mul3A_13 = arith.muli %scan3A_11, %mul3A_12 : i32
      %add3A_14 = arith.addi %mul3A_4, %mul3A_13 : i32
      "tpu.region"() ({
        %run_scoped3A = tpu.sem_alloc : memref<!tpu.dma_semaphore, #tpu.memory_space<semaphore_mem>>
        %dma_start3A_19 = tpu.memref_slice %arg3[%add3A_14] : memref<323584xi32, #tpu.memory_space<hbm>> -> memref<128xi32, #tpu.memory_space<hbm>>
        %dma_start3A_20 = tpu.memref_slice %arg3[%add3A_14] : memref<323584xi32, #tpu.memory_space<hbm>> -> memref<128xi32, #tpu.memory_space<hbm>>
        tpu.enqueue_dma source(%dma_start3A_20 : memref<128xi32, #tpu.memory_space<hbm>>) target(%arg8 : memref<128xi32, #tpu.memory_space<vmem>>) target_semaphore(%run_scoped3A : memref<!tpu.dma_semaphore, #tpu.memory_space<semaphore_mem>>)
        %dma_wait3A_21 = tpu.memref_slice %arg3[%add3A_14] : memref<323584xi32, #tpu.memory_space<hbm>> -> memref<128xi32, #tpu.memory_space<hbm>>
        %dma_wait3A_22 = tpu.memref_slice %arg3[%add3A_14] : memref<323584xi32, #tpu.memory_space<hbm>> -> memref<128xi32, #tpu.memory_space<hbm>>
        tpu.wait_dma2 semaphore(%run_scoped3A : memref<!tpu.dma_semaphore, #tpu.memory_space<semaphore_mem>>) src(%dma_wait3A_22 : memref<128xi32, #tpu.memory_space<hbm>>) dst(%arg8 : memref<128xi32, #tpu.memory_space<vmem>>)
        tpu.yield
      }) : () -> ()
      "tpu.region"() ({
        %run_scoped3A = tpu.sem_alloc : memref<!tpu.dma_semaphore, #tpu.memory_space<semaphore_mem>>
        %dma_start3A_19 = tpu.memref_slice %arg4[%add3A_14] : memref<323584xi32, #tpu.memory_space<hbm>> -> memref<128xi32, #tpu.memory_space<hbm>>
        %dma_start3A_20 = tpu.memref_slice %arg4[%add3A_14] : memref<323584xi32, #tpu.memory_space<hbm>> -> memref<128xi32, #tpu.memory_space<hbm>>
        tpu.enqueue_dma source(%dma_start3A_20 : memref<128xi32, #tpu.memory_space<hbm>>) target(%arg9 : memref<128xi32, #tpu.memory_space<vmem>>) target_semaphore(%run_scoped3A : memref<!tpu.dma_semaphore, #tpu.memory_space<semaphore_mem>>)
        %dma_wait3A_21 = tpu.memref_slice %arg4[%add3A_14] : memref<323584xi32, #tpu.memory_space<hbm>> -> memref<128xi32, #tpu.memory_space<hbm>>
        %dma_wait3A_22 = tpu.memref_slice %arg4[%add3A_14] : memref<323584xi32, #tpu.memory_space<hbm>> -> memref<128xi32, #tpu.memory_space<hbm>>
        tpu.wait_dma2 semaphore(%run_scoped3A : memref<!tpu.dma_semaphore, #tpu.memory_space<semaphore_mem>>) src(%dma_wait3A_22 : memref<128xi32, #tpu.memory_space<hbm>>) dst(%arg9 : memref<128xi32, #tpu.memory_space<vmem>>)
        tpu.yield
      }) : () -> ()
      %dma_start3A = arith.constant 0 : i32
      %dma_start3A_15 = arith.constant 0 : i32
      %dma_start3A_16 = tpu.memref_slice %arg2[%dma_start3A, %dma_start3A_15] : memref<100000x128xf32, #tpu.memory_space<hbm>> -> memref<100000x128xf32, #tpu.memory_space<hbm>>
      tpu.enqueue_indirect_dma source(%dma_start3A_16 : memref<100000x128xf32, #tpu.memory_space<hbm>>) target(%arg10 : memref<128x128xf32, #tpu.memory_space<vmem>>) offsets(%arg8 : memref<128xi32, #tpu.memory_space<vmem>>) semaphore(%arg11 : memref<!tpu.dma_semaphore, #tpu.memory_space<semaphore_mem>>)
      %dma_wait3A = arith.constant 0 : i32
      %dma_wait3A_17 = arith.constant 0 : i32
      %dma_wait3A_18 = tpu.memref_slice %arg2[%dma_wait3A, %dma_wait3A_17] : memref<100000x128xf32, #tpu.memory_space<hbm>> -> memref<100000x128xf32, #tpu.memory_space<hbm>>
      tpu.wait_indirect_dma semaphore(%arg11 : memref<!tpu.dma_semaphore, #tpu.memory_space<semaphore_mem>>) src(%dma_wait3A_18 : memref<100000x128xf32, #tpu.memory_space<hbm>>) dst(%arg10 : memref<128x128xf32, #tpu.memory_space<vmem>>)
      "tpu.region"() ({
        %run_scoped3A = tpu.sem_alloc : memref<!tpu.dma_semaphore, #tpu.memory_space<semaphore_mem>>
        %dma_start3A_19 = arith.constant 0 : i32
        %dma_start3A_20 = arith.constant 0 : i32
        %dma_start3A_21 = tpu.memref_slice %arg7[%dma_start3A_19, %dma_start3A_20] : memref<10112x128xf32, #tpu.memory_space<vmem_shared>> -> memref<10112x128xf32, #tpu.memory_space<vmem_shared>>
        tpu.enqueue_indirect_dma source(%arg10 : memref<128x128xf32, #tpu.memory_space<vmem>>) target(%dma_start3A_21 : memref<10112x128xf32, #tpu.memory_space<vmem_shared>>) offsets(%arg9 : memref<128xi32, #tpu.memory_space<vmem>>) semaphore(%run_scoped3A : memref<!tpu.dma_semaphore, #tpu.memory_space<semaphore_mem>>) {add = true}
        %dma_wait3A_22 = arith.constant 0 : i32
        %dma_wait3A_23 = arith.constant 0 : i32
        %dma_wait3A_24 = tpu.memref_slice %arg7[%dma_wait3A_22, %dma_wait3A_23] : memref<10112x128xf32, #tpu.memory_space<vmem_shared>> -> memref<10112x128xf32, #tpu.memory_space<vmem_shared>>
        tpu.wait_indirect_dma semaphore(%run_scoped3A : memref<!tpu.dma_semaphore, #tpu.memory_space<semaphore_mem>>) src(%arg10 : memref<128x128xf32, #tpu.memory_space<vmem>>) dst(%dma_wait3A_24 : memref<10112x128xf32, #tpu.memory_space<vmem_shared>>)
        tpu.yield
      }) : () -> ()
    }
    %scan3A_9 = arith.constant 79 : i32
    %barrier3A_10 = arith.constant 0 : index
    tpu.barrier barrier_id(%barrier3A_10)
    "tpu.region"() ({
      %run_scoped3A = tpu.sem_alloc : memref<!tpu.dma_semaphore, #tpu.memory_space<semaphore_mem>>
      %dma_start3A = arith.constant 0 : i32
      %dma_start3A_11 = tpu.memref_slice %arg6[%arg0, %mul3A_2, %dma_start3A] : memref<2x10112x128xf32, #tpu.memory_space<hbm>> -> memref<1x632x128xf32, #tpu.memory_space<hbm>>
      %dma_start3A_12 = tpu.memref_squeeze %dma_start3A_11 : memref<1x632x128xf32, #tpu.memory_space<hbm>> -> memref<632x128xf32, #tpu.memory_space<hbm>>
      %dma_start3A_13 = arith.constant 0 : i32
      %dma_start3A_14 = tpu.memref_slice %arg7[%mul3A_2, %dma_start3A_13] : memref<10112x128xf32, #tpu.memory_space<vmem_shared>> -> memref<632x128xf32, #tpu.memory_space<vmem_shared>>
      tpu.enqueue_dma source(%dma_start3A_14 : memref<632x128xf32, #tpu.memory_space<vmem_shared>>) target(%dma_start3A_12 : memref<632x128xf32, #tpu.memory_space<hbm>>) target_semaphore(%run_scoped3A : memref<!tpu.dma_semaphore, #tpu.memory_space<semaphore_mem>>)
      %dma_wait3A = arith.constant 0 : i32
      %dma_wait3A_15 = tpu.memref_slice %arg6[%arg0, %mul3A_2, %dma_wait3A] : memref<2x10112x128xf32, #tpu.memory_space<hbm>> -> memref<1x632x128xf32, #tpu.memory_space<hbm>>
      %dma_wait3A_16 = tpu.memref_squeeze %dma_wait3A_15 : memref<1x632x128xf32, #tpu.memory_space<hbm>> -> memref<632x128xf32, #tpu.memory_space<hbm>>
      %dma_wait3A_17 = arith.constant 0 : i32
      %dma_wait3A_18 = tpu.memref_slice %arg7[%mul3A_2, %dma_wait3A_17] : memref<10112x128xf32, #tpu.memory_space<vmem_shared>> -> memref<632x128xf32, #tpu.memory_space<vmem_shared>>
      tpu.wait_dma2 semaphore(%run_scoped3A : memref<!tpu.dma_semaphore, #tpu.memory_space<semaphore_mem>>) src(%dma_wait3A_18 : memref<632x128xf32, #tpu.memory_space<vmem_shared>>) dst(%dma_wait3A_16 : memref<632x128xf32, #tpu.memory_space<hbm>>)
      tpu.yield
    }) : () -> ()
    return
  }
}

#map = affine_map<(d0, d1) -> (0, 0)>
#map1 = affine_map<(d0, d1) -> (0)>
#map2 = affine_map<(d0, d1) -> (0, 0, 0)>
module attributes {stable_mosaic.version = 14 : i64} {
  func.func @sc_agg(%arg0: i32, %arg1: i32, %arg2: memref<100000x128xf32, #tpu.memory_space<hbm>>, %arg3: memref<323584xi32, #tpu.memory_space<hbm>>, %arg4: memref<323584xi32, #tpu.memory_space<hbm>>, %arg5: memref<10112x128xf32, #tpu.memory_space<hbm>>, %arg6: memref<2x10112x128xf32, #tpu.memory_space<hbm>>, %arg7: memref<10112x128xf32, #tpu.memory_space<vmem_shared>>, %arg8: memref<128xi32, #tpu.memory_space<vmem>>, %arg9: memref<128xi32, #tpu.memory_space<vmem>>, %arg10: memref<128x128xf32, #tpu.memory_space<vmem>>, %arg11: memref<!tpu.dma_semaphore, #tpu.memory_space<semaphore_mem>>) attributes {dimension_semantics = [#tpu.dimension_semantics<core_parallel>, #tpu.dimension_semantics<subcore_parallel>], iteration_bounds = array<i64: 2, 16>, scalar_prefetch = 0 : i64, scratch_operands = 5 : i64, tpu.core_type = #tpu.core_type<sc_vector_subcore>, window_params = [{transform_indices = #map}, {transform_indices = #map1}, {transform_indices = #map1}, {transform_indices = #map}, {transform_indices = #map2}]} {
    %mul3A = arith.constant 2 : i32
    %mul3A_0 = arith.muli %arg1, %mul3A : i32
    %add3A = arith.addi %mul3A_0, %arg0 : i32
    %mul3A_1 = arith.constant 632 : i32
    %mul3A_2 = arith.muli %arg1, %mul3A_1 : i32
    "tpu.region"() ({
      %run_scoped3A = tpu.sem_alloc : memref<!tpu.dma_semaphore, #tpu.memory_space<semaphore_mem>>
      %dma_start3A = arith.constant 0 : i32
      %dma_start3A_11 = tpu.memref_slice %arg7[%mul3A_2, %dma_start3A] : memref<10112x128xf32, #tpu.memory_space<vmem_shared>> -> memref<632x128xf32, #tpu.memory_space<vmem_shared>>
      %dma_start3A_12 = arith.constant 0 : i32
      %dma_start3A_13 = tpu.memref_slice %arg5[%mul3A_2, %dma_start3A_12] : memref<10112x128xf32, #tpu.memory_space<hbm>> -> memref<632x128xf32, #tpu.memory_space<hbm>>
      tpu.enqueue_dma source(%dma_start3A_13 : memref<632x128xf32, #tpu.memory_space<hbm>>) target(%dma_start3A_11 : memref<632x128xf32, #tpu.memory_space<vmem_shared>>) target_semaphore(%run_scoped3A : memref<!tpu.dma_semaphore, #tpu.memory_space<semaphore_mem>>)
      %dma_wait3A = arith.constant 0 : i32
      %dma_wait3A_14 = tpu.memref_slice %arg7[%mul3A_2, %dma_wait3A] : memref<10112x128xf32, #tpu.memory_space<vmem_shared>> -> memref<632x128xf32, #tpu.memory_space<vmem_shared>>
      %dma_wait3A_15 = arith.constant 0 : i32
      %dma_wait3A_16 = tpu.memref_slice %arg5[%mul3A_2, %dma_wait3A_15] : memref<10112x128xf32, #tpu.memory_space<hbm>> -> memref<632x128xf32, #tpu.memory_space<hbm>>
      tpu.wait_dma2 semaphore(%run_scoped3A : memref<!tpu.dma_semaphore, #tpu.memory_space<semaphore_mem>>) src(%dma_wait3A_16 : memref<632x128xf32, #tpu.memory_space<hbm>>) dst(%dma_wait3A_14 : memref<632x128xf32, #tpu.memory_space<vmem_shared>>)
      tpu.yield
    }) : () -> ()
    %barrier3A = arith.constant 0 : index
    tpu.barrier barrier_id(%barrier3A)
    %mul3A_3 = arith.constant 10112 : i32
    %mul3A_4 = arith.muli %add3A, %mul3A_3 : i32
    %scan3A = arith.constant 0 : i32
    %scan3A_5 = arith.constant 0 : i32
    %scan3A_6 = arith.constant 79 : i32
    %scan3A_7 = arith.addi %scan3A_5, %scan3A_6 : i32
    %scan3A_8 = arith.constant 1 : i32
    scf.for %scan3A_11 = %scan3A_5 to %scan3A_7 step %scan3A_8  : i32 {
      %mul3A_12 = arith.constant 128 : i32
      %mul3A_13 = arith.muli %scan3A_11, %mul3A_12 : i32
      %add3A_14 = arith.addi %mul3A_4, %mul3A_13 : i32
      "tpu.region"() ({
        %run_scoped3A = tpu.sem_alloc : memref<!tpu.dma_semaphore, #tpu.memory_space<semaphore_mem>>
        %dma_start3A_19 = tpu.memref_slice %arg3[%add3A_14] : memref<323584xi32, #tpu.memory_space<hbm>> -> memref<128xi32, #tpu.memory_space<hbm>>
        %dma_start3A_20 = tpu.memref_slice %arg3[%add3A_14] : memref<323584xi32, #tpu.memory_space<hbm>> -> memref<128xi32, #tpu.memory_space<hbm>>
        tpu.enqueue_dma source(%dma_start3A_20 : memref<128xi32, #tpu.memory_space<hbm>>) target(%arg8 : memref<128xi32, #tpu.memory_space<vmem>>) target_semaphore(%run_scoped3A : memref<!tpu.dma_semaphore, #tpu.memory_space<semaphore_mem>>)
        %dma_wait3A_21 = tpu.memref_slice %arg3[%add3A_14] : memref<323584xi32, #tpu.memory_space<hbm>> -> memref<128xi32, #tpu.memory_space<hbm>>
        %dma_wait3A_22 = tpu.memref_slice %arg3[%add3A_14] : memref<323584xi32, #tpu.memory_space<hbm>> -> memref<128xi32, #tpu.memory_space<hbm>>
        tpu.wait_dma2 semaphore(%run_scoped3A : memref<!tpu.dma_semaphore, #tpu.memory_space<semaphore_mem>>) src(%dma_wait3A_22 : memref<128xi32, #tpu.memory_space<hbm>>) dst(%arg8 : memref<128xi32, #tpu.memory_space<vmem>>)
        tpu.yield
      }) : () -> ()
      "tpu.region"() ({
        %run_scoped3A = tpu.sem_alloc : memref<!tpu.dma_semaphore, #tpu.memory_space<semaphore_mem>>
        %dma_start3A_19 = tpu.memref_slice %arg4[%add3A_14] : memref<323584xi32, #tpu.memory_space<hbm>> -> memref<128xi32, #tpu.memory_space<hbm>>
        %dma_start3A_20 = tpu.memref_slice %arg4[%add3A_14] : memref<323584xi32, #tpu.memory_space<hbm>> -> memref<128xi32, #tpu.memory_space<hbm>>
        tpu.enqueue_dma source(%dma_start3A_20 : memref<128xi32, #tpu.memory_space<hbm>>) target(%arg9 : memref<128xi32, #tpu.memory_space<vmem>>) target_semaphore(%run_scoped3A : memref<!tpu.dma_semaphore, #tpu.memory_space<semaphore_mem>>)
        %dma_wait3A_21 = tpu.memref_slice %arg4[%add3A_14] : memref<323584xi32, #tpu.memory_space<hbm>> -> memref<128xi32, #tpu.memory_space<hbm>>
        %dma_wait3A_22 = tpu.memref_slice %arg4[%add3A_14] : memref<323584xi32, #tpu.memory_space<hbm>> -> memref<128xi32, #tpu.memory_space<hbm>>
        tpu.wait_dma2 semaphore(%run_scoped3A : memref<!tpu.dma_semaphore, #tpu.memory_space<semaphore_mem>>) src(%dma_wait3A_22 : memref<128xi32, #tpu.memory_space<hbm>>) dst(%arg9 : memref<128xi32, #tpu.memory_space<vmem>>)
        tpu.yield
      }) : () -> ()
      %dma_start3A = arith.constant 0 : i32
      %dma_start3A_15 = arith.constant 0 : i32
      %dma_start3A_16 = tpu.memref_slice %arg2[%dma_start3A, %dma_start3A_15] : memref<100000x128xf32, #tpu.memory_space<hbm>> -> memref<100000x128xf32, #tpu.memory_space<hbm>>
      tpu.enqueue_indirect_dma source(%dma_start3A_16 : memref<100000x128xf32, #tpu.memory_space<hbm>>) target(%arg10 : memref<128x128xf32, #tpu.memory_space<vmem>>) offsets(%arg8 : memref<128xi32, #tpu.memory_space<vmem>>) semaphore(%arg11 : memref<!tpu.dma_semaphore, #tpu.memory_space<semaphore_mem>>)
      %dma_wait3A = arith.constant 0 : i32
      %dma_wait3A_17 = arith.constant 0 : i32
      %dma_wait3A_18 = tpu.memref_slice %arg2[%dma_wait3A, %dma_wait3A_17] : memref<100000x128xf32, #tpu.memory_space<hbm>> -> memref<100000x128xf32, #tpu.memory_space<hbm>>
      tpu.wait_indirect_dma semaphore(%arg11 : memref<!tpu.dma_semaphore, #tpu.memory_space<semaphore_mem>>) src(%dma_wait3A_18 : memref<100000x128xf32, #tpu.memory_space<hbm>>) dst(%arg10 : memref<128x128xf32, #tpu.memory_space<vmem>>)
      "tpu.region"() ({
        %run_scoped3A = tpu.sem_alloc : memref<!tpu.dma_semaphore, #tpu.memory_space<semaphore_mem>>
        %dma_start3A_19 = arith.constant 0 : i32
        %dma_start3A_20 = arith.constant 0 : i32
        %dma_start3A_21 = tpu.memref_slice %arg7[%dma_start3A_19, %dma_start3A_20] : memref<10112x128xf32, #tpu.memory_space<vmem_shared>> -> memref<10112x128xf32, #tpu.memory_space<vmem_shared>>
        tpu.enqueue_indirect_dma source(%arg10 : memref<128x128xf32, #tpu.memory_space<vmem>>) target(%dma_start3A_21 : memref<10112x128xf32, #tpu.memory_space<vmem_shared>>) offsets(%arg9 : memref<128xi32, #tpu.memory_space<vmem>>) semaphore(%run_scoped3A : memref<!tpu.dma_semaphore, #tpu.memory_space<semaphore_mem>>) {add = true}
        %dma_wait3A_22 = arith.constant 0 : i32
        %dma_wait3A_23 = arith.constant 0 : i32
        %dma_wait3A_24 = tpu.memref_slice %arg7[%dma_wait3A_22, %dma_wait3A_23] : memref<10112x128xf32, #tpu.memory_space<vmem_shared>> -> memref<10112x128xf32, #tpu.memory_space<vmem_shared>>
        tpu.wait_indirect_dma semaphore(%run_scoped3A : memref<!tpu.dma_semaphore, #tpu.memory_space<semaphore_mem>>) src(%arg10 : memref<128x128xf32, #tpu.memory_space<vmem>>) dst(%dma_wait3A_24 : memref<10112x128xf32, #tpu.memory_space<vmem_shared>>)
        tpu.yield
      }) : () -> ()
    }
    %scan3A_9 = arith.constant 79 : i32
    %barrier3A_10 = arith.constant 0 : index
    tpu.barrier barrier_id(%barrier3A_10)
    "tpu.region"() ({
      %run_scoped3A = tpu.sem_alloc : memref<!tpu.dma_semaphore, #tpu.memory_space<semaphore_mem>>
      %dma_start3A = arith.constant 0 : i32
      %dma_start3A_11 = tpu.memref_slice %arg6[%arg0, %mul3A_2, %dma_start3A] : memref<2x10112x128xf32, #tpu.memory_space<hbm>> -> memref<1x632x128xf32, #tpu.memory_space<hbm>>
      %dma_start3A_12 = tpu.memref_squeeze %dma_start3A_11 : memref<1x632x128xf32, #tpu.memory_space<hbm>> -> memref<632x128xf32, #tpu.memory_space<hbm>>
      %dma_start3A_13 = arith.constant 0 : i32
      %dma_start3A_14 = tpu.memref_slice %arg7[%mul3A_2, %dma_start3A_13] : memref<10112x128xf32, #tpu.memory_space<vmem_shared>> -> memref<632x128xf32, #tpu.memory_space<vmem_shared>>
      tpu.enqueue_dma source(%dma_start3A_14 : memref<632x128xf32, #tpu.memory_space<vmem_shared>>) target(%dma_start3A_12 : memref<632x128xf32, #tpu.memory_space<hbm>>) target_semaphore(%run_scoped3A : memref<!tpu.dma_semaphore, #tpu.memory_space<semaphore_mem>>)
      %dma_wait3A = arith.constant 0 : i32
      %dma_wait3A_15 = tpu.memref_slice %arg6[%arg0, %mul3A_2, %dma_wait3A] : memref<2x10112x128xf32, #tpu.memory_space<hbm>> -> memref<1x632x128xf32, #tpu.memory_space<hbm>>
      %dma_wait3A_16 = tpu.memref_squeeze %dma_wait3A_15 : memref<1x632x128xf32, #tpu.memory_space<hbm>> -> memref<632x128xf32, #tpu.memory_space<hbm>>
      %dma_wait3A_17 = arith.constant 0 : i32
      %dma_wait3A_18 = tpu.memref_slice %arg7[%mul3A_2, %dma_wait3A_17] : memref<10112x128xf32, #tpu.memory_space<vmem_shared>> -> memref<632x128xf32, #tpu.memory_space<vmem_shared>>
      tpu.wait_dma2 semaphore(%run_scoped3A : memref<!tpu.dma_semaphore, #tpu.memory_space<semaphore_mem>>) src(%dma_wait3A_18 : memref<632x128xf32, #tpu.memory_space<vmem_shared>>) dst(%dma_wait3A_16 : memref<632x128xf32, #tpu.memory_space<hbm>>)
      tpu.yield
    }) : () -> ()
    return
  }
}

#map = affine_map<(d0, d1) -> (0, 0)>
#map1 = affine_map<(d0, d1) -> (0)>
#map2 = affine_map<(d0, d1) -> (0, 0, 0)>
module attributes {stable_mosaic.version = 14 : i64} {
  func.func @sc_agg(%arg0: i32, %arg1: i32, %arg2: memref<100000x128xf32, #tpu.memory_space<hbm>>, %arg3: memref<323584xi32, #tpu.memory_space<hbm>>, %arg4: memref<323584xi32, #tpu.memory_space<hbm>>, %arg5: memref<10112x128xf32, #tpu.memory_space<hbm>>, %arg6: memref<2x10112x128xf32, #tpu.memory_space<hbm>>, %arg7: memref<10112x128xf32, #tpu.memory_space<vmem_shared>>, %arg8: memref<128xi32, #tpu.memory_space<vmem>>, %arg9: memref<128xi32, #tpu.memory_space<vmem>>, %arg10: memref<128x128xf32, #tpu.memory_space<vmem>>, %arg11: memref<!tpu.dma_semaphore, #tpu.memory_space<semaphore_mem>>) attributes {dimension_semantics = [#tpu.dimension_semantics<core_parallel>, #tpu.dimension_semantics<subcore_parallel>], iteration_bounds = array<i64: 2, 16>, scalar_prefetch = 0 : i64, scratch_operands = 5 : i64, tpu.core_type = #tpu.core_type<sc_vector_subcore>, window_params = [{transform_indices = #map}, {transform_indices = #map1}, {transform_indices = #map1}, {transform_indices = #map}, {transform_indices = #map2}]} {
    %mul3A = arith.constant 2 : i32
    %mul3A_0 = arith.muli %arg1, %mul3A : i32
    %add3A = arith.addi %mul3A_0, %arg0 : i32
    %mul3A_1 = arith.constant 632 : i32
    %mul3A_2 = arith.muli %arg1, %mul3A_1 : i32
    "tpu.region"() ({
      %run_scoped3A = tpu.sem_alloc : memref<!tpu.dma_semaphore, #tpu.memory_space<semaphore_mem>>
      %dma_start3A = arith.constant 0 : i32
      %dma_start3A_11 = tpu.memref_slice %arg7[%mul3A_2, %dma_start3A] : memref<10112x128xf32, #tpu.memory_space<vmem_shared>> -> memref<632x128xf32, #tpu.memory_space<vmem_shared>>
      %dma_start3A_12 = arith.constant 0 : i32
      %dma_start3A_13 = tpu.memref_slice %arg5[%mul3A_2, %dma_start3A_12] : memref<10112x128xf32, #tpu.memory_space<hbm>> -> memref<632x128xf32, #tpu.memory_space<hbm>>
      tpu.enqueue_dma source(%dma_start3A_13 : memref<632x128xf32, #tpu.memory_space<hbm>>) target(%dma_start3A_11 : memref<632x128xf32, #tpu.memory_space<vmem_shared>>) target_semaphore(%run_scoped3A : memref<!tpu.dma_semaphore, #tpu.memory_space<semaphore_mem>>)
      %dma_wait3A = arith.constant 0 : i32
      %dma_wait3A_14 = tpu.memref_slice %arg7[%mul3A_2, %dma_wait3A] : memref<10112x128xf32, #tpu.memory_space<vmem_shared>> -> memref<632x128xf32, #tpu.memory_space<vmem_shared>>
      %dma_wait3A_15 = arith.constant 0 : i32
      %dma_wait3A_16 = tpu.memref_slice %arg5[%mul3A_2, %dma_wait3A_15] : memref<10112x128xf32, #tpu.memory_space<hbm>> -> memref<632x128xf32, #tpu.memory_space<hbm>>
      tpu.wait_dma2 semaphore(%run_scoped3A : memref<!tpu.dma_semaphore, #tpu.memory_space<semaphore_mem>>) src(%dma_wait3A_16 : memref<632x128xf32, #tpu.memory_space<hbm>>) dst(%dma_wait3A_14 : memref<632x128xf32, #tpu.memory_space<vmem_shared>>)
      tpu.yield
    }) : () -> ()
    %barrier3A = arith.constant 0 : index
    tpu.barrier barrier_id(%barrier3A)
    %mul3A_3 = arith.constant 10112 : i32
    %mul3A_4 = arith.muli %add3A, %mul3A_3 : i32
    %scan3A = arith.constant 0 : i32
    %scan3A_5 = arith.constant 0 : i32
    %scan3A_6 = arith.constant 79 : i32
    %scan3A_7 = arith.addi %scan3A_5, %scan3A_6 : i32
    %scan3A_8 = arith.constant 1 : i32
    scf.for %scan3A_11 = %scan3A_5 to %scan3A_7 step %scan3A_8  : i32 {
      %mul3A_12 = arith.constant 128 : i32
      %mul3A_13 = arith.muli %scan3A_11, %mul3A_12 : i32
      %add3A_14 = arith.addi %mul3A_4, %mul3A_13 : i32
      "tpu.region"() ({
        %run_scoped3A = tpu.sem_alloc : memref<!tpu.dma_semaphore, #tpu.memory_space<semaphore_mem>>
        %dma_start3A_19 = tpu.memref_slice %arg3[%add3A_14] : memref<323584xi32, #tpu.memory_space<hbm>> -> memref<128xi32, #tpu.memory_space<hbm>>
        %dma_start3A_20 = tpu.memref_slice %arg3[%add3A_14] : memref<323584xi32, #tpu.memory_space<hbm>> -> memref<128xi32, #tpu.memory_space<hbm>>
        tpu.enqueue_dma source(%dma_start3A_20 : memref<128xi32, #tpu.memory_space<hbm>>) target(%arg8 : memref<128xi32, #tpu.memory_space<vmem>>) target_semaphore(%run_scoped3A : memref<!tpu.dma_semaphore, #tpu.memory_space<semaphore_mem>>)
        %dma_wait3A_21 = tpu.memref_slice %arg3[%add3A_14] : memref<323584xi32, #tpu.memory_space<hbm>> -> memref<128xi32, #tpu.memory_space<hbm>>
        %dma_wait3A_22 = tpu.memref_slice %arg3[%add3A_14] : memref<323584xi32, #tpu.memory_space<hbm>> -> memref<128xi32, #tpu.memory_space<hbm>>
        tpu.wait_dma2 semaphore(%run_scoped3A : memref<!tpu.dma_semaphore, #tpu.memory_space<semaphore_mem>>) src(%dma_wait3A_22 : memref<128xi32, #tpu.memory_space<hbm>>) dst(%arg8 : memref<128xi32, #tpu.memory_space<vmem>>)
        tpu.yield
      }) : () -> ()
      "tpu.region"() ({
        %run_scoped3A = tpu.sem_alloc : memref<!tpu.dma_semaphore, #tpu.memory_space<semaphore_mem>>
        %dma_start3A_19 = tpu.memref_slice %arg4[%add3A_14] : memref<323584xi32, #tpu.memory_space<hbm>> -> memref<128xi32, #tpu.memory_space<hbm>>
        %dma_start3A_20 = tpu.memref_slice %arg4[%add3A_14] : memref<323584xi32, #tpu.memory_space<hbm>> -> memref<128xi32, #tpu.memory_space<hbm>>
        tpu.enqueue_dma source(%dma_start3A_20 : memref<128xi32, #tpu.memory_space<hbm>>) target(%arg9 : memref<128xi32, #tpu.memory_space<vmem>>) target_semaphore(%run_scoped3A : memref<!tpu.dma_semaphore, #tpu.memory_space<semaphore_mem>>)
        %dma_wait3A_21 = tpu.memref_slice %arg4[%add3A_14] : memref<323584xi32, #tpu.memory_space<hbm>> -> memref<128xi32, #tpu.memory_space<hbm>>
        %dma_wait3A_22 = tpu.memref_slice %arg4[%add3A_14] : memref<323584xi32, #tpu.memory_space<hbm>> -> memref<128xi32, #tpu.memory_space<hbm>>
        tpu.wait_dma2 semaphore(%run_scoped3A : memref<!tpu.dma_semaphore, #tpu.memory_space<semaphore_mem>>) src(%dma_wait3A_22 : memref<128xi32, #tpu.memory_space<hbm>>) dst(%arg9 : memref<128xi32, #tpu.memory_space<vmem>>)
        tpu.yield
      }) : () -> ()
      %dma_start3A = arith.constant 0 : i32
      %dma_start3A_15 = arith.constant 0 : i32
      %dma_start3A_16 = tpu.memref_slice %arg2[%dma_start3A, %dma_start3A_15] : memref<100000x128xf32, #tpu.memory_space<hbm>> -> memref<100000x128xf32, #tpu.memory_space<hbm>>
      tpu.enqueue_indirect_dma source(%dma_start3A_16 : memref<100000x128xf32, #tpu.memory_space<hbm>>) target(%arg10 : memref<128x128xf32, #tpu.memory_space<vmem>>) offsets(%arg8 : memref<128xi32, #tpu.memory_space<vmem>>) semaphore(%arg11 : memref<!tpu.dma_semaphore, #tpu.memory_space<semaphore_mem>>)
      %dma_wait3A = arith.constant 0 : i32
      %dma_wait3A_17 = arith.constant 0 : i32
      %dma_wait3A_18 = tpu.memref_slice %arg2[%dma_wait3A, %dma_wait3A_17] : memref<100000x128xf32, #tpu.memory_space<hbm>> -> memref<100000x128xf32, #tpu.memory_space<hbm>>
      tpu.wait_indirect_dma semaphore(%arg11 : memref<!tpu.dma_semaphore, #tpu.memory_space<semaphore_mem>>) src(%dma_wait3A_18 : memref<100000x128xf32, #tpu.memory_space<hbm>>) dst(%arg10 : memref<128x128xf32, #tpu.memory_space<vmem>>)
      "tpu.region"() ({
        %run_scoped3A = tpu.sem_alloc : memref<!tpu.dma_semaphore, #tpu.memory_space<semaphore_mem>>
        %dma_start3A_19 = arith.constant 0 : i32
        %dma_start3A_20 = arith.constant 0 : i32
        %dma_start3A_21 = tpu.memref_slice %arg7[%dma_start3A_19, %dma_start3A_20] : memref<10112x128xf32, #tpu.memory_space<vmem_shared>> -> memref<10112x128xf32, #tpu.memory_space<vmem_shared>>
        tpu.enqueue_indirect_dma source(%arg10 : memref<128x128xf32, #tpu.memory_space<vmem>>) target(%dma_start3A_21 : memref<10112x128xf32, #tpu.memory_space<vmem_shared>>) offsets(%arg9 : memref<128xi32, #tpu.memory_space<vmem>>) semaphore(%run_scoped3A : memref<!tpu.dma_semaphore, #tpu.memory_space<semaphore_mem>>) {add = true}
        %dma_wait3A_22 = arith.constant 0 : i32
        %dma_wait3A_23 = arith.constant 0 : i32
        %dma_wait3A_24 = tpu.memref_slice %arg7[%dma_wait3A_22, %dma_wait3A_23] : memref<10112x128xf32, #tpu.memory_space<vmem_shared>> -> memref<10112x128xf32, #tpu.memory_space<vmem_shared>>
        tpu.wait_indirect_dma semaphore(%run_scoped3A : memref<!tpu.dma_semaphore, #tpu.memory_space<semaphore_mem>>) src(%arg10 : memref<128x128xf32, #tpu.memory_space<vmem>>) dst(%dma_wait3A_24 : memref<10112x128xf32, #tpu.memory_space<vmem_shared>>)
        tpu.yield
      }) : () -> ()
    }
    %scan3A_9 = arith.constant 79 : i32
    %barrier3A_10 = arith.constant 0 : index
    tpu.barrier barrier_id(%barrier3A_10)
    "tpu.region"() ({
      %run_scoped3A = tpu.sem_alloc : memref<!tpu.dma_semaphore, #tpu.memory_space<semaphore_mem>>
      %dma_start3A = arith.constant 0 : i32
      %dma_start3A_11 = tpu.memref_slice %arg6[%arg0, %mul3A_2, %dma_start3A] : memref<2x10112x128xf32, #tpu.memory_space<hbm>> -> memref<1x632x128xf32, #tpu.memory_space<hbm>>
      %dma_start3A_12 = tpu.memref_squeeze %dma_start3A_11 : memref<1x632x128xf32, #tpu.memory_space<hbm>> -> memref<632x128xf32, #tpu.memory_space<hbm>>
      %dma_start3A_13 = arith.constant 0 : i32
      %dma_start3A_14 = tpu.memref_slice %arg7[%mul3A_2, %dma_start3A_13] : memref<10112x128xf32, #tpu.memory_space<vmem_shared>> -> memref<632x128xf32, #tpu.memory_space<vmem_shared>>
      tpu.enqueue_dma source(%dma_start3A_14 : memref<632x128xf32, #tpu.memory_space<vmem_shared>>) target(%dma_start3A_12 : memref<632x128xf32, #tpu.memory_space<hbm>>) target_semaphore(%run_scoped3A : memref<!tpu.dma_semaphore, #tpu.memory_space<semaphore_mem>>)
      %dma_wait3A = arith.constant 0 : i32
      %dma_wait3A_15 = tpu.memref_slice %arg6[%arg0, %mul3A_2, %dma_wait3A] : memref<2x10112x128xf32, #tpu.memory_space<hbm>> -> memref<1x632x128xf32, #tpu.memory_space<hbm>>
      %dma_wait3A_16 = tpu.memref_squeeze %dma_wait3A_15 : memref<1x632x128xf32, #tpu.memory_space<hbm>> -> memref<632x128xf32, #tpu.memory_space<hbm>>
      %dma_wait3A_17 = arith.constant 0 : i32
      %dma_wait3A_18 = tpu.memref_slice %arg7[%mul3A_2, %dma_wait3A_17] : memref<10112x128xf32, #tpu.memory_space<vmem_shared>> -> memref<632x128xf32, #tpu.memory_space<vmem_shared>>
      tpu.wait_dma2 semaphore(%run_scoped3A : memref<!tpu.dma_semaphore, #tpu.memory_space<semaphore_mem>>) src(%dma_wait3A_18 : memref<632x128xf32, #tpu.memory_space<vmem_shared>>) dst(%dma_wait3A_16 : memref<632x128xf32, #tpu.memory_space<hbm>>)
      tpu.yield
    }) : () -> ()
    return
  }
}

#map = affine_map<(d0, d1) -> (0, 0)>
#map1 = affine_map<(d0, d1) -> (0)>
#map2 = affine_map<(d0, d1) -> (0, 0, 0)>
module attributes {stable_mosaic.version = 14 : i64} {
  func.func @sc_agg(%arg0: i32, %arg1: i32, %arg2: memref<100000x128xf32, #tpu.memory_space<hbm>>, %arg3: memref<323584xi32, #tpu.memory_space<hbm>>, %arg4: memref<323584xi32, #tpu.memory_space<hbm>>, %arg5: memref<10112x128xf32, #tpu.memory_space<hbm>>, %arg6: memref<2x10112x128xf32, #tpu.memory_space<hbm>>, %arg7: memref<10112x128xf32, #tpu.memory_space<vmem_shared>>, %arg8: memref<128xi32, #tpu.memory_space<vmem>>, %arg9: memref<128xi32, #tpu.memory_space<vmem>>, %arg10: memref<128x128xf32, #tpu.memory_space<vmem>>, %arg11: memref<!tpu.dma_semaphore, #tpu.memory_space<semaphore_mem>>) attributes {dimension_semantics = [#tpu.dimension_semantics<core_parallel>, #tpu.dimension_semantics<subcore_parallel>], iteration_bounds = array<i64: 2, 16>, scalar_prefetch = 0 : i64, scratch_operands = 5 : i64, tpu.core_type = #tpu.core_type<sc_vector_subcore>, window_params = [{transform_indices = #map}, {transform_indices = #map1}, {transform_indices = #map1}, {transform_indices = #map}, {transform_indices = #map2}]} {
    %mul3A = arith.constant 2 : i32
    %mul3A_0 = arith.muli %arg1, %mul3A : i32
    %add3A = arith.addi %mul3A_0, %arg0 : i32
    %mul3A_1 = arith.constant 632 : i32
    %mul3A_2 = arith.muli %arg1, %mul3A_1 : i32
    "tpu.region"() ({
      %run_scoped3A = tpu.sem_alloc : memref<!tpu.dma_semaphore, #tpu.memory_space<semaphore_mem>>
      %dma_start3A = arith.constant 0 : i32
      %dma_start3A_11 = tpu.memref_slice %arg7[%mul3A_2, %dma_start3A] : memref<10112x128xf32, #tpu.memory_space<vmem_shared>> -> memref<632x128xf32, #tpu.memory_space<vmem_shared>>
      %dma_start3A_12 = arith.constant 0 : i32
      %dma_start3A_13 = tpu.memref_slice %arg5[%mul3A_2, %dma_start3A_12] : memref<10112x128xf32, #tpu.memory_space<hbm>> -> memref<632x128xf32, #tpu.memory_space<hbm>>
      tpu.enqueue_dma source(%dma_start3A_13 : memref<632x128xf32, #tpu.memory_space<hbm>>) target(%dma_start3A_11 : memref<632x128xf32, #tpu.memory_space<vmem_shared>>) target_semaphore(%run_scoped3A : memref<!tpu.dma_semaphore, #tpu.memory_space<semaphore_mem>>)
      %dma_wait3A = arith.constant 0 : i32
      %dma_wait3A_14 = tpu.memref_slice %arg7[%mul3A_2, %dma_wait3A] : memref<10112x128xf32, #tpu.memory_space<vmem_shared>> -> memref<632x128xf32, #tpu.memory_space<vmem_shared>>
      %dma_wait3A_15 = arith.constant 0 : i32
      %dma_wait3A_16 = tpu.memref_slice %arg5[%mul3A_2, %dma_wait3A_15] : memref<10112x128xf32, #tpu.memory_space<hbm>> -> memref<632x128xf32, #tpu.memory_space<hbm>>
      tpu.wait_dma2 semaphore(%run_scoped3A : memref<!tpu.dma_semaphore, #tpu.memory_space<semaphore_mem>>) src(%dma_wait3A_16 : memref<632x128xf32, #tpu.memory_space<hbm>>) dst(%dma_wait3A_14 : memref<632x128xf32, #tpu.memory_space<vmem_shared>>)
      tpu.yield
    }) : () -> ()
    %barrier3A = arith.constant 0 : index
    tpu.barrier barrier_id(%barrier3A)
    %mul3A_3 = arith.constant 10112 : i32
    %mul3A_4 = arith.muli %add3A, %mul3A_3 : i32
    %scan3A = arith.constant 0 : i32
    %scan3A_5 = arith.constant 0 : i32
    %scan3A_6 = arith.constant 79 : i32
    %scan3A_7 = arith.addi %scan3A_5, %scan3A_6 : i32
    %scan3A_8 = arith.constant 1 : i32
    scf.for %scan3A_11 = %scan3A_5 to %scan3A_7 step %scan3A_8  : i32 {
      %mul3A_12 = arith.constant 128 : i32
      %mul3A_13 = arith.muli %scan3A_11, %mul3A_12 : i32
      %add3A_14 = arith.addi %mul3A_4, %mul3A_13 : i32
      "tpu.region"() ({
        %run_scoped3A = tpu.sem_alloc : memref<!tpu.dma_semaphore, #tpu.memory_space<semaphore_mem>>
        %dma_start3A_19 = tpu.memref_slice %arg3[%add3A_14] : memref<323584xi32, #tpu.memory_space<hbm>> -> memref<128xi32, #tpu.memory_space<hbm>>
        %dma_start3A_20 = tpu.memref_slice %arg3[%add3A_14] : memref<323584xi32, #tpu.memory_space<hbm>> -> memref<128xi32, #tpu.memory_space<hbm>>
        tpu.enqueue_dma source(%dma_start3A_20 : memref<128xi32, #tpu.memory_space<hbm>>) target(%arg8 : memref<128xi32, #tpu.memory_space<vmem>>) target_semaphore(%run_scoped3A : memref<!tpu.dma_semaphore, #tpu.memory_space<semaphore_mem>>)
        %dma_wait3A_21 = tpu.memref_slice %arg3[%add3A_14] : memref<323584xi32, #tpu.memory_space<hbm>> -> memref<128xi32, #tpu.memory_space<hbm>>
        %dma_wait3A_22 = tpu.memref_slice %arg3[%add3A_14] : memref<323584xi32, #tpu.memory_space<hbm>> -> memref<128xi32, #tpu.memory_space<hbm>>
        tpu.wait_dma2 semaphore(%run_scoped3A : memref<!tpu.dma_semaphore, #tpu.memory_space<semaphore_mem>>) src(%dma_wait3A_22 : memref<128xi32, #tpu.memory_space<hbm>>) dst(%arg8 : memref<128xi32, #tpu.memory_space<vmem>>)
        tpu.yield
      }) : () -> ()
      "tpu.region"() ({
        %run_scoped3A = tpu.sem_alloc : memref<!tpu.dma_semaphore, #tpu.memory_space<semaphore_mem>>
        %dma_start3A_19 = tpu.memref_slice %arg4[%add3A_14] : memref<323584xi32, #tpu.memory_space<hbm>> -> memref<128xi32, #tpu.memory_space<hbm>>
        %dma_start3A_20 = tpu.memref_slice %arg4[%add3A_14] : memref<323584xi32, #tpu.memory_space<hbm>> -> memref<128xi32, #tpu.memory_space<hbm>>
        tpu.enqueue_dma source(%dma_start3A_20 : memref<128xi32, #tpu.memory_space<hbm>>) target(%arg9 : memref<128xi32, #tpu.memory_space<vmem>>) target_semaphore(%run_scoped3A : memref<!tpu.dma_semaphore, #tpu.memory_space<semaphore_mem>>)
        %dma_wait3A_21 = tpu.memref_slice %arg4[%add3A_14] : memref<323584xi32, #tpu.memory_space<hbm>> -> memref<128xi32, #tpu.memory_space<hbm>>
        %dma_wait3A_22 = tpu.memref_slice %arg4[%add3A_14] : memref<323584xi32, #tpu.memory_space<hbm>> -> memref<128xi32, #tpu.memory_space<hbm>>
        tpu.wait_dma2 semaphore(%run_scoped3A : memref<!tpu.dma_semaphore, #tpu.memory_space<semaphore_mem>>) src(%dma_wait3A_22 : memref<128xi32, #tpu.memory_space<hbm>>) dst(%arg9 : memref<128xi32, #tpu.memory_space<vmem>>)
        tpu.yield
      }) : () -> ()
      %dma_start3A = arith.constant 0 : i32
      %dma_start3A_15 = arith.constant 0 : i32
      %dma_start3A_16 = tpu.memref_slice %arg2[%dma_start3A, %dma_start3A_15] : memref<100000x128xf32, #tpu.memory_space<hbm>> -> memref<100000x128xf32, #tpu.memory_space<hbm>>
      tpu.enqueue_indirect_dma source(%dma_start3A_16 : memref<100000x128xf32, #tpu.memory_space<hbm>>) target(%arg10 : memref<128x128xf32, #tpu.memory_space<vmem>>) offsets(%arg8 : memref<128xi32, #tpu.memory_space<vmem>>) semaphore(%arg11 : memref<!tpu.dma_semaphore, #tpu.memory_space<semaphore_mem>>)
      %dma_wait3A = arith.constant 0 : i32
      %dma_wait3A_17 = arith.constant 0 : i32
      %dma_wait3A_18 = tpu.memref_slice %arg2[%dma_wait3A, %dma_wait3A_17] : memref<100000x128xf32, #tpu.memory_space<hbm>> -> memref<100000x128xf32, #tpu.memory_space<hbm>>
      tpu.wait_indirect_dma semaphore(%arg11 : memref<!tpu.dma_semaphore, #tpu.memory_space<semaphore_mem>>) src(%dma_wait3A_18 : memref<100000x128xf32, #tpu.memory_space<hbm>>) dst(%arg10 : memref<128x128xf32, #tpu.memory_space<vmem>>)
      "tpu.region"() ({
        %run_scoped3A = tpu.sem_alloc : memref<!tpu.dma_semaphore, #tpu.memory_space<semaphore_mem>>
        %dma_start3A_19 = arith.constant 0 : i32
        %dma_start3A_20 = arith.constant 0 : i32
        %dma_start3A_21 = tpu.memref_slice %arg7[%dma_start3A_19, %dma_start3A_20] : memref<10112x128xf32, #tpu.memory_space<vmem_shared>> -> memref<10112x128xf32, #tpu.memory_space<vmem_shared>>
        tpu.enqueue_indirect_dma source(%arg10 : memref<128x128xf32, #tpu.memory_space<vmem>>) target(%dma_start3A_21 : memref<10112x128xf32, #tpu.memory_space<vmem_shared>>) offsets(%arg9 : memref<128xi32, #tpu.memory_space<vmem>>) semaphore(%run_scoped3A : memref<!tpu.dma_semaphore, #tpu.memory_space<semaphore_mem>>) {add = true}
        %dma_wait3A_22 = arith.constant 0 : i32
        %dma_wait3A_23 = arith.constant 0 : i32
        %dma_wait3A_24 = tpu.memref_slice %arg7[%dma_wait3A_22, %dma_wait3A_23] : memref<10112x128xf32, #tpu.memory_space<vmem_shared>> -> memref<10112x128xf32, #tpu.memory_space<vmem_shared>>
        tpu.wait_indirect_dma semaphore(%run_scoped3A : memref<!tpu.dma_semaphore, #tpu.memory_space<semaphore_mem>>) src(%arg10 : memref<128x128xf32, #tpu.memory_space<vmem>>) dst(%dma_wait3A_24 : memref<10112x128xf32, #tpu.memory_space<vmem_shared>>)
        tpu.yield
      }) : () -> ()
    }
    %scan3A_9 = arith.constant 79 : i32
    %barrier3A_10 = arith.constant 0 : index
    tpu.barrier barrier_id(%barrier3A_10)
    "tpu.region"() ({
      %run_scoped3A = tpu.sem_alloc : memref<!tpu.dma_semaphore, #tpu.memory_space<semaphore_mem>>
      %dma_start3A = arith.constant 0 : i32
      %dma_start3A_11 = tpu.memref_slice %arg6[%arg0, %mul3A_2, %dma_start3A] : memref<2x10112x128xf32, #tpu.memory_space<hbm>> -> memref<1x632x128xf32, #tpu.memory_space<hbm>>
      %dma_start3A_12 = tpu.memref_squeeze %dma_start3A_11 : memref<1x632x128xf32, #tpu.memory_space<hbm>> -> memref<632x128xf32, #tpu.memory_space<hbm>>
      %dma_start3A_13 = arith.constant 0 : i32
      %dma_start3A_14 = tpu.memref_slice %arg7[%mul3A_2, %dma_start3A_13] : memref<10112x128xf32, #tpu.memory_space<vmem_shared>> -> memref<632x128xf32, #tpu.memory_space<vmem_shared>>
      tpu.enqueue_dma source(%dma_start3A_14 : memref<632x128xf32, #tpu.memory_space<vmem_shared>>) target(%dma_start3A_12 : memref<632x128xf32, #tpu.memory_space<hbm>>) target_semaphore(%run_scoped3A : memref<!tpu.dma_semaphore, #tpu.memory_space<semaphore_mem>>)
      %dma_wait3A = arith.constant 0 : i32
      %dma_wait3A_15 = tpu.memref_slice %arg6[%arg0, %mul3A_2, %dma_wait3A] : memref<2x10112x128xf32, #tpu.memory_space<hbm>> -> memref<1x632x128xf32, #tpu.memory_space<hbm>>
      %dma_wait3A_16 = tpu.memref_squeeze %dma_wait3A_15 : memref<1x632x128xf32, #tpu.memory_space<hbm>> -> memref<632x128xf32, #tpu.memory_space<hbm>>
      %dma_wait3A_17 = arith.constant 0 : i32
      %dma_wait3A_18 = tpu.memref_slice %arg7[%mul3A_2, %dma_wait3A_17] : memref<10112x128xf32, #tpu.memory_space<vmem_shared>> -> memref<632x128xf32, #tpu.memory_space<vmem_shared>>
      tpu.wait_dma2 semaphore(%run_scoped3A : memref<!tpu.dma_semaphore, #tpu.memory_space<semaphore_mem>>) src(%dma_wait3A_18 : memref<632x128xf32, #tpu.memory_space<vmem_shared>>) dst(%dma_wait3A_16 : memref<632x128xf32, #tpu.memory_space<hbm>>)
      tpu.yield
    }) : () -> ()
    return
  }
}

#map = affine_map<(d0, d1) -> (0, 0)>
#map1 = affine_map<(d0, d1) -> (0)>
#map2 = affine_map<(d0, d1) -> (0, 0, 0)>
module attributes {stable_mosaic.version = 14 : i64} {
  func.func @sc_agg(%arg0: i32, %arg1: i32, %arg2: memref<100000x128xf32, #tpu.memory_space<hbm>>, %arg3: memref<323584xi32, #tpu.memory_space<hbm>>, %arg4: memref<323584xi32, #tpu.memory_space<hbm>>, %arg5: memref<10112x128xf32, #tpu.memory_space<hbm>>, %arg6: memref<2x10112x128xf32, #tpu.memory_space<hbm>>, %arg7: memref<10112x128xf32, #tpu.memory_space<vmem_shared>>, %arg8: memref<128xi32, #tpu.memory_space<vmem>>, %arg9: memref<128xi32, #tpu.memory_space<vmem>>, %arg10: memref<128x128xf32, #tpu.memory_space<vmem>>, %arg11: memref<!tpu.dma_semaphore, #tpu.memory_space<semaphore_mem>>) attributes {dimension_semantics = [#tpu.dimension_semantics<core_parallel>, #tpu.dimension_semantics<subcore_parallel>], iteration_bounds = array<i64: 2, 16>, scalar_prefetch = 0 : i64, scratch_operands = 5 : i64, tpu.core_type = #tpu.core_type<sc_vector_subcore>, window_params = [{transform_indices = #map}, {transform_indices = #map1}, {transform_indices = #map1}, {transform_indices = #map}, {transform_indices = #map2}]} {
    %mul3A = arith.constant 2 : i32
    %mul3A_0 = arith.muli %arg1, %mul3A : i32
    %add3A = arith.addi %mul3A_0, %arg0 : i32
    %mul3A_1 = arith.constant 632 : i32
    %mul3A_2 = arith.muli %arg1, %mul3A_1 : i32
    "tpu.region"() ({
      %run_scoped3A = tpu.sem_alloc : memref<!tpu.dma_semaphore, #tpu.memory_space<semaphore_mem>>
      %dma_start3A = arith.constant 0 : i32
      %dma_start3A_11 = tpu.memref_slice %arg7[%mul3A_2, %dma_start3A] : memref<10112x128xf32, #tpu.memory_space<vmem_shared>> -> memref<632x128xf32, #tpu.memory_space<vmem_shared>>
      %dma_start3A_12 = arith.constant 0 : i32
      %dma_start3A_13 = tpu.memref_slice %arg5[%mul3A_2, %dma_start3A_12] : memref<10112x128xf32, #tpu.memory_space<hbm>> -> memref<632x128xf32, #tpu.memory_space<hbm>>
      tpu.enqueue_dma source(%dma_start3A_13 : memref<632x128xf32, #tpu.memory_space<hbm>>) target(%dma_start3A_11 : memref<632x128xf32, #tpu.memory_space<vmem_shared>>) target_semaphore(%run_scoped3A : memref<!tpu.dma_semaphore, #tpu.memory_space<semaphore_mem>>)
      %dma_wait3A = arith.constant 0 : i32
      %dma_wait3A_14 = tpu.memref_slice %arg7[%mul3A_2, %dma_wait3A] : memref<10112x128xf32, #tpu.memory_space<vmem_shared>> -> memref<632x128xf32, #tpu.memory_space<vmem_shared>>
      %dma_wait3A_15 = arith.constant 0 : i32
      %dma_wait3A_16 = tpu.memref_slice %arg5[%mul3A_2, %dma_wait3A_15] : memref<10112x128xf32, #tpu.memory_space<hbm>> -> memref<632x128xf32, #tpu.memory_space<hbm>>
      tpu.wait_dma2 semaphore(%run_scoped3A : memref<!tpu.dma_semaphore, #tpu.memory_space<semaphore_mem>>) src(%dma_wait3A_16 : memref<632x128xf32, #tpu.memory_space<hbm>>) dst(%dma_wait3A_14 : memref<632x128xf32, #tpu.memory_space<vmem_shared>>)
      tpu.yield
    }) : () -> ()
    %barrier3A = arith.constant 0 : index
    tpu.barrier barrier_id(%barrier3A)
    %mul3A_3 = arith.constant 10112 : i32
    %mul3A_4 = arith.muli %add3A, %mul3A_3 : i32
    %scan3A = arith.constant 0 : i32
    %scan3A_5 = arith.constant 0 : i32
    %scan3A_6 = arith.constant 79 : i32
    %scan3A_7 = arith.addi %scan3A_5, %scan3A_6 : i32
    %scan3A_8 = arith.constant 1 : i32
    scf.for %scan3A_11 = %scan3A_5 to %scan3A_7 step %scan3A_8  : i32 {
      %mul3A_12 = arith.constant 128 : i32
      %mul3A_13 = arith.muli %scan3A_11, %mul3A_12 : i32
      %add3A_14 = arith.addi %mul3A_4, %mul3A_13 : i32
      "tpu.region"() ({
        %run_scoped3A = tpu.sem_alloc : memref<!tpu.dma_semaphore, #tpu.memory_space<semaphore_mem>>
        %dma_start3A_19 = tpu.memref_slice %arg3[%add3A_14] : memref<323584xi32, #tpu.memory_space<hbm>> -> memref<128xi32, #tpu.memory_space<hbm>>
        %dma_start3A_20 = tpu.memref_slice %arg3[%add3A_14] : memref<323584xi32, #tpu.memory_space<hbm>> -> memref<128xi32, #tpu.memory_space<hbm>>
        tpu.enqueue_dma source(%dma_start3A_20 : memref<128xi32, #tpu.memory_space<hbm>>) target(%arg8 : memref<128xi32, #tpu.memory_space<vmem>>) target_semaphore(%run_scoped3A : memref<!tpu.dma_semaphore, #tpu.memory_space<semaphore_mem>>)
        %dma_wait3A_21 = tpu.memref_slice %arg3[%add3A_14] : memref<323584xi32, #tpu.memory_space<hbm>> -> memref<128xi32, #tpu.memory_space<hbm>>
        %dma_wait3A_22 = tpu.memref_slice %arg3[%add3A_14] : memref<323584xi32, #tpu.memory_space<hbm>> -> memref<128xi32, #tpu.memory_space<hbm>>
        tpu.wait_dma2 semaphore(%run_scoped3A : memref<!tpu.dma_semaphore, #tpu.memory_space<semaphore_mem>>) src(%dma_wait3A_22 : memref<128xi32, #tpu.memory_space<hbm>>) dst(%arg8 : memref<128xi32, #tpu.memory_space<vmem>>)
        tpu.yield
      }) : () -> ()
      "tpu.region"() ({
        %run_scoped3A = tpu.sem_alloc : memref<!tpu.dma_semaphore, #tpu.memory_space<semaphore_mem>>
        %dma_start3A_19 = tpu.memref_slice %arg4[%add3A_14] : memref<323584xi32, #tpu.memory_space<hbm>> -> memref<128xi32, #tpu.memory_space<hbm>>
        %dma_start3A_20 = tpu.memref_slice %arg4[%add3A_14] : memref<323584xi32, #tpu.memory_space<hbm>> -> memref<128xi32, #tpu.memory_space<hbm>>
        tpu.enqueue_dma source(%dma_start3A_20 : memref<128xi32, #tpu.memory_space<hbm>>) target(%arg9 : memref<128xi32, #tpu.memory_space<vmem>>) target_semaphore(%run_scoped3A : memref<!tpu.dma_semaphore, #tpu.memory_space<semaphore_mem>>)
        %dma_wait3A_21 = tpu.memref_slice %arg4[%add3A_14] : memref<323584xi32, #tpu.memory_space<hbm>> -> memref<128xi32, #tpu.memory_space<hbm>>
        %dma_wait3A_22 = tpu.memref_slice %arg4[%add3A_14] : memref<323584xi32, #tpu.memory_space<hbm>> -> memref<128xi32, #tpu.memory_space<hbm>>
        tpu.wait_dma2 semaphore(%run_scoped3A : memref<!tpu.dma_semaphore, #tpu.memory_space<semaphore_mem>>) src(%dma_wait3A_22 : memref<128xi32, #tpu.memory_space<hbm>>) dst(%arg9 : memref<128xi32, #tpu.memory_space<vmem>>)
        tpu.yield
      }) : () -> ()
      %dma_start3A = arith.constant 0 : i32
      %dma_start3A_15 = arith.constant 0 : i32
      %dma_start3A_16 = tpu.memref_slice %arg2[%dma_start3A, %dma_start3A_15] : memref<100000x128xf32, #tpu.memory_space<hbm>> -> memref<100000x128xf32, #tpu.memory_space<hbm>>
      tpu.enqueue_indirect_dma source(%dma_start3A_16 : memref<100000x128xf32, #tpu.memory_space<hbm>>) target(%arg10 : memref<128x128xf32, #tpu.memory_space<vmem>>) offsets(%arg8 : memref<128xi32, #tpu.memory_space<vmem>>) semaphore(%arg11 : memref<!tpu.dma_semaphore, #tpu.memory_space<semaphore_mem>>)
      %dma_wait3A = arith.constant 0 : i32
      %dma_wait3A_17 = arith.constant 0 : i32
      %dma_wait3A_18 = tpu.memref_slice %arg2[%dma_wait3A, %dma_wait3A_17] : memref<100000x128xf32, #tpu.memory_space<hbm>> -> memref<100000x128xf32, #tpu.memory_space<hbm>>
      tpu.wait_indirect_dma semaphore(%arg11 : memref<!tpu.dma_semaphore, #tpu.memory_space<semaphore_mem>>) src(%dma_wait3A_18 : memref<100000x128xf32, #tpu.memory_space<hbm>>) dst(%arg10 : memref<128x128xf32, #tpu.memory_space<vmem>>)
      "tpu.region"() ({
        %run_scoped3A = tpu.sem_alloc : memref<!tpu.dma_semaphore, #tpu.memory_space<semaphore_mem>>
        %dma_start3A_19 = arith.constant 0 : i32
        %dma_start3A_20 = arith.constant 0 : i32
        %dma_start3A_21 = tpu.memref_slice %arg7[%dma_start3A_19, %dma_start3A_20] : memref<10112x128xf32, #tpu.memory_space<vmem_shared>> -> memref<10112x128xf32, #tpu.memory_space<vmem_shared>>
        tpu.enqueue_indirect_dma source(%arg10 : memref<128x128xf32, #tpu.memory_space<vmem>>) target(%dma_start3A_21 : memref<10112x128xf32, #tpu.memory_space<vmem_shared>>) offsets(%arg9 : memref<128xi32, #tpu.memory_space<vmem>>) semaphore(%run_scoped3A : memref<!tpu.dma_semaphore, #tpu.memory_space<semaphore_mem>>) {add = true}
        %dma_wait3A_22 = arith.constant 0 : i32
        %dma_wait3A_23 = arith.constant 0 : i32
        %dma_wait3A_24 = tpu.memref_slice %arg7[%dma_wait3A_22, %dma_wait3A_23] : memref<10112x128xf32, #tpu.memory_space<vmem_shared>> -> memref<10112x128xf32, #tpu.memory_space<vmem_shared>>
        tpu.wait_indirect_dma semaphore(%run_scoped3A : memref<!tpu.dma_semaphore, #tpu.memory_space<semaphore_mem>>) src(%arg10 : memref<128x128xf32, #tpu.memory_space<vmem>>) dst(%dma_wait3A_24 : memref<10112x128xf32, #tpu.memory_space<vmem_shared>>)
        tpu.yield
      }) : () -> ()
    }
    %scan3A_9 = arith.constant 79 : i32
    %barrier3A_10 = arith.constant 0 : index
    tpu.barrier barrier_id(%barrier3A_10)
    "tpu.region"() ({
      %run_scoped3A = tpu.sem_alloc : memref<!tpu.dma_semaphore, #tpu.memory_space<semaphore_mem>>
      %dma_start3A = arith.constant 0 : i32
      %dma_start3A_11 = tpu.memref_slice %arg6[%arg0, %mul3A_2, %dma_start3A] : memref<2x10112x128xf32, #tpu.memory_space<hbm>> -> memref<1x632x128xf32, #tpu.memory_space<hbm>>
      %dma_start3A_12 = tpu.memref_squeeze %dma_start3A_11 : memref<1x632x128xf32, #tpu.memory_space<hbm>> -> memref<632x128xf32, #tpu.memory_space<hbm>>
      %dma_start3A_13 = arith.constant 0 : i32
      %dma_start3A_14 = tpu.memref_slice %arg7[%mul3A_2, %dma_start3A_13] : memref<10112x128xf32, #tpu.memory_space<vmem_shared>> -> memref<632x128xf32, #tpu.memory_space<vmem_shared>>
      tpu.enqueue_dma source(%dma_start3A_14 : memref<632x128xf32, #tpu.memory_space<vmem_shared>>) target(%dma_start3A_12 : memref<632x128xf32, #tpu.memory_space<hbm>>) target_semaphore(%run_scoped3A : memref<!tpu.dma_semaphore, #tpu.memory_space<semaphore_mem>>)
      %dma_wait3A = arith.constant 0 : i32
      %dma_wait3A_15 = tpu.memref_slice %arg6[%arg0, %mul3A_2, %dma_wait3A] : memref<2x10112x128xf32, #tpu.memory_space<hbm>> -> memref<1x632x128xf32, #tpu.memory_space<hbm>>
      %dma_wait3A_16 = tpu.memref_squeeze %dma_wait3A_15 : memref<1x632x128xf32, #tpu.memory_space<hbm>> -> memref<632x128xf32, #tpu.memory_space<hbm>>
      %dma_wait3A_17 = arith.constant 0 : i32
      %dma_wait3A_18 = tpu.memref_slice %arg7[%mul3A_2, %dma_wait3A_17] : memref<10112x128xf32, #tpu.memory_space<vmem_shared>> -> memref<632x128xf32, #tpu.memory_space<vmem_shared>>
      tpu.wait_dma2 semaphore(%run_scoped3A : memref<!tpu.dma_semaphore, #tpu.memory_space<semaphore_mem>>) src(%dma_wait3A_18 : memref<632x128xf32, #tpu.memory_space<vmem_shared>>) dst(%dma_wait3A_16 : memref<632x128xf32, #tpu.memory_space<hbm>>)
      tpu.yield
    }) : () -> ()
    return
  }
}

#map = affine_map<(d0, d1) -> (0, 0)>
#map1 = affine_map<(d0, d1) -> (0)>
#map2 = affine_map<(d0, d1) -> (0, 0, 0)>
module attributes {stable_mosaic.version = 14 : i64} {
  func.func @sc_agg(%arg0: i32, %arg1: i32, %arg2: memref<100000x128xf32, #tpu.memory_space<hbm>>, %arg3: memref<323584xi32, #tpu.memory_space<hbm>>, %arg4: memref<323584xi32, #tpu.memory_space<hbm>>, %arg5: memref<10112x128xf32, #tpu.memory_space<hbm>>, %arg6: memref<2x10112x128xf32, #tpu.memory_space<hbm>>, %arg7: memref<10112x128xf32, #tpu.memory_space<vmem_shared>>, %arg8: memref<128xi32, #tpu.memory_space<vmem>>, %arg9: memref<128xi32, #tpu.memory_space<vmem>>, %arg10: memref<128x128xf32, #tpu.memory_space<vmem>>, %arg11: memref<!tpu.dma_semaphore, #tpu.memory_space<semaphore_mem>>) attributes {dimension_semantics = [#tpu.dimension_semantics<core_parallel>, #tpu.dimension_semantics<subcore_parallel>], iteration_bounds = array<i64: 2, 16>, scalar_prefetch = 0 : i64, scratch_operands = 5 : i64, tpu.core_type = #tpu.core_type<sc_vector_subcore>, window_params = [{transform_indices = #map}, {transform_indices = #map1}, {transform_indices = #map1}, {transform_indices = #map}, {transform_indices = #map2}]} {
    %mul3A = arith.constant 2 : i32
    %mul3A_0 = arith.muli %arg1, %mul3A : i32
    %add3A = arith.addi %mul3A_0, %arg0 : i32
    %mul3A_1 = arith.constant 632 : i32
    %mul3A_2 = arith.muli %arg1, %mul3A_1 : i32
    "tpu.region"() ({
      %run_scoped3A = tpu.sem_alloc : memref<!tpu.dma_semaphore, #tpu.memory_space<semaphore_mem>>
      %dma_start3A = arith.constant 0 : i32
      %dma_start3A_11 = tpu.memref_slice %arg7[%mul3A_2, %dma_start3A] : memref<10112x128xf32, #tpu.memory_space<vmem_shared>> -> memref<632x128xf32, #tpu.memory_space<vmem_shared>>
      %dma_start3A_12 = arith.constant 0 : i32
      %dma_start3A_13 = tpu.memref_slice %arg5[%mul3A_2, %dma_start3A_12] : memref<10112x128xf32, #tpu.memory_space<hbm>> -> memref<632x128xf32, #tpu.memory_space<hbm>>
      tpu.enqueue_dma source(%dma_start3A_13 : memref<632x128xf32, #tpu.memory_space<hbm>>) target(%dma_start3A_11 : memref<632x128xf32, #tpu.memory_space<vmem_shared>>) target_semaphore(%run_scoped3A : memref<!tpu.dma_semaphore, #tpu.memory_space<semaphore_mem>>)
      %dma_wait3A = arith.constant 0 : i32
      %dma_wait3A_14 = tpu.memref_slice %arg7[%mul3A_2, %dma_wait3A] : memref<10112x128xf32, #tpu.memory_space<vmem_shared>> -> memref<632x128xf32, #tpu.memory_space<vmem_shared>>
      %dma_wait3A_15 = arith.constant 0 : i32
      %dma_wait3A_16 = tpu.memref_slice %arg5[%mul3A_2, %dma_wait3A_15] : memref<10112x128xf32, #tpu.memory_space<hbm>> -> memref<632x128xf32, #tpu.memory_space<hbm>>
      tpu.wait_dma2 semaphore(%run_scoped3A : memref<!tpu.dma_semaphore, #tpu.memory_space<semaphore_mem>>) src(%dma_wait3A_16 : memref<632x128xf32, #tpu.memory_space<hbm>>) dst(%dma_wait3A_14 : memref<632x128xf32, #tpu.memory_space<vmem_shared>>)
      tpu.yield
    }) : () -> ()
    %barrier3A = arith.constant 0 : index
    tpu.barrier barrier_id(%barrier3A)
    %mul3A_3 = arith.constant 10112 : i32
    %mul3A_4 = arith.muli %add3A, %mul3A_3 : i32
    %scan3A = arith.constant 0 : i32
    %scan3A_5 = arith.constant 0 : i32
    %scan3A_6 = arith.constant 79 : i32
    %scan3A_7 = arith.addi %scan3A_5, %scan3A_6 : i32
    %scan3A_8 = arith.constant 1 : i32
    scf.for %scan3A_11 = %scan3A_5 to %scan3A_7 step %scan3A_8  : i32 {
      %mul3A_12 = arith.constant 128 : i32
      %mul3A_13 = arith.muli %scan3A_11, %mul3A_12 : i32
      %add3A_14 = arith.addi %mul3A_4, %mul3A_13 : i32
      "tpu.region"() ({
        %run_scoped3A = tpu.sem_alloc : memref<!tpu.dma_semaphore, #tpu.memory_space<semaphore_mem>>
        %dma_start3A_19 = tpu.memref_slice %arg3[%add3A_14] : memref<323584xi32, #tpu.memory_space<hbm>> -> memref<128xi32, #tpu.memory_space<hbm>>
        %dma_start3A_20 = tpu.memref_slice %arg3[%add3A_14] : memref<323584xi32, #tpu.memory_space<hbm>> -> memref<128xi32, #tpu.memory_space<hbm>>
        tpu.enqueue_dma source(%dma_start3A_20 : memref<128xi32, #tpu.memory_space<hbm>>) target(%arg8 : memref<128xi32, #tpu.memory_space<vmem>>) target_semaphore(%run_scoped3A : memref<!tpu.dma_semaphore, #tpu.memory_space<semaphore_mem>>)
        %dma_wait3A_21 = tpu.memref_slice %arg3[%add3A_14] : memref<323584xi32, #tpu.memory_space<hbm>> -> memref<128xi32, #tpu.memory_space<hbm>>
        %dma_wait3A_22 = tpu.memref_slice %arg3[%add3A_14] : memref<323584xi32, #tpu.memory_space<hbm>> -> memref<128xi32, #tpu.memory_space<hbm>>
        tpu.wait_dma2 semaphore(%run_scoped3A : memref<!tpu.dma_semaphore, #tpu.memory_space<semaphore_mem>>) src(%dma_wait3A_22 : memref<128xi32, #tpu.memory_space<hbm>>) dst(%arg8 : memref<128xi32, #tpu.memory_space<vmem>>)
        tpu.yield
      }) : () -> ()
      "tpu.region"() ({
        %run_scoped3A = tpu.sem_alloc : memref<!tpu.dma_semaphore, #tpu.memory_space<semaphore_mem>>
        %dma_start3A_19 = tpu.memref_slice %arg4[%add3A_14] : memref<323584xi32, #tpu.memory_space<hbm>> -> memref<128xi32, #tpu.memory_space<hbm>>
        %dma_start3A_20 = tpu.memref_slice %arg4[%add3A_14] : memref<323584xi32, #tpu.memory_space<hbm>> -> memref<128xi32, #tpu.memory_space<hbm>>
        tpu.enqueue_dma source(%dma_start3A_20 : memref<128xi32, #tpu.memory_space<hbm>>) target(%arg9 : memref<128xi32, #tpu.memory_space<vmem>>) target_semaphore(%run_scoped3A : memref<!tpu.dma_semaphore, #tpu.memory_space<semaphore_mem>>)
        %dma_wait3A_21 = tpu.memref_slice %arg4[%add3A_14] : memref<323584xi32, #tpu.memory_space<hbm>> -> memref<128xi32, #tpu.memory_space<hbm>>
        %dma_wait3A_22 = tpu.memref_slice %arg4[%add3A_14] : memref<323584xi32, #tpu.memory_space<hbm>> -> memref<128xi32, #tpu.memory_space<hbm>>
        tpu.wait_dma2 semaphore(%run_scoped3A : memref<!tpu.dma_semaphore, #tpu.memory_space<semaphore_mem>>) src(%dma_wait3A_22 : memref<128xi32, #tpu.memory_space<hbm>>) dst(%arg9 : memref<128xi32, #tpu.memory_space<vmem>>)
        tpu.yield
      }) : () -> ()
      %dma_start3A = arith.constant 0 : i32
      %dma_start3A_15 = arith.constant 0 : i32
      %dma_start3A_16 = tpu.memref_slice %arg2[%dma_start3A, %dma_start3A_15] : memref<100000x128xf32, #tpu.memory_space<hbm>> -> memref<100000x128xf32, #tpu.memory_space<hbm>>
      tpu.enqueue_indirect_dma source(%dma_start3A_16 : memref<100000x128xf32, #tpu.memory_space<hbm>>) target(%arg10 : memref<128x128xf32, #tpu.memory_space<vmem>>) offsets(%arg8 : memref<128xi32, #tpu.memory_space<vmem>>) semaphore(%arg11 : memref<!tpu.dma_semaphore, #tpu.memory_space<semaphore_mem>>)
      %dma_wait3A = arith.constant 0 : i32
      %dma_wait3A_17 = arith.constant 0 : i32
      %dma_wait3A_18 = tpu.memref_slice %arg2[%dma_wait3A, %dma_wait3A_17] : memref<100000x128xf32, #tpu.memory_space<hbm>> -> memref<100000x128xf32, #tpu.memory_space<hbm>>
      tpu.wait_indirect_dma semaphore(%arg11 : memref<!tpu.dma_semaphore, #tpu.memory_space<semaphore_mem>>) src(%dma_wait3A_18 : memref<100000x128xf32, #tpu.memory_space<hbm>>) dst(%arg10 : memref<128x128xf32, #tpu.memory_space<vmem>>)
      "tpu.region"() ({
        %run_scoped3A = tpu.sem_alloc : memref<!tpu.dma_semaphore, #tpu.memory_space<semaphore_mem>>
        %dma_start3A_19 = arith.constant 0 : i32
        %dma_start3A_20 = arith.constant 0 : i32
        %dma_start3A_21 = tpu.memref_slice %arg7[%dma_start3A_19, %dma_start3A_20] : memref<10112x128xf32, #tpu.memory_space<vmem_shared>> -> memref<10112x128xf32, #tpu.memory_space<vmem_shared>>
        tpu.enqueue_indirect_dma source(%arg10 : memref<128x128xf32, #tpu.memory_space<vmem>>) target(%dma_start3A_21 : memref<10112x128xf32, #tpu.memory_space<vmem_shared>>) offsets(%arg9 : memref<128xi32, #tpu.memory_space<vmem>>) semaphore(%run_scoped3A : memref<!tpu.dma_semaphore, #tpu.memory_space<semaphore_mem>>) {add = true}
        %dma_wait3A_22 = arith.constant 0 : i32
        %dma_wait3A_23 = arith.constant 0 : i32
        %dma_wait3A_24 = tpu.memref_slice %arg7[%dma_wait3A_22, %dma_wait3A_23] : memref<10112x128xf32, #tpu.memory_space<vmem_shared>> -> memref<10112x128xf32, #tpu.memory_space<vmem_shared>>
        tpu.wait_indirect_dma semaphore(%run_scoped3A : memref<!tpu.dma_semaphore, #tpu.memory_space<semaphore_mem>>) src(%arg10 : memref<128x128xf32, #tpu.memory_space<vmem>>) dst(%dma_wait3A_24 : memref<10112x128xf32, #tpu.memory_space<vmem_shared>>)
        tpu.yield
      }) : () -> ()
    }
    %scan3A_9 = arith.constant 79 : i32
    %barrier3A_10 = arith.constant 0 : index
    tpu.barrier barrier_id(%barrier3A_10)
    "tpu.region"() ({
      %run_scoped3A = tpu.sem_alloc : memref<!tpu.dma_semaphore, #tpu.memory_space<semaphore_mem>>
      %dma_start3A = arith.constant 0 : i32
      %dma_start3A_11 = tpu.memref_slice %arg6[%arg0, %mul3A_2, %dma_start3A] : memref<2x10112x128xf32, #tpu.memory_space<hbm>> -> memref<1x632x128xf32, #tpu.memory_space<hbm>>
      %dma_start3A_12 = tpu.memref_squeeze %dma_start3A_11 : memref<1x632x128xf32, #tpu.memory_space<hbm>> -> memref<632x128xf32, #tpu.memory_space<hbm>>
      %dma_start3A_13 = arith.constant 0 : i32
      %dma_start3A_14 = tpu.memref_slice %arg7[%mul3A_2, %dma_start3A_13] : memref<10112x128xf32, #tpu.memory_space<vmem_shared>> -> memref<632x128xf32, #tpu.memory_space<vmem_shared>>
      tpu.enqueue_dma source(%dma_start3A_14 : memref<632x128xf32, #tpu.memory_space<vmem_shared>>) target(%dma_start3A_12 : memref<632x128xf32, #tpu.memory_space<hbm>>) target_semaphore(%run_scoped3A : memref<!tpu.dma_semaphore, #tpu.memory_space<semaphore_mem>>)
      %dma_wait3A = arith.constant 0 : i32
      %dma_wait3A_15 = tpu.memref_slice %arg6[%arg0, %mul3A_2, %dma_wait3A] : memref<2x10112x128xf32, #tpu.memory_space<hbm>> -> memref<1x632x128xf32, #tpu.memory_space<hbm>>
      %dma_wait3A_16 = tpu.memref_squeeze %dma_wait3A_15 : memref<1x632x128xf32, #tpu.memory_space<hbm>> -> memref<632x128xf32, #tpu.memory_space<hbm>>
      %dma_wait3A_17 = arith.constant 0 : i32
      %dma_wait3A_18 = tpu.memref_slice %arg7[%mul3A_2, %dma_wait3A_17] : memref<10112x128xf32, #tpu.memory_space<vmem_shared>> -> memref<632x128xf32, #tpu.memory_space<vmem_shared>>
      tpu.wait_dma2 semaphore(%run_scoped3A : memref<!tpu.dma_semaphore, #tpu.memory_space<semaphore_mem>>) src(%dma_wait3A_18 : memref<632x128xf32, #tpu.memory_space<vmem_shared>>) dst(%dma_wait3A_16 : memref<632x128xf32, #tpu.memory_space<hbm>>)
      tpu.yield
    }) : () -> ()
    return
  }
}

#map = affine_map<(d0, d1) -> (0, 0)>
#map1 = affine_map<(d0, d1) -> (0)>
#map2 = affine_map<(d0, d1) -> (0, 0, 0)>
module attributes {stable_mosaic.version = 14 : i64} {
  func.func @sc_agg(%arg0: i32, %arg1: i32, %arg2: memref<100000x128xf32, #tpu.memory_space<hbm>>, %arg3: memref<323584xi32, #tpu.memory_space<hbm>>, %arg4: memref<323584xi32, #tpu.memory_space<hbm>>, %arg5: memref<10112x128xf32, #tpu.memory_space<hbm>>, %arg6: memref<2x10112x128xf32, #tpu.memory_space<hbm>>, %arg7: memref<10112x128xf32, #tpu.memory_space<vmem_shared>>, %arg8: memref<128xi32, #tpu.memory_space<vmem>>, %arg9: memref<128xi32, #tpu.memory_space<vmem>>, %arg10: memref<128x128xf32, #tpu.memory_space<vmem>>, %arg11: memref<!tpu.dma_semaphore, #tpu.memory_space<semaphore_mem>>) attributes {dimension_semantics = [#tpu.dimension_semantics<core_parallel>, #tpu.dimension_semantics<subcore_parallel>], iteration_bounds = array<i64: 2, 16>, scalar_prefetch = 0 : i64, scratch_operands = 5 : i64, tpu.core_type = #tpu.core_type<sc_vector_subcore>, window_params = [{transform_indices = #map}, {transform_indices = #map1}, {transform_indices = #map1}, {transform_indices = #map}, {transform_indices = #map2}]} {
    %mul3A = arith.constant 2 : i32
    %mul3A_0 = arith.muli %arg1, %mul3A : i32
    %add3A = arith.addi %mul3A_0, %arg0 : i32
    %mul3A_1 = arith.constant 632 : i32
    %mul3A_2 = arith.muli %arg1, %mul3A_1 : i32
    "tpu.region"() ({
      %run_scoped3A = tpu.sem_alloc : memref<!tpu.dma_semaphore, #tpu.memory_space<semaphore_mem>>
      %dma_start3A = arith.constant 0 : i32
      %dma_start3A_11 = tpu.memref_slice %arg7[%mul3A_2, %dma_start3A] : memref<10112x128xf32, #tpu.memory_space<vmem_shared>> -> memref<632x128xf32, #tpu.memory_space<vmem_shared>>
      %dma_start3A_12 = arith.constant 0 : i32
      %dma_start3A_13 = tpu.memref_slice %arg5[%mul3A_2, %dma_start3A_12] : memref<10112x128xf32, #tpu.memory_space<hbm>> -> memref<632x128xf32, #tpu.memory_space<hbm>>
      tpu.enqueue_dma source(%dma_start3A_13 : memref<632x128xf32, #tpu.memory_space<hbm>>) target(%dma_start3A_11 : memref<632x128xf32, #tpu.memory_space<vmem_shared>>) target_semaphore(%run_scoped3A : memref<!tpu.dma_semaphore, #tpu.memory_space<semaphore_mem>>)
      %dma_wait3A = arith.constant 0 : i32
      %dma_wait3A_14 = tpu.memref_slice %arg7[%mul3A_2, %dma_wait3A] : memref<10112x128xf32, #tpu.memory_space<vmem_shared>> -> memref<632x128xf32, #tpu.memory_space<vmem_shared>>
      %dma_wait3A_15 = arith.constant 0 : i32
      %dma_wait3A_16 = tpu.memref_slice %arg5[%mul3A_2, %dma_wait3A_15] : memref<10112x128xf32, #tpu.memory_space<hbm>> -> memref<632x128xf32, #tpu.memory_space<hbm>>
      tpu.wait_dma2 semaphore(%run_scoped3A : memref<!tpu.dma_semaphore, #tpu.memory_space<semaphore_mem>>) src(%dma_wait3A_16 : memref<632x128xf32, #tpu.memory_space<hbm>>) dst(%dma_wait3A_14 : memref<632x128xf32, #tpu.memory_space<vmem_shared>>)
      tpu.yield
    }) : () -> ()
    %barrier3A = arith.constant 0 : index
    tpu.barrier barrier_id(%barrier3A)
    %mul3A_3 = arith.constant 10112 : i32
    %mul3A_4 = arith.muli %add3A, %mul3A_3 : i32
    %scan3A = arith.constant 0 : i32
    %scan3A_5 = arith.constant 0 : i32
    %scan3A_6 = arith.constant 79 : i32
    %scan3A_7 = arith.addi %scan3A_5, %scan3A_6 : i32
    %scan3A_8 = arith.constant 1 : i32
    scf.for %scan3A_11 = %scan3A_5 to %scan3A_7 step %scan3A_8  : i32 {
      %mul3A_12 = arith.constant 128 : i32
      %mul3A_13 = arith.muli %scan3A_11, %mul3A_12 : i32
      %add3A_14 = arith.addi %mul3A_4, %mul3A_13 : i32
      "tpu.region"() ({
        %run_scoped3A = tpu.sem_alloc : memref<!tpu.dma_semaphore, #tpu.memory_space<semaphore_mem>>
        %dma_start3A_19 = tpu.memref_slice %arg3[%add3A_14] : memref<323584xi32, #tpu.memory_space<hbm>> -> memref<128xi32, #tpu.memory_space<hbm>>
        %dma_start3A_20 = tpu.memref_slice %arg3[%add3A_14] : memref<323584xi32, #tpu.memory_space<hbm>> -> memref<128xi32, #tpu.memory_space<hbm>>
        tpu.enqueue_dma source(%dma_start3A_20 : memref<128xi32, #tpu.memory_space<hbm>>) target(%arg8 : memref<128xi32, #tpu.memory_space<vmem>>) target_semaphore(%run_scoped3A : memref<!tpu.dma_semaphore, #tpu.memory_space<semaphore_mem>>)
        %dma_wait3A_21 = tpu.memref_slice %arg3[%add3A_14] : memref<323584xi32, #tpu.memory_space<hbm>> -> memref<128xi32, #tpu.memory_space<hbm>>
        %dma_wait3A_22 = tpu.memref_slice %arg3[%add3A_14] : memref<323584xi32, #tpu.memory_space<hbm>> -> memref<128xi32, #tpu.memory_space<hbm>>
        tpu.wait_dma2 semaphore(%run_scoped3A : memref<!tpu.dma_semaphore, #tpu.memory_space<semaphore_mem>>) src(%dma_wait3A_22 : memref<128xi32, #tpu.memory_space<hbm>>) dst(%arg8 : memref<128xi32, #tpu.memory_space<vmem>>)
        tpu.yield
      }) : () -> ()
      "tpu.region"() ({
        %run_scoped3A = tpu.sem_alloc : memref<!tpu.dma_semaphore, #tpu.memory_space<semaphore_mem>>
        %dma_start3A_19 = tpu.memref_slice %arg4[%add3A_14] : memref<323584xi32, #tpu.memory_space<hbm>> -> memref<128xi32, #tpu.memory_space<hbm>>
        %dma_start3A_20 = tpu.memref_slice %arg4[%add3A_14] : memref<323584xi32, #tpu.memory_space<hbm>> -> memref<128xi32, #tpu.memory_space<hbm>>
        tpu.enqueue_dma source(%dma_start3A_20 : memref<128xi32, #tpu.memory_space<hbm>>) target(%arg9 : memref<128xi32, #tpu.memory_space<vmem>>) target_semaphore(%run_scoped3A : memref<!tpu.dma_semaphore, #tpu.memory_space<semaphore_mem>>)
        %dma_wait3A_21 = tpu.memref_slice %arg4[%add3A_14] : memref<323584xi32, #tpu.memory_space<hbm>> -> memref<128xi32, #tpu.memory_space<hbm>>
        %dma_wait3A_22 = tpu.memref_slice %arg4[%add3A_14] : memref<323584xi32, #tpu.memory_space<hbm>> -> memref<128xi32, #tpu.memory_space<hbm>>
        tpu.wait_dma2 semaphore(%run_scoped3A : memref<!tpu.dma_semaphore, #tpu.memory_space<semaphore_mem>>) src(%dma_wait3A_22 : memref<128xi32, #tpu.memory_space<hbm>>) dst(%arg9 : memref<128xi32, #tpu.memory_space<vmem>>)
        tpu.yield
      }) : () -> ()
      %dma_start3A = arith.constant 0 : i32
      %dma_start3A_15 = arith.constant 0 : i32
      %dma_start3A_16 = tpu.memref_slice %arg2[%dma_start3A, %dma_start3A_15] : memref<100000x128xf32, #tpu.memory_space<hbm>> -> memref<100000x128xf32, #tpu.memory_space<hbm>>
      tpu.enqueue_indirect_dma source(%dma_start3A_16 : memref<100000x128xf32, #tpu.memory_space<hbm>>) target(%arg10 : memref<128x128xf32, #tpu.memory_space<vmem>>) offsets(%arg8 : memref<128xi32, #tpu.memory_space<vmem>>) semaphore(%arg11 : memref<!tpu.dma_semaphore, #tpu.memory_space<semaphore_mem>>)
      %dma_wait3A = arith.constant 0 : i32
      %dma_wait3A_17 = arith.constant 0 : i32
      %dma_wait3A_18 = tpu.memref_slice %arg2[%dma_wait3A, %dma_wait3A_17] : memref<100000x128xf32, #tpu.memory_space<hbm>> -> memref<100000x128xf32, #tpu.memory_space<hbm>>
      tpu.wait_indirect_dma semaphore(%arg11 : memref<!tpu.dma_semaphore, #tpu.memory_space<semaphore_mem>>) src(%dma_wait3A_18 : memref<100000x128xf32, #tpu.memory_space<hbm>>) dst(%arg10 : memref<128x128xf32, #tpu.memory_space<vmem>>)
      "tpu.region"() ({
        %run_scoped3A = tpu.sem_alloc : memref<!tpu.dma_semaphore, #tpu.memory_space<semaphore_mem>>
        %dma_start3A_19 = arith.constant 0 : i32
        %dma_start3A_20 = arith.constant 0 : i32
        %dma_start3A_21 = tpu.memref_slice %arg7[%dma_start3A_19, %dma_start3A_20] : memref<10112x128xf32, #tpu.memory_space<vmem_shared>> -> memref<10112x128xf32, #tpu.memory_space<vmem_shared>>
        tpu.enqueue_indirect_dma source(%arg10 : memref<128x128xf32, #tpu.memory_space<vmem>>) target(%dma_start3A_21 : memref<10112x128xf32, #tpu.memory_space<vmem_shared>>) offsets(%arg9 : memref<128xi32, #tpu.memory_space<vmem>>) semaphore(%run_scoped3A : memref<!tpu.dma_semaphore, #tpu.memory_space<semaphore_mem>>) {add = true}
        %dma_wait3A_22 = arith.constant 0 : i32
        %dma_wait3A_23 = arith.constant 0 : i32
        %dma_wait3A_24 = tpu.memref_slice %arg7[%dma_wait3A_22, %dma_wait3A_23] : memref<10112x128xf32, #tpu.memory_space<vmem_shared>> -> memref<10112x128xf32, #tpu.memory_space<vmem_shared>>
        tpu.wait_indirect_dma semaphore(%run_scoped3A : memref<!tpu.dma_semaphore, #tpu.memory_space<semaphore_mem>>) src(%arg10 : memref<128x128xf32, #tpu.memory_space<vmem>>) dst(%dma_wait3A_24 : memref<10112x128xf32, #tpu.memory_space<vmem_shared>>)
        tpu.yield
      }) : () -> ()
    }
    %scan3A_9 = arith.constant 79 : i32
    %barrier3A_10 = arith.constant 0 : index
    tpu.barrier barrier_id(%barrier3A_10)
    "tpu.region"() ({
      %run_scoped3A = tpu.sem_alloc : memref<!tpu.dma_semaphore, #tpu.memory_space<semaphore_mem>>
      %dma_start3A = arith.constant 0 : i32
      %dma_start3A_11 = tpu.memref_slice %arg6[%arg0, %mul3A_2, %dma_start3A] : memref<2x10112x128xf32, #tpu.memory_space<hbm>> -> memref<1x632x128xf32, #tpu.memory_space<hbm>>
      %dma_start3A_12 = tpu.memref_squeeze %dma_start3A_11 : memref<1x632x128xf32, #tpu.memory_space<hbm>> -> memref<632x128xf32, #tpu.memory_space<hbm>>
      %dma_start3A_13 = arith.constant 0 : i32
      %dma_start3A_14 = tpu.memref_slice %arg7[%mul3A_2, %dma_start3A_13] : memref<10112x128xf32, #tpu.memory_space<vmem_shared>> -> memref<632x128xf32, #tpu.memory_space<vmem_shared>>
      tpu.enqueue_dma source(%dma_start3A_14 : memref<632x128xf32, #tpu.memory_space<vmem_shared>>) target(%dma_start3A_12 : memref<632x128xf32, #tpu.memory_space<hbm>>) target_semaphore(%run_scoped3A : memref<!tpu.dma_semaphore, #tpu.memory_space<semaphore_mem>>)
      %dma_wait3A = arith.constant 0 : i32
      %dma_wait3A_15 = tpu.memref_slice %arg6[%arg0, %mul3A_2, %dma_wait3A] : memref<2x10112x128xf32, #tpu.memory_space<hbm>> -> memref<1x632x128xf32, #tpu.memory_space<hbm>>
      %dma_wait3A_16 = tpu.memref_squeeze %dma_wait3A_15 : memref<1x632x128xf32, #tpu.memory_space<hbm>> -> memref<632x128xf32, #tpu.memory_space<hbm>>
      %dma_wait3A_17 = arith.constant 0 : i32
      %dma_wait3A_18 = tpu.memref_slice %arg7[%mul3A_2, %dma_wait3A_17] : memref<10112x128xf32, #tpu.memory_space<vmem_shared>> -> memref<632x128xf32, #tpu.memory_space<vmem_shared>>
      tpu.wait_dma2 semaphore(%run_scoped3A : memref<!tpu.dma_semaphore, #tpu.memory_space<semaphore_mem>>) src(%dma_wait3A_18 : memref<632x128xf32, #tpu.memory_space<vmem_shared>>) dst(%dma_wait3A_16 : memref<632x128xf32, #tpu.memory_space<hbm>>)
      tpu.yield
    }) : () -> ()
    return
  }
}

#map = affine_map<(d0, d1) -> (0, 0)>
#map1 = affine_map<(d0, d1) -> (0)>
#map2 = affine_map<(d0, d1) -> (0, 0, 0)>
module attributes {stable_mosaic.version = 14 : i64} {
  func.func @sc_agg(%arg0: i32, %arg1: i32, %arg2: memref<100000x128xf32, #tpu.memory_space<hbm>>, %arg3: memref<323584xi32, #tpu.memory_space<hbm>>, %arg4: memref<323584xi32, #tpu.memory_space<hbm>>, %arg5: memref<10112x128xf32, #tpu.memory_space<hbm>>, %arg6: memref<2x10112x128xf32, #tpu.memory_space<hbm>>, %arg7: memref<10112x128xf32, #tpu.memory_space<vmem_shared>>, %arg8: memref<128xi32, #tpu.memory_space<vmem>>, %arg9: memref<128xi32, #tpu.memory_space<vmem>>, %arg10: memref<128x128xf32, #tpu.memory_space<vmem>>, %arg11: memref<!tpu.dma_semaphore, #tpu.memory_space<semaphore_mem>>) attributes {dimension_semantics = [#tpu.dimension_semantics<core_parallel>, #tpu.dimension_semantics<subcore_parallel>], iteration_bounds = array<i64: 2, 16>, scalar_prefetch = 0 : i64, scratch_operands = 5 : i64, tpu.core_type = #tpu.core_type<sc_vector_subcore>, window_params = [{transform_indices = #map}, {transform_indices = #map1}, {transform_indices = #map1}, {transform_indices = #map}, {transform_indices = #map2}]} {
    %mul3A = arith.constant 2 : i32
    %mul3A_0 = arith.muli %arg1, %mul3A : i32
    %add3A = arith.addi %mul3A_0, %arg0 : i32
    %mul3A_1 = arith.constant 632 : i32
    %mul3A_2 = arith.muli %arg1, %mul3A_1 : i32
    "tpu.region"() ({
      %run_scoped3A = tpu.sem_alloc : memref<!tpu.dma_semaphore, #tpu.memory_space<semaphore_mem>>
      %dma_start3A = arith.constant 0 : i32
      %dma_start3A_11 = tpu.memref_slice %arg7[%mul3A_2, %dma_start3A] : memref<10112x128xf32, #tpu.memory_space<vmem_shared>> -> memref<632x128xf32, #tpu.memory_space<vmem_shared>>
      %dma_start3A_12 = arith.constant 0 : i32
      %dma_start3A_13 = tpu.memref_slice %arg5[%mul3A_2, %dma_start3A_12] : memref<10112x128xf32, #tpu.memory_space<hbm>> -> memref<632x128xf32, #tpu.memory_space<hbm>>
      tpu.enqueue_dma source(%dma_start3A_13 : memref<632x128xf32, #tpu.memory_space<hbm>>) target(%dma_start3A_11 : memref<632x128xf32, #tpu.memory_space<vmem_shared>>) target_semaphore(%run_scoped3A : memref<!tpu.dma_semaphore, #tpu.memory_space<semaphore_mem>>)
      %dma_wait3A = arith.constant 0 : i32
      %dma_wait3A_14 = tpu.memref_slice %arg7[%mul3A_2, %dma_wait3A] : memref<10112x128xf32, #tpu.memory_space<vmem_shared>> -> memref<632x128xf32, #tpu.memory_space<vmem_shared>>
      %dma_wait3A_15 = arith.constant 0 : i32
      %dma_wait3A_16 = tpu.memref_slice %arg5[%mul3A_2, %dma_wait3A_15] : memref<10112x128xf32, #tpu.memory_space<hbm>> -> memref<632x128xf32, #tpu.memory_space<hbm>>
      tpu.wait_dma2 semaphore(%run_scoped3A : memref<!tpu.dma_semaphore, #tpu.memory_space<semaphore_mem>>) src(%dma_wait3A_16 : memref<632x128xf32, #tpu.memory_space<hbm>>) dst(%dma_wait3A_14 : memref<632x128xf32, #tpu.memory_space<vmem_shared>>)
      tpu.yield
    }) : () -> ()
    %barrier3A = arith.constant 0 : index
    tpu.barrier barrier_id(%barrier3A)
    %mul3A_3 = arith.constant 10112 : i32
    %mul3A_4 = arith.muli %add3A, %mul3A_3 : i32
    %scan3A = arith.constant 0 : i32
    %scan3A_5 = arith.constant 0 : i32
    %scan3A_6 = arith.constant 79 : i32
    %scan3A_7 = arith.addi %scan3A_5, %scan3A_6 : i32
    %scan3A_8 = arith.constant 1 : i32
    scf.for %scan3A_11 = %scan3A_5 to %scan3A_7 step %scan3A_8  : i32 {
      %mul3A_12 = arith.constant 128 : i32
      %mul3A_13 = arith.muli %scan3A_11, %mul3A_12 : i32
      %add3A_14 = arith.addi %mul3A_4, %mul3A_13 : i32
      "tpu.region"() ({
        %run_scoped3A = tpu.sem_alloc : memref<!tpu.dma_semaphore, #tpu.memory_space<semaphore_mem>>
        %dma_start3A_19 = tpu.memref_slice %arg3[%add3A_14] : memref<323584xi32, #tpu.memory_space<hbm>> -> memref<128xi32, #tpu.memory_space<hbm>>
        %dma_start3A_20 = tpu.memref_slice %arg3[%add3A_14] : memref<323584xi32, #tpu.memory_space<hbm>> -> memref<128xi32, #tpu.memory_space<hbm>>
        tpu.enqueue_dma source(%dma_start3A_20 : memref<128xi32, #tpu.memory_space<hbm>>) target(%arg8 : memref<128xi32, #tpu.memory_space<vmem>>) target_semaphore(%run_scoped3A : memref<!tpu.dma_semaphore, #tpu.memory_space<semaphore_mem>>)
        %dma_wait3A_21 = tpu.memref_slice %arg3[%add3A_14] : memref<323584xi32, #tpu.memory_space<hbm>> -> memref<128xi32, #tpu.memory_space<hbm>>
        %dma_wait3A_22 = tpu.memref_slice %arg3[%add3A_14] : memref<323584xi32, #tpu.memory_space<hbm>> -> memref<128xi32, #tpu.memory_space<hbm>>
        tpu.wait_dma2 semaphore(%run_scoped3A : memref<!tpu.dma_semaphore, #tpu.memory_space<semaphore_mem>>) src(%dma_wait3A_22 : memref<128xi32, #tpu.memory_space<hbm>>) dst(%arg8 : memref<128xi32, #tpu.memory_space<vmem>>)
        tpu.yield
      }) : () -> ()
      "tpu.region"() ({
        %run_scoped3A = tpu.sem_alloc : memref<!tpu.dma_semaphore, #tpu.memory_space<semaphore_mem>>
        %dma_start3A_19 = tpu.memref_slice %arg4[%add3A_14] : memref<323584xi32, #tpu.memory_space<hbm>> -> memref<128xi32, #tpu.memory_space<hbm>>
        %dma_start3A_20 = tpu.memref_slice %arg4[%add3A_14] : memref<323584xi32, #tpu.memory_space<hbm>> -> memref<128xi32, #tpu.memory_space<hbm>>
        tpu.enqueue_dma source(%dma_start3A_20 : memref<128xi32, #tpu.memory_space<hbm>>) target(%arg9 : memref<128xi32, #tpu.memory_space<vmem>>) target_semaphore(%run_scoped3A : memref<!tpu.dma_semaphore, #tpu.memory_space<semaphore_mem>>)
        %dma_wait3A_21 = tpu.memref_slice %arg4[%add3A_14] : memref<323584xi32, #tpu.memory_space<hbm>> -> memref<128xi32, #tpu.memory_space<hbm>>
        %dma_wait3A_22 = tpu.memref_slice %arg4[%add3A_14] : memref<323584xi32, #tpu.memory_space<hbm>> -> memref<128xi32, #tpu.memory_space<hbm>>
        tpu.wait_dma2 semaphore(%run_scoped3A : memref<!tpu.dma_semaphore, #tpu.memory_space<semaphore_mem>>) src(%dma_wait3A_22 : memref<128xi32, #tpu.memory_space<hbm>>) dst(%arg9 : memref<128xi32, #tpu.memory_space<vmem>>)
        tpu.yield
      }) : () -> ()
      %dma_start3A = arith.constant 0 : i32
      %dma_start3A_15 = arith.constant 0 : i32
      %dma_start3A_16 = tpu.memref_slice %arg2[%dma_start3A, %dma_start3A_15] : memref<100000x128xf32, #tpu.memory_space<hbm>> -> memref<100000x128xf32, #tpu.memory_space<hbm>>
      tpu.enqueue_indirect_dma source(%dma_start3A_16 : memref<100000x128xf32, #tpu.memory_space<hbm>>) target(%arg10 : memref<128x128xf32, #tpu.memory_space<vmem>>) offsets(%arg8 : memref<128xi32, #tpu.memory_space<vmem>>) semaphore(%arg11 : memref<!tpu.dma_semaphore, #tpu.memory_space<semaphore_mem>>)
      %dma_wait3A = arith.constant 0 : i32
      %dma_wait3A_17 = arith.constant 0 : i32
      %dma_wait3A_18 = tpu.memref_slice %arg2[%dma_wait3A, %dma_wait3A_17] : memref<100000x128xf32, #tpu.memory_space<hbm>> -> memref<100000x128xf32, #tpu.memory_space<hbm>>
      tpu.wait_indirect_dma semaphore(%arg11 : memref<!tpu.dma_semaphore, #tpu.memory_space<semaphore_mem>>) src(%dma_wait3A_18 : memref<100000x128xf32, #tpu.memory_space<hbm>>) dst(%arg10 : memref<128x128xf32, #tpu.memory_space<vmem>>)
      "tpu.region"() ({
        %run_scoped3A = tpu.sem_alloc : memref<!tpu.dma_semaphore, #tpu.memory_space<semaphore_mem>>
        %dma_start3A_19 = arith.constant 0 : i32
        %dma_start3A_20 = arith.constant 0 : i32
        %dma_start3A_21 = tpu.memref_slice %arg7[%dma_start3A_19, %dma_start3A_20] : memref<10112x128xf32, #tpu.memory_space<vmem_shared>> -> memref<10112x128xf32, #tpu.memory_space<vmem_shared>>
        tpu.enqueue_indirect_dma source(%arg10 : memref<128x128xf32, #tpu.memory_space<vmem>>) target(%dma_start3A_21 : memref<10112x128xf32, #tpu.memory_space<vmem_shared>>) offsets(%arg9 : memref<128xi32, #tpu.memory_space<vmem>>) semaphore(%run_scoped3A : memref<!tpu.dma_semaphore, #tpu.memory_space<semaphore_mem>>) {add = true}
        %dma_wait3A_22 = arith.constant 0 : i32
        %dma_wait3A_23 = arith.constant 0 : i32
        %dma_wait3A_24 = tpu.memref_slice %arg7[%dma_wait3A_22, %dma_wait3A_23] : memref<10112x128xf32, #tpu.memory_space<vmem_shared>> -> memref<10112x128xf32, #tpu.memory_space<vmem_shared>>
        tpu.wait_indirect_dma semaphore(%run_scoped3A : memref<!tpu.dma_semaphore, #tpu.memory_space<semaphore_mem>>) src(%arg10 : memref<128x128xf32, #tpu.memory_space<vmem>>) dst(%dma_wait3A_24 : memref<10112x128xf32, #tpu.memory_space<vmem_shared>>)
        tpu.yield
      }) : () -> ()
    }
    %scan3A_9 = arith.constant 79 : i32
    %barrier3A_10 = arith.constant 0 : index
    tpu.barrier barrier_id(%barrier3A_10)
    "tpu.region"() ({
      %run_scoped3A = tpu.sem_alloc : memref<!tpu.dma_semaphore, #tpu.memory_space<semaphore_mem>>
      %dma_start3A = arith.constant 0 : i32
      %dma_start3A_11 = tpu.memref_slice %arg6[%arg0, %mul3A_2, %dma_start3A] : memref<2x10112x128xf32, #tpu.memory_space<hbm>> -> memref<1x632x128xf32, #tpu.memory_space<hbm>>
      %dma_start3A_12 = tpu.memref_squeeze %dma_start3A_11 : memref<1x632x128xf32, #tpu.memory_space<hbm>> -> memref<632x128xf32, #tpu.memory_space<hbm>>
      %dma_start3A_13 = arith.constant 0 : i32
      %dma_start3A_14 = tpu.memref_slice %arg7[%mul3A_2, %dma_start3A_13] : memref<10112x128xf32, #tpu.memory_space<vmem_shared>> -> memref<632x128xf32, #tpu.memory_space<vmem_shared>>
      tpu.enqueue_dma source(%dma_start3A_14 : memref<632x128xf32, #tpu.memory_space<vmem_shared>>) target(%dma_start3A_12 : memref<632x128xf32, #tpu.memory_space<hbm>>) target_semaphore(%run_scoped3A : memref<!tpu.dma_semaphore, #tpu.memory_space<semaphore_mem>>)
      %dma_wait3A = arith.constant 0 : i32
      %dma_wait3A_15 = tpu.memref_slice %arg6[%arg0, %mul3A_2, %dma_wait3A] : memref<2x10112x128xf32, #tpu.memory_space<hbm>> -> memref<1x632x128xf32, #tpu.memory_space<hbm>>
      %dma_wait3A_16 = tpu.memref_squeeze %dma_wait3A_15 : memref<1x632x128xf32, #tpu.memory_space<hbm>> -> memref<632x128xf32, #tpu.memory_space<hbm>>
      %dma_wait3A_17 = arith.constant 0 : i32
      %dma_wait3A_18 = tpu.memref_slice %arg7[%mul3A_2, %dma_wait3A_17] : memref<10112x128xf32, #tpu.memory_space<vmem_shared>> -> memref<632x128xf32, #tpu.memory_space<vmem_shared>>
      tpu.wait_dma2 semaphore(%run_scoped3A : memref<!tpu.dma_semaphore, #tpu.memory_space<semaphore_mem>>) src(%dma_wait3A_18 : memref<632x128xf32, #tpu.memory_space<vmem_shared>>) dst(%dma_wait3A_16 : memref<632x128xf32, #tpu.memory_space<hbm>>)
      tpu.yield
    }) : () -> ()
    return
  }
}

module attributes {stable_mosaic.version = 14 : i64} {
  func.func @_transform_body(%arg0: i32, %arg1: i32, %arg2: memref<2000x128xf32, #tpu.memory_space<vmem>>, %arg3: memref<1x128x128xf32, #tpu.memory_space<vmem>>, %arg4: memref<1x1x128xf32, #tpu.memory_space<vmem>>, %arg5: memref<1x2000x128xf32, #tpu.memory_space<vmem>>) attributes {dimension_semantics = [#tpu.dimension_semantics<arbitrary>, #tpu.dimension_semantics<arbitrary>], iteration_bounds = array<i64: 10, 5>, scalar_prefetch = 0 : i64, scratch_operands = 0 : i64, tpu.core_type = #tpu.core_type<tc>, window_params = [{transform_indices = @transform_0, window_bounds = array<i64: 2000, 128>}, {transform_indices = @transform_1, window_bounds = array<i64: 1, 128, 128>}, {transform_indices = @transform_2, window_bounds = array<i64: 1, 1, 128>}, {transform_indices = @transform_3, window_bounds = array<i64: 1, 2000, 128>}]} {
    %get3A = arith.constant 0 : index
    %get3A_0 = arith.constant 0 : index
    %get3A_1 = vector.load %arg2[%get3A, %get3A_0] : memref<2000x128xf32, #tpu.memory_space<vmem>>, vector<2000x128xf32>
    %get3A_2 = arith.constant 0 : index
    %get3A_3 = arith.constant 0 : index
    %get3A_4 = arith.constant 0 : index
    %get3A_5 = vector.load %arg3[%get3A_2, %get3A_3, %get3A_4] : memref<1x128x128xf32, #tpu.memory_space<vmem>>, vector<1x128x128xf32>
    %get3A_6 = vector.shape_cast %get3A_5 : vector<1x128x128xf32> to vector<128x128xf32>
    %dot_general3A = arith.constant dense<0.000000e+00> : vector<2000x128xf32>
    %dot_general3A_7 = tpu.matmul %get3A_1, %get3A_6, %dot_general3A {dimension_numbers = #tpu.dot_dimension_numbers<[1], [0], [0], [1], [0, 0, 1, 1], [], []>, transpose_lhs_hint = false} : vector<2000x128xf32>, vector<128x128xf32>, vector<2000x128xf32> -> vector<2000x128xf32>
    %get3A_8 = arith.constant 0 : index
    %get3A_9 = arith.constant 0 : index
    %get3A_10 = arith.constant 0 : index
    %get3A_11 = vector.load %arg4[%get3A_8, %get3A_9, %get3A_10] : memref<1x1x128xf32, #tpu.memory_space<vmem>>, vector<1x1x128xf32>
    %get3A_12 = vector.shape_cast %get3A_11 : vector<1x1x128xf32> to vector<1x128xf32>
    %add3A = vector.broadcast %get3A_12 : vector<1x128xf32> to vector<2000x128xf32>
    %add3A_13 = arith.addf %dot_general3A_7, %add3A : vector<2000x128xf32>
    %swap3A = arith.constant 0 : index
    %swap3A_14 = arith.constant 0 : index
    %swap3A_15 = arith.constant 0 : index
    %swap3A_16 = vector.load %arg5[%swap3A, %swap3A_14, %swap3A_15] : memref<1x2000x128xf32, #tpu.memory_space<vmem>>, vector<1x2000x128xf32>
    %swap3A_17 = vector.shape_cast %swap3A_16 : vector<1x2000x128xf32> to vector<2000x128xf32>
    %swap3A_18 = vector.shape_cast %add3A_13 : vector<2000x128xf32> to vector<1x2000x128xf32>
    tpu.vector_store %arg5[%swap3A, %swap3A_14, %swap3A_15], %swap3A_18 {strides = array<i32>} : memref<1x2000x128xf32, #tpu.memory_space<vmem>>, vector<1x2000x128xf32>,
    return
  }
  func.func @transform_0(%arg0: i32, %arg1: i32) -> (i32, i32) {
    %c0_i32 = arith.constant 0 : i32
    %c0_i32_0 = arith.constant 0 : i32
    return %arg1, %c0_i32 : i32, i32
  }
  func.func @transform_1(%arg0: i32, %arg1: i32) -> (i32, i32, i32) {
    %c0_i32 = arith.constant 0 : i32
    %c0_i32_0 = arith.constant 0 : i32
    %c0_i32_1 = arith.constant 0 : i32
    return %arg0, %c0_i32, %c0_i32_0 : i32, i32, i32
  }
  func.func @transform_2(%arg0: i32, %arg1: i32) -> (i32, i32, i32) {
    %c0_i32 = arith.constant 0 : i32
    %c0_i32_0 = arith.constant 0 : i32
    %c0_i32_1 = arith.constant 0 : i32
    return %arg0, %c0_i32, %c0_i32_0 : i32, i32, i32
  }
  func.func @transform_3(%arg0: i32, %arg1: i32) -> (i32, i32, i32) {
    %c0_i32 = arith.constant 0 : i32
    %c0_i32_0 = arith.constant 0 : i32
    return %arg0, %arg1, %c0_i32 : i32, i32, i32
  }
}

module attributes {stable_mosaic.version = 14 : i64} {
  func.func @_gru_tr_body(%arg0: i32, %arg1: memref<2x2000x128xf32, #tpu.memory_space<vmem>>, %arg2: memref<2000x128xf32, #tpu.memory_space<vmem>>, %arg3: memref<128x384xf32, #tpu.memory_space<vmem>>, %arg4: memref<128x384xf32, #tpu.memory_space<vmem>>, %arg5: memref<1x384xf32, #tpu.memory_space<vmem>>, %arg6: memref<1x384xf32, #tpu.memory_space<vmem>>, %arg7: memref<10x128x128xf32, #tpu.memory_space<vmem>>, %arg8: memref<10x1x128xf32, #tpu.memory_space<vmem>>, %arg9: memref<2000x128xf32, #tpu.memory_space<vmem>>, %arg10: memref<10x2000x128xf32, #tpu.memory_space<vmem>>) attributes {dimension_semantics = [#tpu.dimension_semantics<arbitrary>], iteration_bounds = array<i64: 5>, scalar_prefetch = 0 : i64, scratch_operands = 0 : i64, tpu.core_type = #tpu.core_type<tc>, window_params = [{transform_indices = @transform_0, window_bounds = array<i64: 2, 2000, 128>}, {transform_indices = @transform_1, window_bounds = array<i64: 2000, 128>}, {pipeline_mode = #tpu.pipeline_mode<synchronous>, transform_indices = @transform_2, window_bounds = array<i64: 128, 384>}, {pipeline_mode = #tpu.pipeline_mode<synchronous>, transform_indices = @transform_3, window_bounds = array<i64: 128, 384>}, {pipeline_mode = #tpu.pipeline_mode<synchronous>, transform_indices = @transform_4, window_bounds = array<i64: 1, 384>}, {pipeline_mode = #tpu.pipeline_mode<synchronous>, transform_indices = @transform_5, window_bounds = array<i64: 1, 384>}, {pipeline_mode = #tpu.pipeline_mode<synchronous>, transform_indices = @transform_6, window_bounds = array<i64: 10, 128, 128>}, {pipeline_mode = #tpu.pipeline_mode<synchronous>, transform_indices = @transform_7, window_bounds = array<i64: 10, 1, 128>}, {transform_indices = @transform_8, window_bounds = array<i64: 2000, 128>}, {transform_indices = @transform_9, window_bounds = array<i64: 10, 2000, 128>}]} {
    %get3A = arith.constant 0 : index
    %get3A_0 = arith.constant 0 : index
    %get3A_1 = arith.constant 0 : index
    %get3A_2 = vector.load %arg1[%get3A, %get3A_0, %get3A_1] : memref<2x2000x128xf32, #tpu.memory_space<vmem>>, vector<1x2000x128xf32>
    %get3A_3 = vector.shape_cast %get3A_2 : vector<1x2000x128xf32> to vector<2000x128xf32>
    %get3A_4 = arith.constant 1 : index
    %get3A_5 = arith.constant 0 : index
    %get3A_6 = arith.constant 0 : index
    %get3A_7 = vector.load %arg1[%get3A_4, %get3A_5, %get3A_6] : memref<2x2000x128xf32, #tpu.memory_space<vmem>>, vector<1x2000x128xf32>
    %get3A_8 = vector.shape_cast %get3A_7 : vector<1x2000x128xf32> to vector<2000x128xf32>
    %add3A = arith.addf %get3A_3, %get3A_8 : vector<2000x128xf32>
    %get3A_9 = arith.constant 0 : index
    %get3A_10 = arith.constant 0 : index
    %get3A_11 = vector.load %arg2[%get3A_9, %get3A_10] : memref<2000x128xf32, #tpu.memory_space<vmem>>, vector<2000x128xf32>
    %get3A_12 = arith.constant 0 : index
    %get3A_13 = arith.constant 0 : index
    %get3A_14 = vector.load %arg3[%get3A_12, %get3A_13] : memref<128x384xf32, #tpu.memory_space<vmem>>, vector<128x384xf32>
    %dot_general3A = arith.constant dense<0.000000e+00> : vector<2000x384xf32>
    %dot_general3A_15 = tpu.matmul %add3A, %get3A_14, %dot_general3A {dimension_numbers = #tpu.dot_dimension_numbers<[1], [0], [0], [1], [0, 0, 1, 1], [], []>, transpose_lhs_hint = false} : vector<2000x128xf32>, vector<128x384xf32>, vector<2000x384xf32> -> vector<2000x384xf32>
    %get3A_16 = arith.constant 0 : index
    %get3A_17 = arith.constant 0 : index
    %get3A_18 = vector.load %arg5[%get3A_16, %get3A_17] : memref<1x384xf32, #tpu.memory_space<vmem>>, vector<1x384xf32>
    %add3A_19 = vector.broadcast %get3A_18 : vector<1x384xf32> to vector<2000x384xf32>
    %add3A_20 = arith.addf %dot_general3A_15, %add3A_19 : vector<2000x384xf32>
    %get3A_21 = arith.constant 0 : index
    %get3A_22 = arith.constant 0 : index
    %get3A_23 = vector.load %arg4[%get3A_21, %get3A_22] : memref<128x384xf32, #tpu.memory_space<vmem>>, vector<128x384xf32>
    %dot_general3A_24 = arith.constant dense<0.000000e+00> : vector<2000x384xf32>
    %dot_general3A_25 = tpu.matmul %get3A_11, %get3A_23, %dot_general3A_24 {dimension_numbers = #tpu.dot_dimension_numbers<[1], [0], [0], [1], [0, 0, 1, 1], [], []>, transpose_lhs_hint = false} : vector<2000x128xf32>, vector<128x384xf32>, vector<2000x384xf32> -> vector<2000x384xf32>
    %get3A_26 = arith.constant 0 : index
    %get3A_27 = arith.constant 0 : index
    %get3A_28 = vector.load %arg6[%get3A_26, %get3A_27] : memref<1x384xf32, #tpu.memory_space<vmem>>, vector<1x384xf32>
    %add3A_29 = vector.broadcast %get3A_28 : vector<1x384xf32> to vector<2000x384xf32>
    %add3A_30 = arith.addf %dot_general3A_25, %add3A_29 : vector<2000x384xf32>
    %slice3A = vector.extract_strided_slice %add3A_20 {offsets = [0, 0], sizes = [2000, 128], strides = [1, 1]} : vector<2000x384xf32> to vector<2000x128xf32>
    %slice3A_31 = vector.extract_strided_slice %add3A_30 {offsets = [0, 0], sizes = [2000, 128], strides = [1, 1]} : vector<2000x384xf32> to vector<2000x128xf32>
    %add3A_32 = arith.addf %slice3A, %slice3A_31 : vector<2000x128xf32>
    %logistic3A = arith.negf %add3A_32 : vector<2000x128xf32>
    %logistic3A_33 = math.exp %logistic3A : vector<2000x128xf32>
    %logistic3A_34 = arith.constant 1.000000e+00 : f32
    %logistic3A_35 = vector.broadcast %logistic3A_34 : f32 to vector<2000x128xf32>
    %logistic3A_36 = arith.addf %logistic3A_35, %logistic3A_33 : vector<2000x128xf32>
    %logistic3A_37 = arith.divf %logistic3A_35, %logistic3A_36 : vector<2000x128xf32>
    %slice3A_38 = vector.extract_strided_slice %add3A_20 {offsets = [0, 128], sizes = [2000, 128], strides = [1, 1]} : vector<2000x384xf32> to vector<2000x128xf32>
    %slice3A_39 = vector.extract_strided_slice %add3A_30 {offsets = [0, 128], sizes = [2000, 128], strides = [1, 1]} : vector<2000x384xf32> to vector<2000x128xf32>
    %add3A_40 = arith.addf %slice3A_38, %slice3A_39 : vector<2000x128xf32>
    %logistic3A_41 = arith.negf %add3A_40 : vector<2000x128xf32>
    %logistic3A_42 = math.exp %logistic3A_41 : vector<2000x128xf32>
    %logistic3A_43 = arith.constant 1.000000e+00 : f32
    %logistic3A_44 = vector.broadcast %logistic3A_43 : f32 to vector<2000x128xf32>
    %logistic3A_45 = arith.addf %logistic3A_44, %logistic3A_42 : vector<2000x128xf32>
    %logistic3A_46 = arith.divf %logistic3A_44, %logistic3A_45 : vector<2000x128xf32>
    %slice3A_47 = vector.extract_strided_slice %add3A_20 {offsets = [0, 256], sizes = [2000, 128], strides = [1, 1]} : vector<2000x384xf32> to vector<2000x128xf32>
    %slice3A_48 = vector.extract_strided_slice %add3A_30 {offsets = [0, 256], sizes = [2000, 128], strides = [1, 1]} : vector<2000x384xf32> to vector<2000x128xf32>
    %mul3A = arith.mulf %logistic3A_37, %slice3A_48 : vector<2000x128xf32>
    %add3A_49 = arith.addf %slice3A_47, %mul3A : vector<2000x128xf32>
    %tanh3A = math.tanh %add3A_49 : vector<2000x128xf32>
    %sub3A = arith.constant 1.000000e+00 : f32
    %sub3A_50 = vector.broadcast %sub3A : f32 to vector<2000x128xf32>
    %sub3A_51 = arith.subf %sub3A_50, %logistic3A_46 : vector<2000x128xf32>
    %mul3A_52 = arith.mulf %sub3A_51, %tanh3A : vector<2000x128xf32>
    %mul3A_53 = arith.mulf %logistic3A_46, %get3A_11 : vector<2000x128xf32>
    %add3A_54 = arith.addf %mul3A_52, %mul3A_53 : vector<2000x128xf32>
    %swap3A = arith.constant 0 : index
    %swap3A_55 = arith.constant 0 : index
    %swap3A_56 = vector.load %arg9[%swap3A, %swap3A_55] : memref<2000x128xf32, #tpu.memory_space<vmem>>, vector<2000x128xf32>
    tpu.vector_store %arg9[%swap3A, %swap3A_55], %add3A_54 {strides = array<i32>} : memref<2000x128xf32, #tpu.memory_space<vmem>>, vector<2000x128xf32>,
    %get3A_57 = arith.constant 0 : index
    %get3A_58 = arith.constant 0 : index
    %get3A_59 = arith.constant 0 : index
    %get3A_60 = vector.load %arg7[%get3A_57, %get3A_58, %get3A_59] : memref<10x128x128xf32, #tpu.memory_space<vmem>>, vector<1x128x128xf32>
    %get3A_61 = vector.shape_cast %get3A_60 : vector<1x128x128xf32> to vector<128x128xf32>
    %dot_general3A_62 = arith.constant dense<0.000000e+00> : vector<2000x128xf32>
    %dot_general3A_63 = tpu.matmul %add3A_54, %get3A_61, %dot_general3A_62 {dimension_numbers = #tpu.dot_dimension_numbers<[1], [0], [0], [1], [0, 0, 1, 1], [], []>, transpose_lhs_hint = false} : vector<2000x128xf32>, vector<128x128xf32>, vector<2000x128xf32> -> vector<2000x128xf32>
    %get3A_64 = arith.constant 0 : index
    %get3A_65 = arith.constant 0 : index
    %get3A_66 = arith.constant 0 : index
    %get3A_67 = vector.load %arg8[%get3A_64, %get3A_65, %get3A_66] : memref<10x1x128xf32, #tpu.memory_space<vmem>>, vector<1x1x128xf32>
    %get3A_68 = vector.shape_cast %get3A_67 : vector<1x1x128xf32> to vector<1x128xf32>
    %add3A_69 = vector.broadcast %get3A_68 : vector<1x128xf32> to vector<2000x128xf32>
    %add3A_70 = arith.addf %dot_general3A_63, %add3A_69 : vector<2000x128xf32>
    %swap3A_71 = arith.constant 0 : index
    %swap3A_72 = arith.constant 0 : index
    %swap3A_73 = arith.constant 0 : index
    %swap3A_74 = vector.load %arg10[%swap3A_71, %swap3A_72, %swap3A_73] : memref<10x2000x128xf32, #tpu.memory_space<vmem>>, vector<1x2000x128xf32>
    %swap3A_75 = vector.shape_cast %swap3A_74 : vector<1x2000x128xf32> to vector<2000x128xf32>
    %swap3A_76 = vector.shape_cast %add3A_70 : vector<2000x128xf32> to vector<1x2000x128xf32>
    tpu.vector_store %arg10[%swap3A_71, %swap3A_72, %swap3A_73], %swap3A_76 {strides = array<i32>} : memref<10x2000x128xf32, #tpu.memory_space<vmem>>, vector<1x2000x128xf32>,
    %get3A_77 = arith.constant 1 : index
    %get3A_78 = arith.constant 0 : index
    %get3A_79 = arith.constant 0 : index
    %get3A_80 = vector.load %arg7[%get3A_77, %get3A_78, %get3A_79] : memref<10x128x128xf32, #tpu.memory_space<vmem>>, vector<1x128x128xf32>
    %get3A_81 = vector.shape_cast %get3A_80 : vector<1x128x128xf32> to vector<128x128xf32>
    %dot_general3A_82 = arith.constant dense<0.000000e+00> : vector<2000x128xf32>
    %dot_general3A_83 = tpu.matmul %add3A_54, %get3A_81, %dot_general3A_82 {dimension_numbers = #tpu.dot_dimension_numbers<[1], [0], [0], [1], [0, 0, 1, 1], [], []>, transpose_lhs_hint = false} : vector<2000x128xf32>, vector<128x128xf32>, vector<2000x128xf32> -> vector<2000x128xf32>
    %get3A_84 = arith.constant 1 : index
    %get3A_85 = arith.constant 0 : index
    %get3A_86 = arith.constant 0 : index
    %get3A_87 = vector.load %arg8[%get3A_84, %get3A_85, %get3A_86] : memref<10x1x128xf32, #tpu.memory_space<vmem>>, vector<1x1x128xf32>
    %get3A_88 = vector.shape_cast %get3A_87 : vector<1x1x128xf32> to vector<1x128xf32>
    %add3A_89 = vector.broadcast %get3A_88 : vector<1x128xf32> to vector<2000x128xf32>
    %add3A_90 = arith.addf %dot_general3A_83, %add3A_89 : vector<2000x128xf32>
    %swap3A_91 = arith.constant 1 : index
    %swap3A_92 = arith.constant 0 : index
    %swap3A_93 = arith.constant 0 : index
    %swap3A_94 = vector.load %arg10[%swap3A_91, %swap3A_92, %swap3A_93] : memref<10x2000x128xf32, #tpu.memory_space<vmem>>, vector<1x2000x128xf32>
    %swap3A_95 = vector.shape_cast %swap3A_94 : vector<1x2000x128xf32> to vector<2000x128xf32>
    %swap3A_96 = vector.shape_cast %add3A_90 : vector<2000x128xf32> to vector<1x2000x128xf32>
    tpu.vector_store %arg10[%swap3A_91, %swap3A_92, %swap3A_93], %swap3A_96 {strides = array<i32>} : memref<10x2000x128xf32, #tpu.memory_space<vmem>>, vector<1x2000x128xf32>,
    %get3A_97 = arith.constant 2 : index
    %get3A_98 = arith.constant 0 : index
    %get3A_99 = arith.constant 0 : index
    %get3A_100 = vector.load %arg7[%get3A_97, %get3A_98, %get3A_99] : memref<10x128x128xf32, #tpu.memory_space<vmem>>, vector<1x128x128xf32>
    %get3A_101 = vector.shape_cast %get3A_100 : vector<1x128x128xf32> to vector<128x128xf32>
    %dot_general3A_102 = arith.constant dense<0.000000e+00> : vector<2000x128xf32>
    %dot_general3A_103 = tpu.matmul %add3A_54, %get3A_101, %dot_general3A_102 {dimension_numbers = #tpu.dot_dimension_numbers<[1], [0], [0], [1], [0, 0, 1, 1], [], []>, transpose_lhs_hint = false} : vector<2000x128xf32>, vector<128x128xf32>, vector<2000x128xf32> -> vector<2000x128xf32>
    %get3A_104 = arith.constant 2 : index
    %get3A_105 = arith.constant 0 : index
    %get3A_106 = arith.constant 0 : index
    %get3A_107 = vector.load %arg8[%get3A_104, %get3A_105, %get3A_106] : memref<10x1x128xf32, #tpu.memory_space<vmem>>, vector<1x1x128xf32>
    %get3A_108 = vector.shape_cast %get3A_107 : vector<1x1x128xf32> to vector<1x128xf32>
    %add3A_109 = vector.broadcast %get3A_108 : vector<1x128xf32> to vector<2000x128xf32>
    %add3A_110 = arith.addf %dot_general3A_103, %add3A_109 : vector<2000x128xf32>
    %swap3A_111 = arith.constant 2 : index
    %swap3A_112 = arith.constant 0 : index
    %swap3A_113 = arith.constant 0 : index
    %swap3A_114 = vector.load %arg10[%swap3A_111, %swap3A_112, %swap3A_113] : memref<10x2000x128xf32, #tpu.memory_space<vmem>>, vector<1x2000x128xf32>
    %swap3A_115 = vector.shape_cast %swap3A_114 : vector<1x2000x128xf32> to vector<2000x128xf32>
    %swap3A_116 = vector.shape_cast %add3A_110 : vector<2000x128xf32> to vector<1x2000x128xf32>
    tpu.vector_store %arg10[%swap3A_111, %swap3A_112, %swap3A_113], %swap3A_116 {strides = array<i32>} : memref<10x2000x128xf32, #tpu.memory_space<vmem>>, vector<1x2000x128xf32>,
    %get3A_117 = arith.constant 3 : index
    %get3A_118 = arith.constant 0 : index
    %get3A_119 = arith.constant 0 : index
    %get3A_120 = vector.load %arg7[%get3A_117, %get3A_118, %get3A_119] : memref<10x128x128xf32, #tpu.memory_space<vmem>>, vector<1x128x128xf32>
    %get3A_121 = vector.shape_cast %get3A_120 : vector<1x128x128xf32> to vector<128x128xf32>
    %dot_general3A_122 = arith.constant dense<0.000000e+00> : vector<2000x128xf32>
    %dot_general3A_123 = tpu.matmul %add3A_54, %get3A_121, %dot_general3A_122 {dimension_numbers = #tpu.dot_dimension_numbers<[1], [0], [0], [1], [0, 0, 1, 1], [], []>, transpose_lhs_hint = false} : vector<2000x128xf32>, vector<128x128xf32>, vector<2000x128xf32> -> vector<2000x128xf32>
    %get3A_124 = arith.constant 3 : index
    %get3A_125 = arith.constant 0 : index
    %get3A_126 = arith.constant 0 : index
    %get3A_127 = vector.load %arg8[%get3A_124, %get3A_125, %get3A_126] : memref<10x1x128xf32, #tpu.memory_space<vmem>>, vector<1x1x128xf32>
    %get3A_128 = vector.shape_cast %get3A_127 : vector<1x1x128xf32> to vector<1x128xf32>
    %add3A_129 = vector.broadcast %get3A_128 : vector<1x128xf32> to vector<2000x128xf32>
    %add3A_130 = arith.addf %dot_general3A_123, %add3A_129 : vector<2000x128xf32>
    %swap3A_131 = arith.constant 3 : index
    %swap3A_132 = arith.constant 0 : index
    %swap3A_133 = arith.constant 0 : index
    %swap3A_134 = vector.load %arg10[%swap3A_131, %swap3A_132, %swap3A_133] : memref<10x2000x128xf32, #tpu.memory_space<vmem>>, vector<1x2000x128xf32>
    %swap3A_135 = vector.shape_cast %swap3A_134 : vector<1x2000x128xf32> to vector<2000x128xf32>
    %swap3A_136 = vector.shape_cast %add3A_130 : vector<2000x128xf32> to vector<1x2000x128xf32>
    tpu.vector_store %arg10[%swap3A_131, %swap3A_132, %swap3A_133], %swap3A_136 {strides = array<i32>} : memref<10x2000x128xf32, #tpu.memory_space<vmem>>, vector<1x2000x128xf32>,
    %get3A_137 = arith.constant 4 : index
    %get3A_138 = arith.constant 0 : index
    %get3A_139 = arith.constant 0 : index
    %get3A_140 = vector.load %arg7[%get3A_137, %get3A_138, %get3A_139] : memref<10x128x128xf32, #tpu.memory_space<vmem>>, vector<1x128x128xf32>
    %get3A_141 = vector.shape_cast %get3A_140 : vector<1x128x128xf32> to vector<128x128xf32>
    %dot_general3A_142 = arith.constant dense<0.000000e+00> : vector<2000x128xf32>
    %dot_general3A_143 = tpu.matmul %add3A_54, %get3A_141, %dot_general3A_142 {dimension_numbers = #tpu.dot_dimension_numbers<[1], [0], [0], [1], [0, 0, 1, 1], [], []>, transpose_lhs_hint = false} : vector<2000x128xf32>, vector<128x128xf32>, vector<2000x128xf32> -> vector<2000x128xf32>
    %get3A_144 = arith.constant 4 : index
    %get3A_145 = arith.constant 0 : index
    %get3A_146 = arith.constant 0 : index
    %get3A_147 = vector.load %arg8[%get3A_144, %get3A_145, %get3A_146] : memref<10x1x128xf32, #tpu.memory_space<vmem>>, vector<1x1x128xf32>
    %get3A_148 = vector.shape_cast %get3A_147 : vector<1x1x128xf32> to vector<1x128xf32>
    %add3A_149 = vector.broadcast %get3A_148 : vector<1x128xf32> to vector<2000x128xf32>
    %add3A_150 = arith.addf %dot_general3A_143, %add3A_149 : vector<2000x128xf32>
    %swap3A_151 = arith.constant 4 : index
    %swap3A_152 = arith.constant 0 : index
    %swap3A_153 = arith.constant 0 : index
    %swap3A_154 = vector.load %arg10[%swap3A_151, %swap3A_152, %swap3A_153] : memref<10x2000x128xf32, #tpu.memory_space<vmem>>, vector<1x2000x128xf32>
    %swap3A_155 = vector.shape_cast %swap3A_154 : vector<1x2000x128xf32> to vector<2000x128xf32>
    %swap3A_156 = vector.shape_cast %add3A_150 : vector<2000x128xf32> to vector<1x2000x128xf32>
    tpu.vector_store %arg10[%swap3A_151, %swap3A_152, %swap3A_153], %swap3A_156 {strides = array<i32>} : memref<10x2000x128xf32, #tpu.memory_space<vmem>>, vector<1x2000x128xf32>,
    %get3A_157 = arith.constant 5 : index
    %get3A_158 = arith.constant 0 : index
    %get3A_159 = arith.constant 0 : index
    %get3A_160 = vector.load %arg7[%get3A_157, %get3A_158, %get3A_159] : memref<10x128x128xf32, #tpu.memory_space<vmem>>, vector<1x128x128xf32>
    %get3A_161 = vector.shape_cast %get3A_160 : vector<1x128x128xf32> to vector<128x128xf32>
    %dot_general3A_162 = arith.constant dense<0.000000e+00> : vector<2000x128xf32>
    %dot_general3A_163 = tpu.matmul %add3A_54, %get3A_161, %dot_general3A_162 {dimension_numbers = #tpu.dot_dimension_numbers<[1], [0], [0], [1], [0, 0, 1, 1], [], []>, transpose_lhs_hint = false} : vector<2000x128xf32>, vector<128x128xf32>, vector<2000x128xf32> -> vector<2000x128xf32>
    %get3A_164 = arith.constant 5 : index
    %get3A_165 = arith.constant 0 : index
    %get3A_166 = arith.constant 0 : index
    %get3A_167 = vector.load %arg8[%get3A_164, %get3A_165, %get3A_166] : memref<10x1x128xf32, #tpu.memory_space<vmem>>, vector<1x1x128xf32>
    %get3A_168 = vector.shape_cast %get3A_167 : vector<1x1x128xf32> to vector<1x128xf32>
    %add3A_169 = vector.broadcast %get3A_168 : vector<1x128xf32> to vector<2000x128xf32>
    %add3A_170 = arith.addf %dot_general3A_163, %add3A_169 : vector<2000x128xf32>
    %swap3A_171 = arith.constant 5 : index
    %swap3A_172 = arith.constant 0 : index
    %swap3A_173 = arith.constant 0 : index
    %swap3A_174 = vector.load %arg10[%swap3A_171, %swap3A_172, %swap3A_173] : memref<10x2000x128xf32, #tpu.memory_space<vmem>>, vector<1x2000x128xf32>
    %swap3A_175 = vector.shape_cast %swap3A_174 : vector<1x2000x128xf32> to vector<2000x128xf32>
    %swap3A_176 = vector.shape_cast %add3A_170 : vector<2000x128xf32> to vector<1x2000x128xf32>
    tpu.vector_store %arg10[%swap3A_171, %swap3A_172, %swap3A_173], %swap3A_176 {strides = array<i32>} : memref<10x2000x128xf32, #tpu.memory_space<vmem>>, vector<1x2000x128xf32>,
    %get3A_177 = arith.constant 6 : index
    %get3A_178 = arith.constant 0 : index
    %get3A_179 = arith.constant 0 : index
    %get3A_180 = vector.load %arg7[%get3A_177, %get3A_178, %get3A_179] : memref<10x128x128xf32, #tpu.memory_space<vmem>>, vector<1x128x128xf32>
    %get3A_181 = vector.shape_cast %get3A_180 : vector<1x128x128xf32> to vector<128x128xf32>
    %dot_general3A_182 = arith.constant dense<0.000000e+00> : vector<2000x128xf32>
    %dot_general3A_183 = tpu.matmul %add3A_54, %get3A_181, %dot_general3A_182 {dimension_numbers = #tpu.dot_dimension_numbers<[1], [0], [0], [1], [0, 0, 1, 1], [], []>, transpose_lhs_hint = false} : vector<2000x128xf32>, vector<128x128xf32>, vector<2000x128xf32> -> vector<2000x128xf32>
    %get3A_184 = arith.constant 6 : index
    %get3A_185 = arith.constant 0 : index
    %get3A_186 = arith.constant 0 : index
    %get3A_187 = vector.load %arg8[%get3A_184, %get3A_185, %get3A_186] : memref<10x1x128xf32, #tpu.memory_space<vmem>>, vector<1x1x128xf32>
    %get3A_188 = vector.shape_cast %get3A_187 : vector<1x1x128xf32> to vector<1x128xf32>
    %add3A_189 = vector.broadcast %get3A_188 : vector<1x128xf32> to vector<2000x128xf32>
    %add3A_190 = arith.addf %dot_general3A_183, %add3A_189 : vector<2000x128xf32>
    %swap3A_191 = arith.constant 6 : index
    %swap3A_192 = arith.constant 0 : index
    %swap3A_193 = arith.constant 0 : index
    %swap3A_194 = vector.load %arg10[%swap3A_191, %swap3A_192, %swap3A_193] : memref<10x2000x128xf32, #tpu.memory_space<vmem>>, vector<1x2000x128xf32>
    %swap3A_195 = vector.shape_cast %swap3A_194 : vector<1x2000x128xf32> to vector<2000x128xf32>
    %swap3A_196 = vector.shape_cast %add3A_190 : vector<2000x128xf32> to vector<1x2000x128xf32>
    tpu.vector_store %arg10[%swap3A_191, %swap3A_192, %swap3A_193], %swap3A_196 {strides = array<i32>} : memref<10x2000x128xf32, #tpu.memory_space<vmem>>, vector<1x2000x128xf32>,
    %get3A_197 = arith.constant 7 : index
    %get3A_198 = arith.constant 0 : index
    %get3A_199 = arith.constant 0 : index
    %get3A_200 = vector.load %arg7[%get3A_197, %get3A_198, %get3A_199] : memref<10x128x128xf32, #tpu.memory_space<vmem>>, vector<1x128x128xf32>
    %get3A_201 = vector.shape_cast %get3A_200 : vector<1x128x128xf32> to vector<128x128xf32>
    %dot_general3A_202 = arith.constant dense<0.000000e+00> : vector<2000x128xf32>
    %dot_general3A_203 = tpu.matmul %add3A_54, %get3A_201, %dot_general3A_202 {dimension_numbers = #tpu.dot_dimension_numbers<[1], [0], [0], [1], [0, 0, 1, 1], [], []>, transpose_lhs_hint = false} : vector<2000x128xf32>, vector<128x128xf32>, vector<2000x128xf32> -> vector<2000x128xf32>
    %get3A_204 = arith.constant 7 : index
    %get3A_205 = arith.constant 0 : index
    %get3A_206 = arith.constant 0 : index
    %get3A_207 = vector.load %arg8[%get3A_204, %get3A_205, %get3A_206] : memref<10x1x128xf32, #tpu.memory_space<vmem>>, vector<1x1x128xf32>
    %get3A_208 = vector.shape_cast %get3A_207 : vector<1x1x128xf32> to vector<1x128xf32>
    %add3A_209 = vector.broadcast %get3A_208 : vector<1x128xf32> to vector<2000x128xf32>
    %add3A_210 = arith.addf %dot_general3A_203, %add3A_209 : vector<2000x128xf32>
    %swap3A_211 = arith.constant 7 : index
    %swap3A_212 = arith.constant 0 : index
    %swap3A_213 = arith.constant 0 : index
    %swap3A_214 = vector.load %arg10[%swap3A_211, %swap3A_212, %swap3A_213] : memref<10x2000x128xf32, #tpu.memory_space<vmem>>, vector<1x2000x128xf32>
    %swap3A_215 = vector.shape_cast %swap3A_214 : vector<1x2000x128xf32> to vector<2000x128xf32>
    %swap3A_216 = vector.shape_cast %add3A_210 : vector<2000x128xf32> to vector<1x2000x128xf32>
    tpu.vector_store %arg10[%swap3A_211, %swap3A_212, %swap3A_213], %swap3A_216 {strides = array<i32>} : memref<10x2000x128xf32, #tpu.memory_space<vmem>>, vector<1x2000x128xf32>,
    %get3A_217 = arith.constant 8 : index
    %get3A_218 = arith.constant 0 : index
    %get3A_219 = arith.constant 0 : index
    %get3A_220 = vector.load %arg7[%get3A_217, %get3A_218, %get3A_219] : memref<10x128x128xf32, #tpu.memory_space<vmem>>, vector<1x128x128xf32>
    %get3A_221 = vector.shape_cast %get3A_220 : vector<1x128x128xf32> to vector<128x128xf32>
    %dot_general3A_222 = arith.constant dense<0.000000e+00> : vector<2000x128xf32>
    %dot_general3A_223 = tpu.matmul %add3A_54, %get3A_221, %dot_general3A_222 {dimension_numbers = #tpu.dot_dimension_numbers<[1], [0], [0], [1], [0, 0, 1, 1], [], []>, transpose_lhs_hint = false} : vector<2000x128xf32>, vector<128x128xf32>, vector<2000x128xf32> -> vector<2000x128xf32>
    %get3A_224 = arith.constant 8 : index
    %get3A_225 = arith.constant 0 : index
    %get3A_226 = arith.constant 0 : index
    %get3A_227 = vector.load %arg8[%get3A_224, %get3A_225, %get3A_226] : memref<10x1x128xf32, #tpu.memory_space<vmem>>, vector<1x1x128xf32>
    %get3A_228 = vector.shape_cast %get3A_227 : vector<1x1x128xf32> to vector<1x128xf32>
    %add3A_229 = vector.broadcast %get3A_228 : vector<1x128xf32> to vector<2000x128xf32>
    %add3A_230 = arith.addf %dot_general3A_223, %add3A_229 : vector<2000x128xf32>
    %swap3A_231 = arith.constant 8 : index
    %swap3A_232 = arith.constant 0 : index
    %swap3A_233 = arith.constant 0 : index
    %swap3A_234 = vector.load %arg10[%swap3A_231, %swap3A_232, %swap3A_233] : memref<10x2000x128xf32, #tpu.memory_space<vmem>>, vector<1x2000x128xf32>
    %swap3A_235 = vector.shape_cast %swap3A_234 : vector<1x2000x128xf32> to vector<2000x128xf32>
    %swap3A_236 = vector.shape_cast %add3A_230 : vector<2000x128xf32> to vector<1x2000x128xf32>
    tpu.vector_store %arg10[%swap3A_231, %swap3A_232, %swap3A_233], %swap3A_236 {strides = array<i32>} : memref<10x2000x128xf32, #tpu.memory_space<vmem>>, vector<1x2000x128xf32>,
    %get3A_237 = arith.constant 9 : index
    %get3A_238 = arith.constant 0 : index
    %get3A_239 = arith.constant 0 : index
    %get3A_240 = vector.load %arg7[%get3A_237, %get3A_238, %get3A_239] : memref<10x128x128xf32, #tpu.memory_space<vmem>>, vector<1x128x128xf32>
    %get3A_241 = vector.shape_cast %get3A_240 : vector<1x128x128xf32> to vector<128x128xf32>
    %dot_general3A_242 = arith.constant dense<0.000000e+00> : vector<2000x128xf32>
    %dot_general3A_243 = tpu.matmul %add3A_54, %get3A_241, %dot_general3A_242 {dimension_numbers = #tpu.dot_dimension_numbers<[1], [0], [0], [1], [0, 0, 1, 1], [], []>, transpose_lhs_hint = false} : vector<2000x128xf32>, vector<128x128xf32>, vector<2000x128xf32> -> vector<2000x128xf32>
    %get3A_244 = arith.constant 9 : index
    %get3A_245 = arith.constant 0 : index
    %get3A_246 = arith.constant 0 : index
    %get3A_247 = vector.load %arg8[%get3A_244, %get3A_245, %get3A_246] : memref<10x1x128xf32, #tpu.memory_space<vmem>>, vector<1x1x128xf32>
    %get3A_248 = vector.shape_cast %get3A_247 : vector<1x1x128xf32> to vector<1x128xf32>
    %add3A_249 = vector.broadcast %get3A_248 : vector<1x128xf32> to vector<2000x128xf32>
    %add3A_250 = arith.addf %dot_general3A_243, %add3A_249 : vector<2000x128xf32>
    %swap3A_251 = arith.constant 9 : index
    %swap3A_252 = arith.constant 0 : index
    %swap3A_253 = arith.constant 0 : index
    %swap3A_254 = vector.load %arg10[%swap3A_251, %swap3A_252, %swap3A_253] : memref<10x2000x128xf32, #tpu.memory_space<vmem>>, vector<1x2000x128xf32>
    %swap3A_255 = vector.shape_cast %swap3A_254 : vector<1x2000x128xf32> to vector<2000x128xf32>
    %swap3A_256 = vector.shape_cast %add3A_250 : vector<2000x128xf32> to vector<1x2000x128xf32>
    tpu.vector_store %arg10[%swap3A_251, %swap3A_252, %swap3A_253], %swap3A_256 {strides = array<i32>} : memref<10x2000x128xf32, #tpu.memory_space<vmem>>, vector<1x2000x128xf32>,
    return
  }
  func.func @transform_0(%arg0: i32) -> (i32, i32, i32) {
    %c0_i32 = arith.constant 0 : i32
    %c0_i32_0 = arith.constant 0 : i32
    %c0_i32_1 = arith.constant 0 : i32
    return %c0_i32, %arg0, %c0_i32_0 : i32, i32, i32
  }
  func.func @transform_1(%arg0: i32) -> (i32, i32) {
    %c0_i32 = arith.constant 0 : i32
    %c0_i32_0 = arith.constant 0 : i32
    return %arg0, %c0_i32 : i32, i32
  }
  func.func @transform_2(%arg0: i32) -> (i32, i32) {
    %c0_i32 = arith.constant 0 : i32
    %c0_i32_0 = arith.constant 0 : i32
    %c0_i32_1 = arith.constant 0 : i32
    return %c0_i32, %c0_i32_0 : i32, i32
  }
  func.func @transform_3(%arg0: i32) -> (i32, i32) {
    %c0_i32 = arith.constant 0 : i32
    %c0_i32_0 = arith.constant 0 : i32
    %c0_i32_1 = arith.constant 0 : i32
    return %c0_i32, %c0_i32_0 : i32, i32
  }
  func.func @transform_4(%arg0: i32) -> (i32, i32) {
    %c0_i32 = arith.constant 0 : i32
    %c0_i32_0 = arith.constant 0 : i32
    %c0_i32_1 = arith.constant 0 : i32
    return %c0_i32, %c0_i32_0 : i32, i32
  }
  func.func @transform_5(%arg0: i32) -> (i32, i32) {
    %c0_i32 = arith.constant 0 : i32
    %c0_i32_0 = arith.constant 0 : i32
    %c0_i32_1 = arith.constant 0 : i32
    return %c0_i32, %c0_i32_0 : i32, i32
  }
  func.func @transform_6(%arg0: i32) -> (i32, i32, i32) {
    %c0_i32 = arith.constant 0 : i32
    %c0_i32_0 = arith.constant 0 : i32
    %c0_i32_1 = arith.constant 0 : i32
    %c0_i32_2 = arith.constant 0 : i32
    return %c0_i32, %c0_i32_0, %c0_i32_1 : i32, i32, i32
  }
  func.func @transform_7(%arg0: i32) -> (i32, i32, i32) {
    %c0_i32 = arith.constant 0 : i32
    %c0_i32_0 = arith.constant 0 : i32
    %c0_i32_1 = arith.constant 0 : i32
    %c0_i32_2 = arith.constant 0 : i32
    return %c0_i32, %c0_i32_0, %c0_i32_1 : i32, i32, i32
  }
  func.func @transform_8(%arg0: i32) -> (i32, i32) {
    %c0_i32 = arith.constant 0 : i32
    %c0_i32_0 = arith.constant 0 : i32
    return %arg0, %c0_i32 : i32, i32
  }
  func.func @transform_9(%arg0: i32) -> (i32, i32, i32) {
    %c0_i32 = arith.constant 0 : i32
    %c0_i32_0 = arith.constant 0 : i32
    %c0_i32_1 = arith.constant 0 : i32
    return %c0_i32, %arg0, %c0_i32_0 : i32, i32, i32
  }
}

module attributes {stable_mosaic.version = 14 : i64} {
  func.func @_seqsum_body(%arg0: i32, %arg1: memref<64x32x512xf32, #tpu.memory_space<vmem>>, %arg2: memref<64x512xf32, #tpu.memory_space<vmem>>) attributes {dimension_semantics = [#tpu.dimension_semantics<arbitrary>], iteration_bounds = array<i64: 4>, scalar_prefetch = 0 : i64, scratch_operands = 0 : i64, tpu.core_type = #tpu.core_type<tc>, window_params = [{transform_indices = @transform_0, window_bounds = array<i64: 64, 32, 512>}, {pipeline_mode = #tpu.pipeline_mode<synchronous>, transform_indices = @transform_1, window_bounds = array<i64: 64, 512>}]} {
    %eq3A = arith.constant 0 : i32
    %eq3A_0 = arith.cmpi eq, %arg0, %eq3A : i32
    %convert_element_type3A = arith.extui %eq3A_0 : i1 to i32
    %cond3A = arith.constant 0 : i32
    %cond3A_1 = arith.cmpi ne, %convert_element_type3A, %cond3A : i32
    scf.if %cond3A_1 {
      %broadcast_in_dim3A = arith.constant 0.000000e+00 : f32
      %broadcast_in_dim3A_11 = vector.broadcast %broadcast_in_dim3A : f32 to vector<64x512xf32>
      %swap3A_12 = arith.constant 0 : index
      %swap3A_13 = arith.constant 0 : index
      %swap3A_14 = vector.load %arg2[%swap3A_12, %swap3A_13] : memref<64x512xf32, #tpu.memory_space<vmem>>, vector<64x512xf32>
      tpu.vector_store %arg2[%swap3A_12, %swap3A_13], %broadcast_in_dim3A_11 {strides = array<i32>} : memref<64x512xf32, #tpu.memory_space<vmem>>, vector<64x512xf32>,
    } else {
    }
    %get3A = arith.constant 0 : index
    %get3A_2 = arith.constant 0 : index
    %get3A_3 = vector.load %arg2[%get3A, %get3A_2] : memref<64x512xf32, #tpu.memory_space<vmem>>, vector<64x512xf32>
    %get3A_4 = arith.constant 0 : index
    %get3A_5 = arith.constant 0 : index
    %get3A_6 = arith.constant 0 : index
    %get3A_7 = vector.load %arg1[%get3A_4, %get3A_5, %get3A_6] : memref<64x32x512xf32, #tpu.memory_space<vmem>>, vector<64x32x512xf32>
    %reduce_sum3A = arith.constant dense<0.000000e+00> : vector<64x512xf32>
    %reduce_sum3A_8 = vector.multi_reduction <add>, %get3A_7, %reduce_sum3A [1] : vector<64x32x512xf32> to vector<64x512xf32>
    %add3A = arith.addf %get3A_3, %reduce_sum3A_8 : vector<64x512xf32>
    %swap3A = arith.constant 0 : index
    %swap3A_9 = arith.constant 0 : index
    %swap3A_10 = vector.load %arg2[%swap3A, %swap3A_9] : memref<64x512xf32, #tpu.memory_space<vmem>>, vector<64x512xf32>
    tpu.vector_store %arg2[%swap3A, %swap3A_9], %add3A {strides = array<i32>} : memref<64x512xf32, #tpu.memory_space<vmem>>, vector<64x512xf32>,
    return
  }
  func.func @transform_0(%arg0: i32) -> (i32, i32, i32) {
    %c0_i32 = arith.constant 0 : i32
    %c0_i32_0 = arith.constant 0 : i32
    %c0_i32_1 = arith.constant 0 : i32
    return %c0_i32, %arg0, %c0_i32_0 : i32, i32, i32
  }
  func.func @transform_1(%arg0: i32) -> (i32, i32) {
    %c0_i32 = arith.constant 0 : i32
    %c0_i32_0 = arith.constant 0 : i32
    %c0_i32_1 = arith.constant 0 : i32
    return %c0_i32, %c0_i32_0 : i32, i32
  }
}

module attributes {stable_mosaic.version = 14 : i64} {
  func.func @_gru_body(%arg0: i32, %arg1: memref<2x2000x128xf32, #tpu.memory_space<vmem>>, %arg2: memref<2000x128xf32, #tpu.memory_space<vmem>>, %arg3: memref<128x384xf32, #tpu.memory_space<vmem>>, %arg4: memref<128x384xf32, #tpu.memory_space<vmem>>, %arg5: memref<1x384xf32, #tpu.memory_space<vmem>>, %arg6: memref<1x384xf32, #tpu.memory_space<vmem>>, %arg7: memref<2000x128xf32, #tpu.memory_space<vmem>>) attributes {dimension_semantics = [#tpu.dimension_semantics<arbitrary>], iteration_bounds = array<i64: 5>, scalar_prefetch = 0 : i64, scratch_operands = 0 : i64, tpu.core_type = #tpu.core_type<tc>, window_params = [{transform_indices = @transform_0, window_bounds = array<i64: 2, 2000, 128>}, {transform_indices = @transform_1, window_bounds = array<i64: 2000, 128>}, {pipeline_mode = #tpu.pipeline_mode<synchronous>, transform_indices = @transform_2, window_bounds = array<i64: 128, 384>}, {pipeline_mode = #tpu.pipeline_mode<synchronous>, transform_indices = @transform_3, window_bounds = array<i64: 128, 384>}, {pipeline_mode = #tpu.pipeline_mode<synchronous>, transform_indices = @transform_4, window_bounds = array<i64: 1, 384>}, {pipeline_mode = #tpu.pipeline_mode<synchronous>, transform_indices = @transform_5, window_bounds = array<i64: 1, 384>}, {transform_indices = @transform_6, window_bounds = array<i64: 2000, 128>}]} {
    %get3A = arith.constant 0 : index
    %get3A_0 = arith.constant 0 : index
    %get3A_1 = arith.constant 0 : index
    %get3A_2 = vector.load %arg1[%get3A, %get3A_0, %get3A_1] : memref<2x2000x128xf32, #tpu.memory_space<vmem>>, vector<1x2000x128xf32>
    %get3A_3 = vector.shape_cast %get3A_2 : vector<1x2000x128xf32> to vector<2000x128xf32>
    %get3A_4 = arith.constant 1 : index
    %get3A_5 = arith.constant 0 : index
    %get3A_6 = arith.constant 0 : index
    %get3A_7 = vector.load %arg1[%get3A_4, %get3A_5, %get3A_6] : memref<2x2000x128xf32, #tpu.memory_space<vmem>>, vector<1x2000x128xf32>
    %get3A_8 = vector.shape_cast %get3A_7 : vector<1x2000x128xf32> to vector<2000x128xf32>
    %add3A = arith.addf %get3A_3, %get3A_8 : vector<2000x128xf32>
    %get3A_9 = arith.constant 0 : index
    %get3A_10 = arith.constant 0 : index
    %get3A_11 = vector.load %arg2[%get3A_9, %get3A_10] : memref<2000x128xf32, #tpu.memory_space<vmem>>, vector<2000x128xf32>
    %get3A_12 = arith.constant 0 : index
    %get3A_13 = arith.constant 0 : index
    %get3A_14 = vector.load %arg3[%get3A_12, %get3A_13] : memref<128x384xf32, #tpu.memory_space<vmem>>, vector<128x384xf32>
    %dot_general3A = arith.constant dense<0.000000e+00> : vector<2000x384xf32>
    %dot_general3A_15 = tpu.matmul %add3A, %get3A_14, %dot_general3A {dimension_numbers = #tpu.dot_dimension_numbers<[1], [0], [0], [1], [0, 0, 1, 1], [], []>, transpose_lhs_hint = false} : vector<2000x128xf32>, vector<128x384xf32>, vector<2000x384xf32> -> vector<2000x384xf32>
    %get3A_16 = arith.constant 0 : index
    %get3A_17 = arith.constant 0 : index
    %get3A_18 = vector.load %arg5[%get3A_16, %get3A_17] : memref<1x384xf32, #tpu.memory_space<vmem>>, vector<1x384xf32>
    %add3A_19 = vector.broadcast %get3A_18 : vector<1x384xf32> to vector<2000x384xf32>
    %add3A_20 = arith.addf %dot_general3A_15, %add3A_19 : vector<2000x384xf32>
    %get3A_21 = arith.constant 0 : index
    %get3A_22 = arith.constant 0 : index
    %get3A_23 = vector.load %arg4[%get3A_21, %get3A_22] : memref<128x384xf32, #tpu.memory_space<vmem>>, vector<128x384xf32>
    %dot_general3A_24 = arith.constant dense<0.000000e+00> : vector<2000x384xf32>
    %dot_general3A_25 = tpu.matmul %get3A_11, %get3A_23, %dot_general3A_24 {dimension_numbers = #tpu.dot_dimension_numbers<[1], [0], [0], [1], [0, 0, 1, 1], [], []>, transpose_lhs_hint = false} : vector<2000x128xf32>, vector<128x384xf32>, vector<2000x384xf32> -> vector<2000x384xf32>
    %get3A_26 = arith.constant 0 : index
    %get3A_27 = arith.constant 0 : index
    %get3A_28 = vector.load %arg6[%get3A_26, %get3A_27] : memref<1x384xf32, #tpu.memory_space<vmem>>, vector<1x384xf32>
    %add3A_29 = vector.broadcast %get3A_28 : vector<1x384xf32> to vector<2000x384xf32>
    %add3A_30 = arith.addf %dot_general3A_25, %add3A_29 : vector<2000x384xf32>
    %slice3A = vector.extract_strided_slice %add3A_20 {offsets = [0, 0], sizes = [2000, 128], strides = [1, 1]} : vector<2000x384xf32> to vector<2000x128xf32>
    %slice3A_31 = vector.extract_strided_slice %add3A_30 {offsets = [0, 0], sizes = [2000, 128], strides = [1, 1]} : vector<2000x384xf32> to vector<2000x128xf32>
    %add3A_32 = arith.addf %slice3A, %slice3A_31 : vector<2000x128xf32>
    %logistic3A = arith.negf %add3A_32 : vector<2000x128xf32>
    %logistic3A_33 = math.exp %logistic3A : vector<2000x128xf32>
    %logistic3A_34 = arith.constant 1.000000e+00 : f32
    %logistic3A_35 = vector.broadcast %logistic3A_34 : f32 to vector<2000x128xf32>
    %logistic3A_36 = arith.addf %logistic3A_35, %logistic3A_33 : vector<2000x128xf32>
    %logistic3A_37 = arith.divf %logistic3A_35, %logistic3A_36 : vector<2000x128xf32>
    %slice3A_38 = vector.extract_strided_slice %add3A_20 {offsets = [0, 128], sizes = [2000, 128], strides = [1, 1]} : vector<2000x384xf32> to vector<2000x128xf32>
    %slice3A_39 = vector.extract_strided_slice %add3A_30 {offsets = [0, 128], sizes = [2000, 128], strides = [1, 1]} : vector<2000x384xf32> to vector<2000x128xf32>
    %add3A_40 = arith.addf %slice3A_38, %slice3A_39 : vector<2000x128xf32>
    %logistic3A_41 = arith.negf %add3A_40 : vector<2000x128xf32>
    %logistic3A_42 = math.exp %logistic3A_41 : vector<2000x128xf32>
    %logistic3A_43 = arith.constant 1.000000e+00 : f32
    %logistic3A_44 = vector.broadcast %logistic3A_43 : f32 to vector<2000x128xf32>
    %logistic3A_45 = arith.addf %logistic3A_44, %logistic3A_42 : vector<2000x128xf32>
    %logistic3A_46 = arith.divf %logistic3A_44, %logistic3A_45 : vector<2000x128xf32>
    %slice3A_47 = vector.extract_strided_slice %add3A_20 {offsets = [0, 256], sizes = [2000, 128], strides = [1, 1]} : vector<2000x384xf32> to vector<2000x128xf32>
    %slice3A_48 = vector.extract_strided_slice %add3A_30 {offsets = [0, 256], sizes = [2000, 128], strides = [1, 1]} : vector<2000x384xf32> to vector<2000x128xf32>
    %mul3A = arith.mulf %logistic3A_37, %slice3A_48 : vector<2000x128xf32>
    %add3A_49 = arith.addf %slice3A_47, %mul3A : vector<2000x128xf32>
    %tanh3A = math.tanh %add3A_49 : vector<2000x128xf32>
    %sub3A = arith.constant 1.000000e+00 : f32
    %sub3A_50 = vector.broadcast %sub3A : f32 to vector<2000x128xf32>
    %sub3A_51 = arith.subf %sub3A_50, %logistic3A_46 : vector<2000x128xf32>
    %mul3A_52 = arith.mulf %sub3A_51, %tanh3A : vector<2000x128xf32>
    %mul3A_53 = arith.mulf %logistic3A_46, %get3A_11 : vector<2000x128xf32>
    %add3A_54 = arith.addf %mul3A_52, %mul3A_53 : vector<2000x128xf32>
    %swap3A = arith.constant 0 : index
    %swap3A_55 = arith.constant 0 : index
    %swap3A_56 = vector.load %arg7[%swap3A, %swap3A_55] : memref<2000x128xf32, #tpu.memory_space<vmem>>, vector<2000x128xf32>
    tpu.vector_store %arg7[%swap3A, %swap3A_55], %add3A_54 {strides = array<i32>} : memref<2000x128xf32, #tpu.memory_space<vmem>>, vector<2000x128xf32>,
    return
  }
  func.func @transform_0(%arg0: i32) -> (i32, i32, i32) {
    %c0_i32 = arith.constant 0 : i32
    %c0_i32_0 = arith.constant 0 : i32
    %c0_i32_1 = arith.constant 0 : i32
    return %c0_i32, %arg0, %c0_i32_0 : i32, i32, i32
  }
  func.func @transform_1(%arg0: i32) -> (i32, i32) {
    %c0_i32 = arith.constant 0 : i32
    %c0_i32_0 = arith.constant 0 : i32
    return %arg0, %c0_i32 : i32, i32
  }
  func.func @transform_2(%arg0: i32) -> (i32, i32) {
    %c0_i32 = arith.constant 0 : i32
    %c0_i32_0 = arith.constant 0 : i32
    %c0_i32_1 = arith.constant 0 : i32
    return %c0_i32, %c0_i32_0 : i32, i32
  }
  func.func @transform_3(%arg0: i32) -> (i32, i32) {
    %c0_i32 = arith.constant 0 : i32
    %c0_i32_0 = arith.constant 0 : i32
    %c0_i32_1 = arith.constant 0 : i32
    return %c0_i32, %c0_i32_0 : i32, i32
  }
  func.func @transform_4(%arg0: i32) -> (i32, i32) {
    %c0_i32 = arith.constant 0 : i32
    %c0_i32_0 = arith.constant 0 : i32
    %c0_i32_1 = arith.constant 0 : i32
    return %c0_i32, %c0_i32_0 : i32, i32
  }
  func.func @transform_5(%arg0: i32) -> (i32, i32) {
    %c0_i32 = arith.constant 0 : i32
    %c0_i32_0 = arith.constant 0 : i32
    %c0_i32_1 = arith.constant 0 : i32
    return %c0_i32, %c0_i32_0 : i32, i32
  }
  func.func @transform_6(%arg0: i32) -> (i32, i32) {
    %c0_i32 = arith.constant 0 : i32
    %c0_i32_0 = arith.constant 0 : i32
    return %arg0, %c0_i32 : i32, i32
  }
}

module attributes {stable_mosaic.version = 14 : i64} {
  func.func @_gsum_body(%arg0: i32, %arg1: memref<1000x128xf32, #tpu.memory_space<vmem>>, %arg2: memref<1000x128xf32, #tpu.memory_space<vmem>>, %arg3: memref<1x1x1000xi32, #tpu.memory_space<vmem>>, %arg4: memref<64x384xf32, #tpu.memory_space<vmem>>) attributes {dimension_semantics = [#tpu.dimension_semantics<arbitrary>], iteration_bounds = array<i64: 10>, scalar_prefetch = 0 : i64, scratch_operands = 0 : i64, tpu.core_type = #tpu.core_type<tc>, window_params = [{transform_indices = @transform_0, window_bounds = array<i64: 1000, 128>}, {transform_indices = @transform_1, window_bounds = array<i64: 1000, 128>}, {transform_indices = @transform_2, window_bounds = array<i64: 1, 1, 1000>}, {pipeline_mode = #tpu.pipeline_mode<synchronous>, transform_indices = @transform_3, window_bounds = array<i64: 64, 384>}]} {
    %get3A = arith.constant 0 : index
    %get3A_0 = arith.constant 0 : index
    %get3A_1 = arith.constant 0 : index
    %get3A_2 = vector.load %arg3[%get3A, %get3A_0, %get3A_1] : memref<1x1x1000xi32, #tpu.memory_space<vmem>>, vector<1x1x1000xi32>
    %get3A_3 = vector.shape_cast %get3A_2 : vector<1x1x1000xi32> to vector<1000xi32>
    %iota3A = tpu.iota {dimensions = array<i32: 0>} : vector<64x1000xi32>
    %broadcast_in_dim3A = vector.shape_cast %get3A_3 : vector<1000xi32> to vector<1x1000xi32>
    %eq3A = vector.broadcast %broadcast_in_dim3A : vector<1x1000xi32> to vector<64x1000xi32>
    %eq3A_4 = arith.cmpi eq, %eq3A, %iota3A : vector<64x1000xi32>
    %convert_element_type3A = arith.extui %eq3A_4 : vector<64x1000xi1> to vector<64x1000xi32>
    %convert_element_type3A_5 = arith.sitofp %convert_element_type3A : vector<64x1000xi32> to vector<64x1000xf32>
    %get3A_6 = arith.constant 0 : index
    %get3A_7 = arith.constant 0 : index
    %get3A_8 = vector.load %arg1[%get3A_6, %get3A_7] : memref<1000x128xf32, #tpu.memory_space<vmem>>, vector<1000x128xf32>
    %get3A_9 = arith.constant 0 : index
    %get3A_10 = arith.constant 0 : index
    %get3A_11 = vector.load %arg2[%get3A_9, %get3A_10] : memref<1000x128xf32, #tpu.memory_space<vmem>>, vector<1000x128xf32>
    %broadcast_in_dim3A_12 = arith.constant 1.000000e+00 : f32
    %broadcast_in_dim3A_13 = vector.broadcast %broadcast_in_dim3A_12 : f32 to vector<1000x128xf32>
    %concatenate3A = tpu.concatenate %get3A_8, %get3A_11, %broadcast_in_dim3A_13 in 1 : vector<1000x128xf32>, vector<1000x128xf32>, vector<1000x128xf32> -> vector<1000x384xf32>
    %dot_general3A = arith.constant dense<0.000000e+00> : vector<64x384xf32>
    %dot_general3A_14 = tpu.matmul %convert_element_type3A_5, %concatenate3A, %dot_general3A {dimension_numbers = #tpu.dot_dimension_numbers<[1], [0], [0], [1], [0, 0, 1, 1], [], []>, transpose_lhs_hint = false} : vector<64x1000xf32>, vector<1000x384xf32>, vector<64x384xf32> -> vector<64x384xf32>
    %eq3A_15 = arith.constant 0 : i32
    %eq3A_16 = arith.cmpi eq, %arg0, %eq3A_15 : i32
    %convert_element_type3A_17 = arith.extui %eq3A_16 : i1 to i32
    %cond3A = arith.constant 0 : i32
    %cond3A_18 = arith.cmpi ne, %convert_element_type3A_17, %cond3A : i32
    scf.if %cond3A_18 {
      %broadcast_in_dim3A_24 = arith.constant 0.000000e+00 : f32
      %broadcast_in_dim3A_25 = vector.broadcast %broadcast_in_dim3A_24 : f32 to vector<64x384xf32>
      %swap3A_26 = arith.constant 0 : index
      %swap3A_27 = arith.constant 0 : index
      %swap3A_28 = vector.load %arg4[%swap3A_26, %swap3A_27] : memref<64x384xf32, #tpu.memory_space<vmem>>, vector<64x384xf32>
      tpu.vector_store %arg4[%swap3A_26, %swap3A_27], %broadcast_in_dim3A_25 {strides = array<i32>} : memref<64x384xf32, #tpu.memory_space<vmem>>, vector<64x384xf32>,
    } else {
    }
    %get3A_19 = arith.constant 0 : index
    %get3A_20 = arith.constant 0 : index
    %get3A_21 = vector.load %arg4[%get3A_19, %get3A_20] : memref<64x384xf32, #tpu.memory_space<vmem>>, vector<64x384xf32>
    %add3A = arith.addf %get3A_21, %dot_general3A_14 : vector<64x384xf32>
    %swap3A = arith.constant 0 : index
    %swap3A_22 = arith.constant 0 : index
    %swap3A_23 = vector.load %arg4[%swap3A, %swap3A_22] : memref<64x384xf32, #tpu.memory_space<vmem>>, vector<64x384xf32>
    tpu.vector_store %arg4[%swap3A, %swap3A_22], %add3A {strides = array<i32>} : memref<64x384xf32, #tpu.memory_space<vmem>>, vector<64x384xf32>,
    return
  }
  func.func @transform_0(%arg0: i32) -> (i32, i32) {
    %c0_i32 = arith.constant 0 : i32
    %c0_i32_0 = arith.constant 0 : i32
    return %arg0, %c0_i32 : i32, i32
  }
  func.func @transform_1(%arg0: i32) -> (i32, i32) {
    %c0_i32 = arith.constant 0 : i32
    %c0_i32_0 = arith.constant 0 : i32
    return %arg0, %c0_i32 : i32, i32
  }
  func.func @transform_2(%arg0: i32) -> (i32, i32, i32) {
    %c0_i32 = arith.constant 0 : i32
    %c0_i32_0 = arith.constant 0 : i32
    %c0_i32_1 = arith.constant 0 : i32
    return %arg0, %c0_i32, %c0_i32_0 : i32, i32, i32
  }
  func.func @transform_3(%arg0: i32) -> (i32, i32) {
    %c0_i32 = arith.constant 0 : i32
    %c0_i32_0 = arith.constant 0 : i32
    %c0_i32_1 = arith.constant 0 : i32
    return %c0_i32, %c0_i32_0 : i32, i32
  }
}

module attributes {stable_mosaic.version = 14 : i64} {
  func.func @_final_body(%arg0: memref<64x384xf32, #tpu.memory_space<vmem>>, %arg1: memref<64x512xf32, #tpu.memory_space<vmem>>, %arg2: memref<512x1024xf32, #tpu.memory_space<vmem>>, %arg3: memref<1x1024xf32, #tpu.memory_space<vmem>>, %arg4: memref<256x128xf32, #tpu.memory_space<vmem>>, %arg5: memref<1x128xf32, #tpu.memory_space<vmem>>, %arg6: memref<128x64xf32, #tpu.memory_space<vmem>>, %arg7: memref<1x64xf32, #tpu.memory_space<vmem>>, %arg8: memref<64x14xf32, #tpu.memory_space<vmem>>, %arg9: memref<1x14xf32, #tpu.memory_space<vmem>>, %arg10: memref<1024x512xf32, #tpu.memory_space<vmem>>, %arg11: memref<1x512xf32, #tpu.memory_space<vmem>>, %arg12: memref<512x256xf32, #tpu.memory_space<vmem>>, %arg13: memref<1x256xf32, #tpu.memory_space<vmem>>, %arg14: memref<256x14xf32, #tpu.memory_space<vmem>>, %arg15: memref<1x14xf32, #tpu.memory_space<vmem>>, %arg16: memref<64x14xf32, #tpu.memory_space<vmem>>) attributes {dimension_semantics = [], scalar_prefetch = 0 : i64, scratch_operands = 0 : i64, tpu.core_type = #tpu.core_type<tc>} {
    %get3A = arith.constant 0 : index
    %get3A_0 = arith.constant 0 : index
    %get3A_1 = vector.load %arg0[%get3A, %get3A_0] : memref<64x384xf32, #tpu.memory_space<vmem>>, vector<64x384xf32>
    %slice3A = vector.extract_strided_slice %get3A_1 {offsets = [0, 0], sizes = [64, 256], strides = [1, 1]} : vector<64x384xf32> to vector<64x256xf32>
    %slice3A_2 = vector.extract_strided_slice %get3A_1 {offsets = [0, 256], sizes = [64, 1], strides = [1, 1]} : vector<64x384xf32> to vector<64x1xf32>
    %max3A = arith.constant 1.000000e+00 : f32
    %max3A_3 = vector.broadcast %max3A : f32 to vector<64x1xf32>
    %max3A_4 = arith.maximumf %slice3A_2, %max3A_3 : vector<64x1xf32>
    %div3A = vector.broadcast %max3A_4 : vector<64x1xf32> to vector<64x256xf32>
    %div3A_5 = arith.divf %slice3A, %div3A : vector<64x256xf32>
    %get3A_6 = arith.constant 0 : index
    %get3A_7 = arith.constant 0 : index
    %get3A_8 = vector.load %arg4[%get3A_6, %get3A_7] : memref<256x128xf32, #tpu.memory_space<vmem>>, vector<256x128xf32>
    %dot_general3A = arith.constant dense<0.000000e+00> : vector<64x128xf32>
    %dot_general3A_9 = tpu.matmul %div3A_5, %get3A_8, %dot_general3A {dimension_numbers = #tpu.dot_dimension_numbers<[1], [0], [0], [1], [0, 0, 1, 1], [], []>, transpose_lhs_hint = false} : vector<64x256xf32>, vector<256x128xf32>, vector<64x128xf32> -> vector<64x128xf32>
    %get3A_10 = arith.constant 0 : index
    %get3A_11 = arith.constant 0 : index
    %get3A_12 = vector.load %arg5[%get3A_10, %get3A_11] : memref<1x128xf32, #tpu.memory_space<vmem>>, vector<1x128xf32>
    %add3A = vector.broadcast %get3A_12 : vector<1x128xf32> to vector<64x128xf32>
    %add3A_13 = arith.addf %dot_general3A_9, %add3A : vector<64x128xf32>
    %max3A_14 = arith.constant 0.000000e+00 : f32
    %max3A_15 = vector.broadcast %max3A_14 : f32 to vector<64x128xf32>
    %max3A_16 = arith.maximumf %add3A_13, %max3A_15 : vector<64x128xf32>
    %get3A_17 = arith.constant 0 : index
    %get3A_18 = arith.constant 0 : index
    %get3A_19 = vector.load %arg6[%get3A_17, %get3A_18] : memref<128x64xf32, #tpu.memory_space<vmem>>, vector<128x64xf32>
    %dot_general3A_20 = arith.constant dense<0.000000e+00> : vector<64x64xf32>
    %dot_general3A_21 = tpu.matmul %max3A_16, %get3A_19, %dot_general3A_20 {dimension_numbers = #tpu.dot_dimension_numbers<[1], [0], [0], [1], [0, 0, 1, 1], [], []>, transpose_lhs_hint = false} : vector<64x128xf32>, vector<128x64xf32>, vector<64x64xf32> -> vector<64x64xf32>
    %get3A_22 = arith.constant 0 : index
    %get3A_23 = arith.constant 0 : index
    %get3A_24 = vector.load %arg7[%get3A_22, %get3A_23] : memref<1x64xf32, #tpu.memory_space<vmem>>, vector<1x64xf32>
    %add3A_25 = vector.broadcast %get3A_24 : vector<1x64xf32> to vector<64x64xf32>
    %add3A_26 = arith.addf %dot_general3A_21, %add3A_25 : vector<64x64xf32>
    %max3A_27 = arith.constant 0.000000e+00 : f32
    %max3A_28 = vector.broadcast %max3A_27 : f32 to vector<64x64xf32>
    %max3A_29 = arith.maximumf %add3A_26, %max3A_28 : vector<64x64xf32>
    %get3A_30 = arith.constant 0 : index
    %get3A_31 = arith.constant 0 : index
    %get3A_32 = vector.load %arg8[%get3A_30, %get3A_31] : memref<64x14xf32, #tpu.memory_space<vmem>>, vector<64x14xf32>
    %dot_general3A_33 = arith.constant dense<0.000000e+00> : vector<64x14xf32>
    %dot_general3A_34 = tpu.matmul %max3A_29, %get3A_32, %dot_general3A_33 {dimension_numbers = #tpu.dot_dimension_numbers<[1], [0], [0], [1], [0, 0, 1, 1], [], []>, transpose_lhs_hint = false} : vector<64x64xf32>, vector<64x14xf32>, vector<64x14xf32> -> vector<64x14xf32>
    %get3A_35 = arith.constant 0 : index
    %get3A_36 = arith.constant 0 : index
    %get3A_37 = vector.load %arg9[%get3A_35, %get3A_36] : memref<1x14xf32, #tpu.memory_space<vmem>>, vector<1x14xf32>
    %add3A_38 = vector.broadcast %get3A_37 : vector<1x14xf32> to vector<64x14xf32>
    %add3A_39 = arith.addf %dot_general3A_34, %add3A_38 : vector<64x14xf32>
    %get3A_40 = arith.constant 0 : index
    %get3A_41 = arith.constant 0 : index
    %get3A_42 = vector.load %arg1[%get3A_40, %get3A_41] : memref<64x512xf32, #tpu.memory_space<vmem>>, vector<64x512xf32>
    %mul3A = arith.constant 7.812500e-03 : f32
    %mul3A_43 = vector.broadcast %mul3A : f32 to vector<64x512xf32>
    %mul3A_44 = arith.mulf %get3A_42, %mul3A_43 : vector<64x512xf32>
    %get3A_45 = arith.constant 0 : index
    %get3A_46 = arith.constant 0 : index
    %get3A_47 = vector.load %arg2[%get3A_45, %get3A_46] : memref<512x1024xf32, #tpu.memory_space<vmem>>, vector<512x1024xf32>
    %dot_general3A_48 = arith.constant dense<0.000000e+00> : vector<64x1024xf32>
    %dot_general3A_49 = tpu.matmul %mul3A_44, %get3A_47, %dot_general3A_48 {dimension_numbers = #tpu.dot_dimension_numbers<[1], [0], [0], [1], [0, 0, 1, 1], [], []>, transpose_lhs_hint = false} : vector<64x512xf32>, vector<512x1024xf32>, vector<64x1024xf32> -> vector<64x1024xf32>
    %get3A_50 = arith.constant 0 : index
    %get3A_51 = arith.constant 0 : index
    %get3A_52 = vector.load %arg3[%get3A_50, %get3A_51] : memref<1x1024xf32, #tpu.memory_space<vmem>>, vector<1x1024xf32>
    %add3A_53 = vector.broadcast %get3A_52 : vector<1x1024xf32> to vector<64x1024xf32>
    %add3A_54 = arith.addf %dot_general3A_49, %add3A_53 : vector<64x1024xf32>
    %max3A_55 = arith.constant 0.000000e+00 : f32
    %max3A_56 = vector.broadcast %max3A_55 : f32 to vector<64x1024xf32>
    %max3A_57 = arith.maximumf %add3A_54, %max3A_56 : vector<64x1024xf32>
    %get3A_58 = arith.constant 0 : index
    %get3A_59 = arith.constant 0 : index
    %get3A_60 = vector.load %arg10[%get3A_58, %get3A_59] : memref<1024x512xf32, #tpu.memory_space<vmem>>, vector<1024x512xf32>
    %dot_general3A_61 = arith.constant dense<0.000000e+00> : vector<64x512xf32>
    %dot_general3A_62 = tpu.matmul %max3A_57, %get3A_60, %dot_general3A_61 {dimension_numbers = #tpu.dot_dimension_numbers<[1], [0], [0], [1], [0, 0, 1, 1], [], []>, transpose_lhs_hint = false} : vector<64x1024xf32>, vector<1024x512xf32>, vector<64x512xf32> -> vector<64x512xf32>
    %get3A_63 = arith.constant 0 : index
    %get3A_64 = arith.constant 0 : index
    %get3A_65 = vector.load %arg11[%get3A_63, %get3A_64] : memref<1x512xf32, #tpu.memory_space<vmem>>, vector<1x512xf32>
    %add3A_66 = vector.broadcast %get3A_65 : vector<1x512xf32> to vector<64x512xf32>
    %add3A_67 = arith.addf %dot_general3A_62, %add3A_66 : vector<64x512xf32>
    %max3A_68 = arith.constant 0.000000e+00 : f32
    %max3A_69 = vector.broadcast %max3A_68 : f32 to vector<64x512xf32>
    %max3A_70 = arith.maximumf %add3A_67, %max3A_69 : vector<64x512xf32>
    %get3A_71 = arith.constant 0 : index
    %get3A_72 = arith.constant 0 : index
    %get3A_73 = vector.load %arg12[%get3A_71, %get3A_72] : memref<512x256xf32, #tpu.memory_space<vmem>>, vector<512x256xf32>
    %dot_general3A_74 = arith.constant dense<0.000000e+00> : vector<64x256xf32>
    %dot_general3A_75 = tpu.matmul %max3A_70, %get3A_73, %dot_general3A_74 {dimension_numbers = #tpu.dot_dimension_numbers<[1], [0], [0], [1], [0, 0, 1, 1], [], []>, transpose_lhs_hint = false} : vector<64x512xf32>, vector<512x256xf32>, vector<64x256xf32> -> vector<64x256xf32>
    %get3A_76 = arith.constant 0 : index
    %get3A_77 = arith.constant 0 : index
    %get3A_78 = vector.load %arg13[%get3A_76, %get3A_77] : memref<1x256xf32, #tpu.memory_space<vmem>>, vector<1x256xf32>
    %add3A_79 = vector.broadcast %get3A_78 : vector<1x256xf32> to vector<64x256xf32>
    %add3A_80 = arith.addf %dot_general3A_75, %add3A_79 : vector<64x256xf32>
    %max3A_81 = arith.constant 0.000000e+00 : f32
    %max3A_82 = vector.broadcast %max3A_81 : f32 to vector<64x256xf32>
    %max3A_83 = arith.maximumf %add3A_80, %max3A_82 : vector<64x256xf32>
    %get3A_84 = arith.constant 0 : index
    %get3A_85 = arith.constant 0 : index
    %get3A_86 = vector.load %arg14[%get3A_84, %get3A_85] : memref<256x14xf32, #tpu.memory_space<vmem>>, vector<256x14xf32>
    %dot_general3A_87 = arith.constant dense<0.000000e+00> : vector<64x14xf32>
    %dot_general3A_88 = tpu.matmul %max3A_83, %get3A_86, %dot_general3A_87 {dimension_numbers = #tpu.dot_dimension_numbers<[1], [0], [0], [1], [0, 0, 1, 1], [], []>, transpose_lhs_hint = false} : vector<64x256xf32>, vector<256x14xf32>, vector<64x14xf32> -> vector<64x14xf32>
    %get3A_89 = arith.constant 0 : index
    %get3A_90 = arith.constant 0 : index
    %get3A_91 = vector.load %arg15[%get3A_89, %get3A_90] : memref<1x14xf32, #tpu.memory_space<vmem>>, vector<1x14xf32>
    %add3A_92 = vector.broadcast %get3A_91 : vector<1x14xf32> to vector<64x14xf32>
    %add3A_93 = arith.addf %dot_general3A_88, %add3A_92 : vector<64x14xf32>
    %add3A_94 = arith.addf %add3A_39, %add3A_93 : vector<64x14xf32>
    %swap3A = arith.constant 0 : index
    %swap3A_95 = arith.constant 0 : index
    %swap3A_96 = vector.load %arg16[%swap3A, %swap3A_95] : memref<64x14xf32, #tpu.memory_space<vmem>>, vector<64x14xf32>
    tpu.vector_store %arg16[%swap3A, %swap3A_95], %add3A_94 {strides = array<i32>} : memref<64x14xf32, #tpu.memory_space<vmem>>, vector<64x14xf32>,
    return
  }
}

</mosaic_0001>

<sc_bundles>
// kernel: kernel.22.cloned.1.call-start
scs
__scs_entry_jumppad:
0x0: {  	(pc) =	sbr.rel $0x88, $3  }
0x1: {  	(tag) =	ssettag $0x0;
	lr =	simm.s32 $0x1  }
0x2: {  	[smem:$0x3F88] =	sst lr;
	_ =	strace $0xD0000000  }
0x3: {  	_ = 	snop  }
0x4: {  	_ = 	snop  }
0x5: {  	_ = 	snop  }
0x6: {  	_ = 	snop  }
0x7: {  	_ = 	snop  }
__scs_overlays_trampoline_lowered:
0x8: {  	[smem:$0x3F97] =	sst s0  }
0x9: {  	[smem:$0x3F98] =	sst s1  }
0xa: {  	[smem:$0x3F99] =	sst s2  }
0xb: {  	[smem:$0x3F9A] =	sst s3  }
0xc: {  	[smem:$0x3F9B] =	sst s4  }
0xd: {  	[smem:$0x3F9C] =	sst s5  }
0xe: {  	[smem:$0x3F9D] =	sst s6  }
0xf: {  	[smem:$0x3F9E] =	sst s7  }
0x10: {  	[smem:$0x3F9F] =	sst s8  }
0x11: {  	[smem:$0x3FA0] =	sst s9;
	s0 =	simm.s32 @!p0 $0x0  }
0x12: {  	s1 =	sld [smem:$0x3F86];
	s0 =	simm.s32 @p0 $0x1  }
0x13: {  	[smem:$0x3FA1] =	sst s0;
	s0 =	simm.s32 @!p1 $0x0  }
0x14: {  	s2 =	sld [smem:$0x3F85];
	s0 =	simm.s32 @p1 $0x1  }
0x15: {  	[smem:$0x3FA2] =	sst s0;
	s0 =	simm.s32 @!p2 $0x0  }
0x16: {  	s3 =	sld [smem:$0x3FDB];
	s0 =	simm.s32 @p2 $0x1  }
0x17: {  	s4 =	simm.s32 $0x1BF5;
	[smem:$0x3FA4] =	sst s0  }
0x18: {  	s0 =	sld [smem:$0x3F87];
	_ =	swait.ge [sflag:s4], $0x0  }
0x19: {  	s7 =	sld [smem:$0x3F88]  }
0x1a: {  	s8 =	sadd.s32 $0xFFFFE003, lr  }
0x1b: {  	s9 =	sadd.s32 $0xFFFFFEF7, lr;
	s5 =	simm.s32 $0xFFFFFFFF;
	p2 =	slt.u32 s8, $0xFFFFF086  }
0x1c: {  	p1 =	slt.u32 s9, $0xF7A;
	s5 =	simm.s32 @!p2 $0x0  }
0x1d: {  	s5 =	simm.s32 @p1 $0x1;
	p0 =	seq.s32 s7, s2  }
0x1e: {  	s7 =	smul.u32 @!p0 $0xF7A, s2;
	p2 =	seq.s32 @!p0 s5, $0x0  }
0x1f: {  	s9 =	smul.u32 $0xF7A, s1;
	s8 =	simm.s32 @!p0 $0x1BF5;
	p2 =	por !p2, p0  }
0x20: {  	[sflag:s8] =	ssyncset.s32 @!p0 $0xFFFFF086;
	s6 =	sadd.s32 @!p0 s3, s7;
	s7 =	simm.s32 @!p0 $0x108  }
0x21: {  	s3 =	sadd.s32 s3, s9;
	s6 =	sadd.s32 @!p0 $0x88, s6;
	s7 =	simm.s32 @p2 $0x1082  }
0x22: {  	[simem:s7], [sflag:s8] =	dma.local @!p0 [hbm:s6], $0xF7A  }
0x23: {  	s9 =	sor.u32 $0xD0000000, s2;
	s6 =	simm.s32 $0x108;
	_ =	swait.ge @!p0 [sflag:s8], $0x0  }
0x24: {  	s3 =	sadd.s32 $0x88, s3;
	s6 =	simm.s32 @!p1 $0x1082;
	[sflag:s4] =	ssyncset.s32 $0xFFFFF086  }
0x25: {  	[simem:s6], [sflag:s4] =	dma.local [hbm:s3], $0xF7A  }
0x26: {  	[smem:$0x3F88] =	sst s1;
	(tag) =	ssettag s2;
	_ =	strace s9  }
0x27: {  	s1 =	sld [smem:$0x3F98]  }
0x28: {  	s2 =	sld [smem:$0x3F99]  }
0x29: {  	s4 =	sld [smem:$0x3F9B]  }
0x2a: {  	p0 =	seq.s32 s5, $0x0;
	s5 =	sld [smem:$0x3F9C]  }
0x2b: {  	s6 =	sld [smem:$0x3F9D]  }
0x2c: {  	s7 =	sld [smem:$0x3F9E]  }
0x2d: {  	s3 =	simm.s32 $0x108;
	s8 =	sld [smem:$0x3F9F]  }
0x2e: {  	s3 =	simm.s32 @!p0 $0x1082;
	s9 =	sld [smem:$0x3FA0]  }
0x2f: {  	lr =	sadd.s32 s0, s3;
	s0 =	sld [smem:$0x3F97]  }
0x30: {  	s3 =	sld [smem:$0x3F9A]  }
0x31: {  	[smem:$0x3FA3] =	sst s10  }
0x32: {  	s10 =	sld [smem:$0x3FA1];
	_ =	sdelay $0x3  }
0x33: {  	p0 =	seq.s32 s10, $0x1;
	s10 =	sld [smem:$0x3FA3];
	_ =	sdelay $0x3  }
0x34: {  	[smem:$0x3FA3] =	sst s10  }
0x35: {  	s10 =	sld [smem:$0x3FA2];
	_ =	sdelay $0x3  }
0x36: {  	p1 =	seq.s32 s10, $0x1;
	s10 =	sld [smem:$0x3FA3];
	_ =	sdelay $0x3  }
0x37: {  	[smem:$0x3FA3] =	sst s10  }
0x38: {  	s10 =	sld [smem:$0x3FA4]  }
0x39: {  	_ = 	snop;
	(pc) =	sbr.ind lr, $3  }
0x3a: {  	_ = 	snop  }
0x3b: {  	_ = 	snop  }
0x3c: {  	p2 =	seq.s32 s10, $0x1;
	s10 =	sld [smem:$0x3FA3]  }
0x3d: {  	_ =	shalt  }
0x3e: {  	_ =	shalt  }
0x3f: {  	_ =	shalt  }
0x40: {  	_ =	shalt  }
0x41: {  	_ =	shalt  }
0x42: {  	_ =	shalt  }
0x43: {  	_ =	shalt  }
0x44: {  	_ =	shalt  }
0x45: {  	_ =	shalt  }
0x46: {  	_ =	shalt  }
0x47: {  	_ =	shalt  }
0x48: {  	_ =	shalt  }
0x49: {  	_ =	shalt  }
0x4a: {  	_ =	shalt  }
0x4b: {  	_ =	shalt  }
0x4c: {  	_ =	shalt  }
0x4d: {  	_ =	shalt  }
0x4e: {  	_ =	shalt  }
0x4f: {  	_ =	shalt  }
0x50: {  	_ =	shalt  }
0x51: {  	_ =	shalt  }
0x52: {  	_ =	shalt  }
0x53: {  	_ =	shalt  }
0x54: {  	_ =	shalt  }
0x55: {  	_ =	shalt  }
0x56: {  	_ =	shalt  }
0x57: {  	_ =	shalt  }
0x58: {  	_ =	shalt  }
0x59: {  	_ =	shalt  }
0x5a: {  	_ =	shalt  }
0x5b: {  	_ =	shalt  }
0x5c: {  	_ =	shalt  }
0x5d: {  	_ =	shalt  }
0x5e: {  	_ =	shalt  }
0x5f: {  	_ =	shalt  }
0x60: {  	_ =	shalt  }
0x61: {  	_ =	shalt  }
0x62: {  	_ =	shalt  }
0x63: {  	_ =	shalt  }
0x64: {  	_ =	shalt  }
0x65: {  	_ =	shalt  }
0x66: {  	_ =	shalt  }
0x67: {  	_ =	shalt  }
0x68: {  	_ =	shalt  }
0x69: {  	_ =	shalt  }
0x6a: {  	_ =	shalt  }
0x6b: {  	_ =	shalt  }
0x6c: {  	_ =	shalt  }
0x6d: {  	_ =	shalt  }
0x6e: {  	_ =	shalt  }
0x6f: {  	_ =	shalt  }
0x70: {  	_ =	shalt  }
0x71: {  	_ =	shalt  }
0x72: {  	_ =	shalt  }
0x73: {  	_ =	shalt  }
0x74: {  	_ =	shalt  }
0x75: {  	_ =	shalt  }
0x76: {  	_ =	shalt  }
0x77: {  	_ =	shalt  }
0x78: {  	_ =	shalt  }
0x79: {  	_ =	shalt  }
0x7a: {  	_ =	shalt  }
0x7b: {  	_ =	shalt  }
0x7c: {  	_ =	shalt  }
0x7d: {  	_ =	shalt  }
0x7e: {  	_ =	shalt  }
0x7f: {  	_ =	shalt  }
0x80: {  	_ =	shalt  }
0x81: {  	_ =	shalt  }
0x82: {  	_ =	shalt  }
0x83: {  	_ =	shalt  }
0x84: {  	_ =	shalt  }
0x85: {  	_ =	shalt  }
0x86: {  	_ =	shalt  }
0x87: {  	_ =	shalt  }
.Lfunc_end0:
.L_simem_size_0:
called_computation_lowered:
.L_overlay_start_0:
0x88: {  	s2 =	sld [smem:$0x3FD9]  }
0x89: {  	s3 =	sld [smem:$0x3FFE];
	_ =	sdelay $0x1  }
0x8a: {  	s1 =	srdreg.scid  }
0x8b: {  	s0 =	sand.u32 $0x1, s1  }
0x8c: {  	s16 =	sshll.u32 s0, $0xA;
	s2 =	sadd.s32 s3, s2  }
0x8d: {  	s2 =	sadd.s32 s2, s16  }
0x8e: {  	[smem:$0x3FAF] =	sst s2  }
0x8f: {  	_ = 	snop  }
0x90: {  	(tm) =	ssettm $0x1  }
0x91: {  	s17 =	sld [smem:$0x3FFB];
	_ =	sdelay $0x3  }
0x92: {  	_ =	strace s17  }
0x93: {  	s2 =	sld [smem:$0x3FFC];
	_ =	sdelay $0x3  }
0x94: {  	_ =	strace s2  }
0x95: {  	s2 =	sld [smem:$0x3FFD];
	_ =	sdelay $0x3  }
0x96: {  	_ =	strace s2  }
0x97: {  	_ =	strace $0x8FFFFFFF  }
0x98: {  	s18 =	sld [smem:$0x3FDB];
	_ =	sdelay $0x1  }
0x99: {  	s19 =	simm.s32 $_scs_section_size  }
0x9a: {  	s4 =	simm.s32 $_size__tile_overlayer_lowered;
	s5 =	simm.s32 $_tile_overlayer_lowered  }
0x9b: {  	s22 =	simm.s32 $0x1BFF;
	s21 =	sshll.u32 s5, $0x1;
	s2 =	sadd.s32 s19, s18  }
0x9c: {  	s6 =	simm.s32 $0x0;
	s20 =	sshll.u32 s4, $0x1;
	s4 =	sadd.s32 s21, s2  }
0x9d: {  	[timem:s6], [sflag:s22] =	dma.local [hbm:s4], s20  }
0x9e: {  	_ =	swait.ge [sflag:s22], s20  }
0x9f: {  	s3 =	ssub.s32 $0x0, s20;
	[sflag:s22] =	ssyncset.done $0x0  }
0xa0: {  	[sflag:s22] =	ssyncadd.s32 s3;
	_ =	sdelay $0x1  }
0xa1: {  	s23 =	simm.s32 $0x1B8B  }
0xa2: {  	_ =	swait.ge [sflag:s23], $0x1  }
0xa3: {  	[sflag:s23] =	ssyncset.done $0x0  }
0xa4: {  	s25 =	simm.s32 $0x1B8E;
	s24 =	sld [smem:$0x3FFE];
	[sflag:s23] =	ssyncadd.s32 $0xFFFFFFFF  }
0xa5: {  	s26 =	simm.s32 $execute0_lowered;
	[smem:$0x3FD2] =	sst s25  }
0xa6: {  	s4 =	sshll.u32 s26, $0x1;
	_ =	strace $0x80000046;
	[dreg:$0x1] =	wrdreg $0xFFFFFFFF  }
0xa7: {  	s28 =	simm.s32 $_size_execute0_lowered;
	s2 =	sadd.s32 s2, s4;
	[dreg:$0x0] =	wrdreg $0x0  }
0xa8: {  	s4 =	sshll.u32 s28, $0x1;
	[dreg:$0x2] =	wrdreg s2  }
0xa9: {  	[dreg:$0x3] =	wrdreg s4  }
0xaa: {  	[dreg:$0x4] =	wrdreg $0xC0  }
0xab: {  	_ =	task [dreg:s6], $0x5FFFF  }
0xac: {  	[dreg:$0x1] =	wrdreg $0xFFFFFFFF  }
0xad: {  	[dreg:$0x0] =	wrdreg $0x60  }
0xae: {  	[dreg:$0x2] =	wrdreg s24  }
0xaf: {  	[dreg:$0x3] =	wrdreg $0x0  }
0xb0: {  	[dreg:$0x4] =	wrdreg $0x9  }
0xb1: {  	_ =	task.clear_ibuf [dreg:s6], $0x5FFFF;
	_ =	strace $0x90000046  }
0xb2: {  	s29 =	simm.s32 $0x9;
	_ =	strace $0x80000048  }
0xb3: {  	_ =	swait.ge [sflag:s29], $0x1  }
0xb4: {  	[sflag:s29] =	ssyncadd.s32 $0xFFFFFFFF  }
0xb5: {  	_ =	strace $0x90000048  }
0xb6: {  	_ =	sfence  }
0xb7: {  	s30 =	sld [smem:$0x0];
	_ =	sdelay $0x2  }
0xb8: {  	s31 =	sshll.u32 s1, $0xD;
	s1 =	sshrl.u32 s1, $0x2  }
0xb9: {  	s3 =	sand.u32 $0x4000, s31;
	s1 =	sadd.s32 s1, s30  }
0xba: {  	s0 =	sor.u32 s3, s0;
	s1 =	sshll.u32 s1, $0x11  }
0xbb: {  	s0 =	sor.u32 s1, s0  }
0xbc: {  	s0 =	sadd.s32 $0x8F2B, s0  }
0xbd: {  	[sflag:s0] =	ssyncadd.remote.s32 $0x1  }
0xbe: {  	_ =	sfence.sel $0xFFFF  }
0xbf: {  	[dreg:$0x0] =	wrdreg $0xFFFFFFFF;
	(pc) =	sbr.abs _section_cstart, $3  }
0xc0: {  	[dreg:$0x1] =	wrdreg $0xFFFFFFFF  }
0xc1: {  	_ =	task.clear_ibuf [dreg:s6], $0x2FFFF;
	_ =	strace $0x9FFFFFFF  }
0xc2: {  	(tm) =	ssettm $0x7FFFFFFF  }
0xc3: {  	_ =	shalt  }
tec
execute0_lowered:
.L_overlay_start_1:
0x0: {  	(tag) =	ssettag $0x1  }
0x1: {  	s5 =	rddreg [dreg:$0x0]  }
0x2: {  	s2 =	rddreg [dreg:$0x1]  }
0x3: {  	s0 =	rddreg [dreg:$0x2]  }
0x4: {  	s1 =	stileid.u32;
	s4 =	srdreg.scid;
	s3 =	simm.s32 $0x0  }
0x5: {  	s14 =	simm.s32 $0x13C80;
	s15 =	simm.s32 $0x80;
	s16 =	simm.s32 $0x13D00  }
0x6: {  	s17 =	simm.s32 $0x1;
	s18 =	simm.s32 $0x0;
	s6 =	smul.u32 $0x9E0, s1  }
0x7: {  	s7 =	smul.u32 $0x13C00, s1;
	s8 =	sand.u32 $0x1, s4;
	[smem:$0x7FF] =	sst s3  }
0x8: {  	s4 =	sadd.s32 $0x1BE00, s5;
	s28 =	smul.u32 $0x4F000, s1;
	s31 =	sshll.u32 s1, $0x6  }
0x9: {  	s9 =	smul.u32 $0x13C000, s8;
	_ =	strace $0x80000047;
	s29 =	ssub.s32 $0x2, s8  }
0xa: {  	s8 =	smul.u32 $0x4F0, s8;
	s10 =	sadd.s32 s6, s5;
	s30 =	sshrl.u32 s29, $0x1  }
0xb: {  	s26 =	sadd.s32 s7, s9;
	s7 =	sshrl.u32 s7, $0x3;
	s9 =	sshrl.u32 s28, $0x2  }
0xc: {  	s12 =	ssub.s32 s29, s30;
	s10 =	sadd.s32 s8, s10;
	s6 =	sshrl.u32 s26, $0x3  }
0xd: {  	s7 =	sadd.s32 s7, s5;
	s13 =	sadd.s32 s9, s2;
	s8 =	smax.u32 s12, $0x1  }
0xe: {  	s9 =	sadd.s32 $0x12000, s10;
	s10 =	sadd.s32 $0x8200, s10;
	s12 =	simm.s32 $0x2  }
0xf: {  	s11 =	sadd.s32 s6, s5;
	s5 =	sadd.s32 $0x1A2800, s7;
	s6 =	sor.u32 $0x1C02, s31  }
0x10: {  	s7 =	sadd.s32 $0x1CA000, s11;
	s11 =	sshrl.u32 s13, $0x3;
	s13 =	simm.s32 $0x13C00  }
.LBB2_1:
0x11: {  	[spmem:s11], [sflag:s6] =	dma.local [hbm:s5], $0x2780  }
0x12: {  	_ =	swait.ge [sflag:s12], $0x2780  }
0x13: {  	[sflag:s12] =	ssyncset.done $0x0  }
0x14: {  	[sflag:s12] =	ssyncadd.s32 $0xFFFFD880  }
0x15: {  	s19 =	sadd.s32 $0x0, s10;
	[bflag:$0x0] =	sbarrier.arrive $0xFFFF  }
0x16: {  	[tilespmem:s13], [sflag:$0x2] =	stream.linear.gather [hbm4b:s19+s3], $0x80, $0x38;
	[tilespmem:$0x17D00] =	vst v63  }
0x17: {  	_ =	swait.ge [sflag:s12], $0x80  }
0x18: {  	[sflag:s12] =	ssyncset.done $0x0  }
0x19: {  	s31 =	sadd.s32 $0x0, s9;
	[sflag:s12] =	ssyncadd.s32 $0xFFFFFF80  }
0x1a: {  	[tilespmem:s14], [sflag:$0x2] =	stream.linear.gather [hbm4b:s31+s3], $0x80, $0x38;
	[tilespmem:$0x17D00] =	vst v63  }
0x1b: {  	_ =	swait.ge [sflag:s12], $0x80  }
0x1c: {  	[sflag:s12] =	ssyncset.done $0x0  }
0x1d: {  	[sflag:s12] =	ssyncadd.s32 $0xFFFFFF80  }
0x1e: {  	[tilespmem:s16], [sflag:$0x1] =	stream.indirect.gather [hbm4b:s4+s15], $0x80, s13, s15, $0xb8;
	[tilespmem:$0x17D00] =	vst v63  }
0x1f: {  	_ =	swait.ge [sflag:s17], $0x4000  }
0x20: {  	[sflag:s17] =	ssyncset.done $0x0  }
0x21: {  	[sflag:s17] =	ssyncadd.s32 $0xFFFFC000  }
0x22: {  	[spmem:s2] =	stream.indirect.scatter.add.f32 [tilespmem:s16], [sflag:$0x2], $0x80, s14, s15, $0xb8;
	[tilespmem:$0x17D00] =	vst v63  }
0x23: {  	_ =	swait.ge [sflag:s12], $0x4000  }
0x24: {  	s20 =	simm.s32 $0x20;
	s19 =	simm.s32 $0x10;
	[sflag:s12] =	ssyncset.done $0x0  }
.LBB2_2:
0x25: {  	s21 =	sadd.s32 s19, s10  }
0x26: {  	[sflag:s12] =	ssyncadd.s32 $0xFFFFC000;
	s22 =	smov.u32 s20;
	s23 =	sadd.s32 $0x10, s20  }
0x27: {  	[tilespmem:s13], [sflag:$0x2] =	stream.linear.gather [hbm4b:s21+s3], $0x80, $0x38;
	[tilespmem:$0x17D00] =	vst v63  }
0x28: {  	p0 =	sne.s32 s20, $0x4E0;
	_ =	swait.ge [sflag:s12], $0x80  }
0x29: {  	[sflag:s12] =	ssyncset.done $0x0  }
0x2a: {  	s20 =	sadd.s32 s19, s9;
	s19 =	smov.u32 s22;
	[sflag:s12] =	ssyncadd.s32 $0xFFFFFF80  }
0x2b: {  	[tilespmem:s14], [sflag:$0x2] =	stream.linear.gather [hbm4b:s20+s3], $0x80, $0x38;
	[tilespmem:$0x17D00] =	vst v63  }
0x2c: {  	_ =	swait.ge [sflag:s12], $0x80  }
0x2d: {  	[sflag:s12] =	ssyncset.done $0x0  }
0x2e: {  	[sflag:s12] =	ssyncadd.s32 $0xFFFFFF80  }
0x2f: {  	[tilespmem:s16], [sflag:$0x1] =	stream.indirect.gather [hbm4b:s4+s15], $0x80, s13, s15, $0xb8;
	[tilespmem:$0x17D00] =	vst v63  }
0x30: {  	_ =	swait.ge [sflag:s17], $0x4000  }
.Ltmp0:
0x31: {  	[sflag:s17] =	ssyncset.done $0x0;
	(pc) =	sbr.rel @p0 .LBB2_2-.Ltmp0, $4  }
0x32: {  	[sflag:s17] =	ssyncadd.s32 $0xFFFFC000  }
0x33: {  	[spmem:s2] =	stream.indirect.scatter.add.f32 [tilespmem:s16], [sflag:$0x2], $0x80, s14, s15, $0xb8;
	[tilespmem:$0x17D00] =	vst v63  }
0x34: {  	_ =	swait.ge [sflag:s12], $0x4000  }
0x35: {  	s20 =	smov.u32 s23;
	[sflag:s12] =	ssyncset.done $0x0  }
0x36: {  	s20 =	sadd.s32 s19, s10;
	[sflag:s12] =	ssyncadd.s32 $0xFFFFC000  }
0x37: {  	[tilespmem:s13], [sflag:$0x2] =	stream.linear.gather [hbm4b:s20+s3], $0x80, $0x38;
	[tilespmem:$0x17D00] =	vst v63  }
0x38: {  	_ =	swait.ge [sflag:s12], $0x80  }
0x39: {  	[sflag:s12] =	ssyncset.done $0x0  }
0x3a: {  	s31 =	sadd.s32 s19, s9;
	[sflag:s12] =	ssyncadd.s32 $0xFFFFFF80  }
0x3b: {  	[tilespmem:s14], [sflag:$0x2] =	stream.linear.gather [hbm4b:s31+s3], $0x80, $0x38;
	[tilespmem:$0x17D00] =	vst v63  }
0x3c: {  	_ =	swait.ge [sflag:s12], $0x80  }
0x3d: {  	[sflag:s12] =	ssyncset.done $0x0  }
0x3e: {  	[sflag:s12] =	ssyncadd.s32 $0xFFFFFF80  }
0x3f: {  	[tilespmem:s16], [sflag:$0x1] =	stream.indirect.gather [hbm4b:s4+s15], $0x80, s13, s15, $0xb8;
	[tilespmem:$0x17D00] =	vst v63  }
0x40: {  	_ =	swait.ge [sflag:s17], $0x4000  }
0x41: {  	[sflag:s17] =	ssyncset.done $0x0  }
0x42: {  	[sflag:s17] =	ssyncadd.s32 $0xFFFFC000  }
0x43: {  	[spmem:s2] =	stream.indirect.scatter.add.f32 [tilespmem:s16], [sflag:$0x2], $0x80, s14, s15, $0xb8;
	[tilespmem:$0x17D00] =	vst v63  }
0x44: {  	_ =	swait.ge [sflag:s12], $0x4000  }
0x45: {  	s18 =	sadd.s32 $0x1, s18;
	[sflag:s12] =	ssyncset.done $0x0  }
0x46: {  	p0 =	sne.s32 s18, s8;
	[sflag:s12] =	ssyncadd.s32 $0xFFFFC000  }
.Ltmp1:
0x47: {  	[bflag:$0x0] =	sbarrier.arrive $0xFFFF;
	(pc) =	sbr.rel @p0 .LBB2_1-.Ltmp1, $4  }
0x48: {  	[hbm:s7], [sflag:s6] =	dma.local [spmem:s11], $0x2780  }
0x49: {  	_ =	swait.ge [sflag:s12], $0x2780  }
0x4a: {  	[sflag:s12] =	ssyncset.done $0x0  }
0x4b: {  	[sflag:s12] =	ssyncadd.s32 $0xFFFFD880  }
0x4c: {  	_ =	sfence.sel $0x180000  }
0x4d: {  	[bflag:$0x0] =	sbarrier.arrive $0xFFFF  }
0x4e: {  	p0 =	sne.s32 s1, $0x0;
	_ =	strace $0x90000047  }
0x4f: {  	s0 =	sadd.s32 @!p0 $0x100000, s0;
	[bflag:$0x2] =	sbarrier.arrive $0xFFFF  }
0x50: {  	[sflag:s0] =	ssyncadd.tile.s32 @!p0 $0x1;
	_ =	shalt  }
.Lfunc_end2:
_tile_overlayer_lowered:
.L_overlay_start_2:
0x51: {  	(tag) =	ssettag $0x2  }
0x52: {  	s0 =	rddreg [dreg:$0x0];
	s2 =	stileid.u32  }
0x53: {  	s1 =	rddreg [dreg:$0x1];
	p0 =	sne.s32 s2, $0x0  }
0x54: {  	s3 =	rddreg [dreg:$0x2];
	[bflag:$0x3] =	sbarrier.arrive $0xFFFF;
	s2 =	simm.s32 @!p0 $0x1C02  }
0x55: {  	[timem:s3], [sflag:s2] =	dma.local @!p0 [hbm:s0], s1  }
0x56: {  	s0 =	simm.s32 @!p0 $0x2  }
0x57: {  	_ =	swait.ge @!p0 [sflag:s0], s1  }
0x58: {  	s1 =	ssub.s32 @!p0 $0x0, s1;
	[sflag:s0] =	ssyncset.done @!p0 $0x0  }
0x59: {  	[sflag:s0] =	ssyncadd.s32 @!p0 s1  }
0x5a: {  	[bflag:$0x3] =	sbarrier.arrive $0xFFFF  }
0x5b: {  	_ =	shalt  }

// kernel: kernel.25.cloned.1.call-start
scs
__scs_entry_jumppad:
0x0: {  	(pc) =	sbr.rel $0x88, $3  }
0x1: {  	(tag) =	ssettag $0x0;
	lr =	simm.s32 $0x1  }
0x2: {  	[smem:$0x3F88] =	sst lr;
	_ =	strace $0xD0000000  }
0x3: {  	_ = 	snop  }
0x4: {  	_ = 	snop  }
0x5: {  	_ = 	snop  }
0x6: {  	_ = 	snop  }
0x7: {  	_ = 	snop  }
__scs_overlays_trampoline_lowered:
0x8: {  	[smem:$0x3F97] =	sst s0  }
0x9: {  	[smem:$0x3F98] =	sst s1  }
0xa: {  	[smem:$0x3F99] =	sst s2  }
0xb: {  	[smem:$0x3F9A] =	sst s3  }
0xc: {  	[smem:$0x3F9B] =	sst s4  }
0xd: {  	[smem:$0x3F9C] =	sst s5  }
0xe: {  	[smem:$0x3F9D] =	sst s6  }
0xf: {  	[smem:$0x3F9E] =	sst s7  }
0x10: {  	[smem:$0x3F9F] =	sst s8  }
0x11: {  	[smem:$0x3FA0] =	sst s9;
	s0 =	simm.s32 @!p0 $0x0  }
0x12: {  	s1 =	sld [smem:$0x3F86];
	s0 =	simm.s32 @p0 $0x1  }
0x13: {  	[smem:$0x3FA1] =	sst s0;
	s0 =	simm.s32 @!p1 $0x0  }
0x14: {  	s2 =	sld [smem:$0x3F85];
	s0 =	simm.s32 @p1 $0x1  }
0x15: {  	[smem:$0x3FA2] =	sst s0;
	s0 =	simm.s32 @!p2 $0x0  }
0x16: {  	s3 =	sld [smem:$0x3FDB];
	s0 =	simm.s32 @p2 $0x1  }
0x17: {  	s4 =	simm.s32 $0x1BF5;
	[smem:$0x3FA4] =	sst s0  }
0x18: {  	s0 =	sld [smem:$0x3F87];
	_ =	swait.ge [sflag:s4], $0x0  }
0x19: {  	s7 =	sld [smem:$0x3F88]  }
0x1a: {  	s8 =	sadd.s32 $0xFFFFE003, lr  }
0x1b: {  	s9 =	sadd.s32 $0xFFFFFEF7, lr;
	s5 =	simm.s32 $0xFFFFFFFF;
	p2 =	slt.u32 s8, $0xFFFFF086  }
0x1c: {  	p1 =	slt.u32 s9, $0xF7A;
	s5 =	simm.s32 @!p2 $0x0  }
0x1d: {  	s5 =	simm.s32 @p1 $0x1;
	p0 =	seq.s32 s7, s2  }
0x1e: {  	s7 =	smul.u32 @!p0 $0xF7A, s2;
	p2 =	seq.s32 @!p0 s5, $0x0  }
0x1f: {  	s9 =	smul.u32 $0xF7A, s1;
	s8 =	simm.s32 @!p0 $0x1BF5;
	p2 =	por !p2, p0  }
0x20: {  	[sflag:s8] =	ssyncset.s32 @!p0 $0xFFFFF086;
	s6 =	sadd.s32 @!p0 s3, s7;
	s7 =	simm.s32 @!p0 $0x108  }
0x21: {  	s3 =	sadd.s32 s3, s9;
	s6 =	sadd.s32 @!p0 $0x88, s6;
	s7 =	simm.s32 @p2 $0x1082  }
0x22: {  	[simem:s7], [sflag:s8] =	dma.local @!p0 [hbm:s6], $0xF7A  }
0x23: {  	s9 =	sor.u32 $0xD0000000, s2;
	s6 =	simm.s32 $0x108;
	_ =	swait.ge @!p0 [sflag:s8], $0x0  }
0x24: {  	s3 =	sadd.s32 $0x88, s3;
	s6 =	simm.s32 @!p1 $0x1082;
	[sflag:s4] =	ssyncset.s32 $0xFFFFF086  }
0x25: {  	[simem:s6], [sflag:s4] =	dma.local [hbm:s3], $0xF7A  }
0x26: {  	[smem:$0x3F88] =	sst s1;
	(tag) =	ssettag s2;
	_ =	strace s9  }
0x27: {  	s1 =	sld [smem:$0x3F98]  }
0x28: {  	s2 =	sld [smem:$0x3F99]  }
0x29: {  	s4 =	sld [smem:$0x3F9B]  }
0x2a: {  	p0 =	seq.s32 s5, $0x0;
	s5 =	sld [smem:$0x3F9C]  }
0x2b: {  	s6 =	sld [smem:$0x3F9D]  }
0x2c: {  	s7 =	sld [smem:$0x3F9E]  }
0x2d: {  	s3 =	simm.s32 $0x108;
	s8 =	sld [smem:$0x3F9F]  }
0x2e: {  	s3 =	simm.s32 @!p0 $0x1082;
	s9 =	sld [smem:$0x3FA0]  }
0x2f: {  	lr =	sadd.s32 s0, s3;
	s0 =	sld [smem:$0x3F97]  }
0x30: {  	s3 =	sld [smem:$0x3F9A]  }
0x31: {  	[smem:$0x3FA3] =	sst s10  }
0x32: {  	s10 =	sld [smem:$0x3FA1];
	_ =	sdelay $0x3  }
0x33: {  	p0 =	seq.s32 s10, $0x1;
	s10 =	sld [smem:$0x3FA3];
	_ =	sdelay $0x3  }
0x34: {  	[smem:$0x3FA3] =	sst s10  }
0x35: {  	s10 =	sld [smem:$0x3FA2];
	_ =	sdelay $0x3  }
0x36: {  	p1 =	seq.s32 s10, $0x1;
	s10 =	sld [smem:$0x3FA3];
	_ =	sdelay $0x3  }
0x37: {  	[smem:$0x3FA3] =	sst s10  }
0x38: {  	s10 =	sld [smem:$0x3FA4]  }
0x39: {  	_ = 	snop;
	(pc) =	sbr.ind lr, $3  }
0x3a: {  	_ = 	snop  }
0x3b: {  	_ = 	snop  }
0x3c: {  	p2 =	seq.s32 s10, $0x1;
	s10 =	sld [smem:$0x3FA3]  }
0x3d: {  	_ =	shalt  }
0x3e: {  	_ =	shalt  }
0x3f: {  	_ =	shalt  }
0x40: {  	_ =	shalt  }
0x41: {  	_ =	shalt  }
0x42: {  	_ =	shalt  }
0x43: {  	_ =	shalt  }
0x44: {  	_ =	shalt  }
0x45: {  	_ =	shalt  }
0x46: {  	_ =	shalt  }
0x47: {  	_ =	shalt  }
0x48: {  	_ =	shalt  }
0x49: {  	_ =	shalt  }
0x4a: {  	_ =	shalt  }
0x4b: {  	_ =	shalt  }
0x4c: {  	_ =	shalt  }
0x4d: {  	_ =	shalt  }
0x4e: {  	_ =	shalt  }
0x4f: {  	_ =	shalt  }
0x50: {  	_ =	shalt  }
0x51: {  	_ =	shalt  }
0x52: {  	_ =	shalt  }
0x53: {  	_ =	shalt  }
0x54: {  	_ =	shalt  }
0x55: {  	_ =	shalt  }
0x56: {  	_ =	shalt  }
0x57: {  	_ =	shalt  }
0x58: {  	_ =	shalt  }
0x59: {  	_ =	shalt  }
0x5a: {  	_ =	shalt  }
0x5b: {  	_ =	shalt  }
0x5c: {  	_ =	shalt  }
0x5d: {  	_ =	shalt  }
0x5e: {  	_ =	shalt  }
0x5f: {  	_ =	shalt  }
0x60: {  	_ =	shalt  }
0x61: {  	_ =	shalt  }
0x62: {  	_ =	shalt  }
0x63: {  	_ =	shalt  }
0x64: {  	_ =	shalt  }
0x65: {  	_ =	shalt  }
0x66: {  	_ =	shalt  }
0x67: {  	_ =	shalt  }
0x68: {  	_ =	shalt  }
0x69: {  	_ =	shalt  }
0x6a: {  	_ =	shalt  }
0x6b: {  	_ =	shalt  }
0x6c: {  	_ =	shalt  }
0x6d: {  	_ =	shalt  }
0x6e: {  	_ =	shalt  }
0x6f: {  	_ =	shalt  }
0x70: {  	_ =	shalt  }
0x71: {  	_ =	shalt  }
0x72: {  	_ =	shalt  }
0x73: {  	_ =	shalt  }
0x74: {  	_ =	shalt  }
0x75: {  	_ =	shalt  }
0x76: {  	_ =	shalt  }
0x77: {  	_ =	shalt  }
0x78: {  	_ =	shalt  }
0x79: {  	_ =	shalt  }
0x7a: {  	_ =	shalt  }
0x7b: {  	_ =	shalt  }
0x7c: {  	_ =	shalt  }
0x7d: {  	_ =	shalt  }
0x7e: {  	_ =	shalt  }
0x7f: {  	_ =	shalt  }
0x80: {  	_ =	shalt  }
0x81: {  	_ =	shalt  }
0x82: {  	_ =	shalt  }
0x83: {  	_ =	shalt  }
0x84: {  	_ =	shalt  }
0x85: {  	_ =	shalt  }
0x86: {  	_ =	shalt  }
0x87: {  	_ =	shalt  }
.Lfunc_end0:
.L_simem_size_0:
called_computation.1_lowered:
.L_overlay_start_0:
0x88: {  	s2 =	sld [smem:$0x3FD9]  }
0x89: {  	s3 =	sld [smem:$0x3FFE];
	_ =	sdelay $0x1  }
0x8a: {  	s1 =	srdreg.scid  }
0x8b: {  	s0 =	sand.u32 $0x1, s1  }
0x8c: {  	s16 =	sshll.u32 s0, $0xA;
	s2 =	sadd.s32 s3, s2  }
0x8d: {  	s2 =	sadd.s32 s2, s16  }
0x8e: {  	[smem:$0x3FAF] =	sst s2  }
0x8f: {  	_ = 	snop  }
0x90: {  	(tm) =	ssettm $0x1  }
0x91: {  	s17 =	sld [smem:$0x3FFB];
	_ =	sdelay $0x3  }
0x92: {  	_ =	strace s17  }
0x93: {  	s2 =	sld [smem:$0x3FFC];
	_ =	sdelay $0x3  }
0x94: {  	_ =	strace s2  }
0x95: {  	s2 =	sld [smem:$0x3FFD];
	_ =	sdelay $0x3  }
0x96: {  	_ =	strace s2  }
0x97: {  	_ =	strace $0x8FFFFFFF  }
0x98: {  	s18 =	sld [smem:$0x3FDB];
	_ =	sdelay $0x1  }
0x99: {  	s19 =	simm.s32 $_scs_section_size  }
0x9a: {  	s4 =	simm.s32 $_size__tile_overlayer_lowered;
	s5 =	simm.s32 $_tile_overlayer_lowered  }
0x9b: {  	s22 =	simm.s32 $0x1BFF;
	s21 =	sshll.u32 s5, $0x1;
	s2 =	sadd.s32 s19, s18  }
0x9c: {  	s6 =	simm.s32 $0x0;
	s20 =	sshll.u32 s4, $0x1;
	s4 =	sadd.s32 s21, s2  }
0x9d: {  	[timem:s6], [sflag:s22] =	dma.local [hbm:s4], s20  }
0x9e: {  	_ =	swait.ge [sflag:s22], s20  }
0x9f: {  	s3 =	ssub.s32 $0x0, s20;
	[sflag:s22] =	ssyncset.done $0x0  }
0xa0: {  	[sflag:s22] =	ssyncadd.s32 s3;
	_ =	sdelay $0x1  }
0xa1: {  	s23 =	simm.s32 $0x1B8B  }
0xa2: {  	_ =	swait.ge [sflag:s23], $0x1  }
0xa3: {  	[sflag:s23] =	ssyncset.done $0x0  }
0xa4: {  	s25 =	simm.s32 $0x1B8E;
	s24 =	sld [smem:$0x3FFE];
	[sflag:s23] =	ssyncadd.s32 $0xFFFFFFFF  }
0xa5: {  	s26 =	simm.s32 $execute0_lowered;
	[smem:$0x3FD2] =	sst s25  }
0xa6: {  	s4 =	sshll.u32 s26, $0x1;
	_ =	strace $0x80000049;
	[dreg:$0x1] =	wrdreg $0xFFFFFFFF  }
0xa7: {  	s28 =	simm.s32 $_size_execute0_lowered;
	s2 =	sadd.s32 s2, s4;
	[dreg:$0x0] =	wrdreg $0x0  }
0xa8: {  	s4 =	sshll.u32 s28, $0x1;
	[dreg:$0x2] =	wrdreg s2  }
0xa9: {  	[dreg:$0x3] =	wrdreg s4  }
0xaa: {  	[dreg:$0x4] =	wrdreg $0xC0  }
0xab: {  	_ =	task [dreg:s6], $0x5FFFF  }
0xac: {  	[dreg:$0x1] =	wrdreg $0xFFFFFFFF  }
0xad: {  	[dreg:$0x0] =	wrdreg $0x60  }
0xae: {  	[dreg:$0x2] =	wrdreg s24  }
0xaf: {  	[dreg:$0x3] =	wrdreg $0x0  }
0xb0: {  	[dreg:$0x4] =	wrdreg $0x9  }
0xb1: {  	_ =	task.clear_ibuf [dreg:s6], $0x5FFFF;
	_ =	strace $0x90000049  }
0xb2: {  	s29 =	simm.s32 $0x9;
	_ =	strace $0x8000004B  }
0xb3: {  	_ =	swait.ge [sflag:s29], $0x1  }
0xb4: {  	[sflag:s29] =	ssyncadd.s32 $0xFFFFFFFF  }
0xb5: {  	_ =	strace $0x9000004B  }
0xb6: {  	_ =	sfence  }
0xb7: {  	s30 =	sld [smem:$0x0];
	_ =	sdelay $0x2  }
0xb8: {  	s31 =	sshll.u32 s1, $0xD;
	s1 =	sshrl.u32 s1, $0x2  }
0xb9: {  	s3 =	sand.u32 $0x4000, s31;
	s1 =	sadd.s32 s1, s30  }
0xba: {  	s0 =	sor.u32 s3, s0;
	s1 =	sshll.u32 s1, $0x11  }
0xbb: {  	s0 =	sor.u32 s1, s0  }
0xbc: {  	s0 =	sadd.s32 $0x8F2B, s0  }
0xbd: {  	[sflag:s0] =	ssyncadd.remote.s32 $0x1  }
0xbe: {  	_ =	sfence.sel $0xFFFF  }
0xbf: {  	[dreg:$0x0] =	wrdreg $0xFFFFFFFF;
	(pc) =	sbr.abs _section_cstart, $3  }
0xc0: {  	[dreg:$0x1] =	wrdreg $0xFFFFFFFF  }
0xc1: {  	_ =	task.clear_ibuf [dreg:s6], $0x2FFFF;
	_ =	strace $0x9FFFFFFF  }
0xc2: {  	(tm) =	ssettm $0x7FFFFFFF  }
0xc3: {  	_ =	shalt  }
tec
execute0_lowered:
.L_overlay_start_1:
0x0: {  	(tag) =	ssettag $0x1  }
0x1: {  	s5 =	rddreg [dreg:$0x0]  }
0x2: {  	s2 =	rddreg [dreg:$0x1]  }
0x3: {  	s0 =	rddreg [dreg:$0x2]  }
0x4: {  	s1 =	stileid.u32;
	s4 =	srdreg.scid;
	s3 =	simm.s32 $0x0  }
0x5: {  	s14 =	simm.s32 $0x13C80;
	s15 =	simm.s32 $0x80;
	s16 =	simm.s32 $0x13D00  }
0x6: {  	s17 =	simm.s32 $0x1;
	s18 =	simm.s32 $0x0;
	s6 =	smul.u32 $0x9E0, s1  }
0x7: {  	s7 =	smul.u32 $0x13C00, s1;
	s8 =	sand.u32 $0x1, s4;
	[smem:$0x7FF] =	sst s3  }
0x8: {  	s4 =	sadd.s32 $0x1BE00, s5;
	s28 =	smul.u32 $0x4F000, s1;
	s31 =	sshll.u32 s1, $0x6  }
0x9: {  	s9 =	smul.u32 $0x13C000, s8;
	_ =	strace $0x8000004A;
	s29 =	ssub.s32 $0x2, s8  }
0xa: {  	s8 =	smul.u32 $0x4F0, s8;
	s10 =	sadd.s32 s6, s5;
	s30 =	sshrl.u32 s29, $0x1  }
0xb: {  	s26 =	sadd.s32 s7, s9;
	s7 =	sshrl.u32 s7, $0x3;
	s9 =	sshrl.u32 s28, $0x2  }
0xc: {  	s12 =	ssub.s32 s29, s30;
	s10 =	sadd.s32 s8, s10;
	s6 =	sshrl.u32 s26, $0x3  }
0xd: {  	s7 =	sadd.s32 s7, s5;
	s13 =	sadd.s32 s9, s2;
	s8 =	smax.u32 s12, $0x1  }
0xe: {  	s9 =	sadd.s32 $0x12000, s10;
	s10 =	sadd.s32 $0x8200, s10;
	s12 =	simm.s32 $0x2  }
0xf: {  	s11 =	sadd.s32 s6, s5;
	s5 =	sadd.s32 $0x1A2800, s7;
	s6 =	sor.u32 $0x1C02, s31  }
0x10: {  	s7 =	sadd.s32 $0x1CA000, s11;
	s11 =	sshrl.u32 s13, $0x3;
	s13 =	simm.s32 $0x13C00  }
.LBB2_1:
0x11: {  	[spmem:s11], [sflag:s6] =	dma.local [hbm:s5], $0x2780  }
0x12: {  	_ =	swait.ge [sflag:s12], $0x2780  }
0x13: {  	[sflag:s12] =	ssyncset.done $0x0  }
0x14: {  	[sflag:s12] =	ssyncadd.s32 $0xFFFFD880  }
0x15: {  	s19 =	sadd.s32 $0x0, s10;
	[bflag:$0x0] =	sbarrier.arrive $0xFFFF  }
0x16: {  	[tilespmem:s13], [sflag:$0x2] =	stream.linear.gather [hbm4b:s19+s3], $0x80, $0x38;
	[tilespmem:$0x17D00] =	vst v63  }
0x17: {  	_ =	swait.ge [sflag:s12], $0x80  }
0x18: {  	[sflag:s12] =	ssyncset.done $0x0  }
0x19: {  	s31 =	sadd.s32 $0x0, s9;
	[sflag:s12] =	ssyncadd.s32 $0xFFFFFF80  }
0x1a: {  	[tilespmem:s14], [sflag:$0x2] =	stream.linear.gather [hbm4b:s31+s3], $0x80, $0x38;
	[tilespmem:$0x17D00] =	vst v63  }
0x1b: {  	_ =	swait.ge [sflag:s12], $0x80  }
0x1c: {  	[sflag:s12] =	ssyncset.done $0x0  }
0x1d: {  	[sflag:s12] =	ssyncadd.s32 $0xFFFFFF80  }
0x1e: {  	[tilespmem:s16], [sflag:$0x1] =	stream.indirect.gather [hbm4b:s4+s15], $0x80, s13, s15, $0xb8;
	[tilespmem:$0x17D00] =	vst v63  }
0x1f: {  	_ =	swait.ge [sflag:s17], $0x4000  }
0x20: {  	[sflag:s17] =	ssyncset.done $0x0  }
0x21: {  	[sflag:s17] =	ssyncadd.s32 $0xFFFFC000  }
0x22: {  	[spmem:s2] =	stream.indirect.scatter.add.f32 [tilespmem:s16], [sflag:$0x2], $0x80, s14, s15, $0xb8;
	[tilespmem:$0x17D00] =	vst v63  }
0x23: {  	_ =	swait.ge [sflag:s12], $0x4000  }
0x24: {  	s20 =	simm.s32 $0x20;
	s19 =	simm.s32 $0x10;
	[sflag:s12] =	ssyncset.done $0x0  }
.LBB2_2:
0x25: {  	s21 =	sadd.s32 s19, s10  }
0x26: {  	[sflag:s12] =	ssyncadd.s32 $0xFFFFC000;
	s22 =	smov.u32 s20;
	s23 =	sadd.s32 $0x10, s20  }
0x27: {  	[tilespmem:s13], [sflag:$0x2] =	stream.linear.gather [hbm4b:s21+s3], $0x80, $0x38;
	[tilespmem:$0x17D00] =	vst v63  }
0x28: {  	p0 =	sne.s32 s20, $0x4E0;
	_ =	swait.ge [sflag:s12], $0x80  }
0x29: {  	[sflag:s12] =	ssyncset.done $0x0  }
0x2a: {  	s20 =	sadd.s32 s19, s9;
	s19 =	smov.u32 s22;
	[sflag:s12] =	ssyncadd.s32 $0xFFFFFF80  }
0x2b: {  	[tilespmem:s14], [sflag:$0x2] =	stream.linear.gather [hbm4b:s20+s3], $0x80, $0x38;
	[tilespmem:$0x17D00] =	vst v63  }
0x2c: {  	_ =	swait.ge [sflag:s12], $0x80  }
0x2d: {  	[sflag:s12] =	ssyncset.done $0x0  }
0x2e: {  	[sflag:s12] =	ssyncadd.s32 $0xFFFFFF80  }
0x2f: {  	[tilespmem:s16], [sflag:$0x1] =	stream.indirect.gather [hbm4b:s4+s15], $0x80, s13, s15, $0xb8;
	[tilespmem:$0x17D00] =	vst v63  }
0x30: {  	_ =	swait.ge [sflag:s17], $0x4000  }
.Ltmp0:
0x31: {  	[sflag:s17] =	ssyncset.done $0x0;
	(pc) =	sbr.rel @p0 .LBB2_2-.Ltmp0, $4  }
0x32: {  	[sflag:s17] =	ssyncadd.s32 $0xFFFFC000  }
0x33: {  	[spmem:s2] =	stream.indirect.scatter.add.f32 [tilespmem:s16], [sflag:$0x2], $0x80, s14, s15, $0xb8;
	[tilespmem:$0x17D00] =	vst v63  }
0x34: {  	_ =	swait.ge [sflag:s12], $0x4000  }
0x35: {  	s20 =	smov.u32 s23;
	[sflag:s12] =	ssyncset.done $0x0  }
0x36: {  	s20 =	sadd.s32 s19, s10;
	[sflag:s12] =	ssyncadd.s32 $0xFFFFC000  }
0x37: {  	[tilespmem:s13], [sflag:$0x2] =	stream.linear.gather [hbm4b:s20+s3], $0x80, $0x38;
	[tilespmem:$0x17D00] =	vst v63  }
0x38: {  	_ =	swait.ge [sflag:s12], $0x80  }
0x39: {  	[sflag:s12] =	ssyncset.done $0x0  }
0x3a: {  	s31 =	sadd.s32 s19, s9;
	[sflag:s12] =	ssyncadd.s32 $0xFFFFFF80  }
0x3b: {  	[tilespmem:s14], [sflag:$0x2] =	stream.linear.gather [hbm4b:s31+s3], $0x80, $0x38;
	[tilespmem:$0x17D00] =	vst v63  }
0x3c: {  	_ =	swait.ge [sflag:s12], $0x80  }
0x3d: {  	[sflag:s12] =	ssyncset.done $0x0  }
0x3e: {  	[sflag:s12] =	ssyncadd.s32 $0xFFFFFF80  }
0x3f: {  	[tilespmem:s16], [sflag:$0x1] =	stream.indirect.gather [hbm4b:s4+s15], $0x80, s13, s15, $0xb8;
	[tilespmem:$0x17D00] =	vst v63  }
0x40: {  	_ =	swait.ge [sflag:s17], $0x4000  }
0x41: {  	[sflag:s17] =	ssyncset.done $0x0  }
0x42: {  	[sflag:s17] =	ssyncadd.s32 $0xFFFFC000  }
0x43: {  	[spmem:s2] =	stream.indirect.scatter.add.f32 [tilespmem:s16], [sflag:$0x2], $0x80, s14, s15, $0xb8;
	[tilespmem:$0x17D00] =	vst v63  }
0x44: {  	_ =	swait.ge [sflag:s12], $0x4000  }
0x45: {  	s18 =	sadd.s32 $0x1, s18;
	[sflag:s12] =	ssyncset.done $0x0  }
0x46: {  	p0 =	sne.s32 s18, s8;
	[sflag:s12] =	ssyncadd.s32 $0xFFFFC000  }
.Ltmp1:
0x47: {  	[bflag:$0x0] =	sbarrier.arrive $0xFFFF;
	(pc) =	sbr.rel @p0 .LBB2_1-.Ltmp1, $4  }
0x48: {  	[hbm:s7], [sflag:s6] =	dma.local [spmem:s11], $0x2780  }
0x49: {  	_ =	swait.ge [sflag:s12], $0x2780  }
0x4a: {  	[sflag:s12] =	ssyncset.done $0x0  }
0x4b: {  	[sflag:s12] =	ssyncadd.s32 $0xFFFFD880  }
0x4c: {  	_ =	sfence.sel $0x180000  }
0x4d: {  	[bflag:$0x0] =	sbarrier.arrive $0xFFFF  }
0x4e: {  	p0 =	sne.s32 s1, $0x0;
	_ =	strace $0x9000004A  }
0x4f: {  	s0 =	sadd.s32 @!p0 $0x100000, s0;
	[bflag:$0x2] =	sbarrier.arrive $0xFFFF  }
0x50: {  	[sflag:s0] =	ssyncadd.tile.s32 @!p0 $0x1;
	_ =	shalt  }
.Lfunc_end2:
_tile_overlayer_lowered:
.L_overlay_start_2:
0x51: {  	(tag) =	ssettag $0x2  }
0x52: {  	s0 =	rddreg [dreg:$0x0];
	s2 =	stileid.u32  }
0x53: {  	s1 =	rddreg [dreg:$0x1];
	p0 =	sne.s32 s2, $0x0  }
0x54: {  	s3 =	rddreg [dreg:$0x2];
	[bflag:$0x3] =	sbarrier.arrive $0xFFFF;
	s2 =	simm.s32 @!p0 $0x1C02  }
0x55: {  	[timem:s3], [sflag:s2] =	dma.local @!p0 [hbm:s0], s1  }
0x56: {  	s0 =	simm.s32 @!p0 $0x2  }
0x57: {  	_ =	swait.ge @!p0 [sflag:s0], s1  }
0x58: {  	s1 =	ssub.s32 @!p0 $0x0, s1;
	[sflag:s0] =	ssyncset.done @!p0 $0x0  }
0x59: {  	[sflag:s0] =	ssyncadd.s32 @!p0 s1  }
0x5a: {  	[bflag:$0x3] =	sbarrier.arrive $0xFFFF  }
0x5b: {  	_ =	shalt  }

// kernel: kernel.28.cloned.1.call-start
scs
__scs_entry_jumppad:
0x0: {  	(pc) =	sbr.rel $0x88, $3  }
0x1: {  	(tag) =	ssettag $0x0;
	lr =	simm.s32 $0x1  }
0x2: {  	[smem:$0x3F88] =	sst lr;
	_ =	strace $0xD0000000  }
0x3: {  	_ = 	snop  }
0x4: {  	_ = 	snop  }
0x5: {  	_ = 	snop  }
0x6: {  	_ = 	snop  }
0x7: {  	_ = 	snop  }
__scs_overlays_trampoline_lowered:
0x8: {  	[smem:$0x3F97] =	sst s0  }
0x9: {  	[smem:$0x3F98] =	sst s1  }
0xa: {  	[smem:$0x3F99] =	sst s2  }
0xb: {  	[smem:$0x3F9A] =	sst s3  }
0xc: {  	[smem:$0x3F9B] =	sst s4  }
0xd: {  	[smem:$0x3F9C] =	sst s5  }
0xe: {  	[smem:$0x3F9D] =	sst s6  }
0xf: {  	[smem:$0x3F9E] =	sst s7  }
0x10: {  	[smem:$0x3F9F] =	sst s8  }
0x11: {  	[smem:$0x3FA0] =	sst s9;
	s0 =	simm.s32 @!p0 $0x0  }
0x12: {  	s1 =	sld [smem:$0x3F86];
	s0 =	simm.s32 @p0 $0x1  }
0x13: {  	[smem:$0x3FA1] =	sst s0;
	s0 =	simm.s32 @!p1 $0x0  }
0x14: {  	s2 =	sld [smem:$0x3F85];
	s0 =	simm.s32 @p1 $0x1  }
0x15: {  	[smem:$0x3FA2] =	sst s0;
	s0 =	simm.s32 @!p2 $0x0  }
0x16: {  	s3 =	sld [smem:$0x3FDB];
	s0 =	simm.s32 @p2 $0x1  }
0x17: {  	s4 =	simm.s32 $0x1BF5;
	[smem:$0x3FA4] =	sst s0  }
0x18: {  	s0 =	sld [smem:$0x3F87];
	_ =	swait.ge [sflag:s4], $0x0  }
0x19: {  	s7 =	sld [smem:$0x3F88]  }
0x1a: {  	s8 =	sadd.s32 $0xFFFFE003, lr  }
0x1b: {  	s9 =	sadd.s32 $0xFFFFFEF7, lr;
	s5 =	simm.s32 $0xFFFFFFFF;
	p2 =	slt.u32 s8, $0xFFFFF086  }
0x1c: {  	p1 =	slt.u32 s9, $0xF7A;
	s5 =	simm.s32 @!p2 $0x0  }
0x1d: {  	s5 =	simm.s32 @p1 $0x1;
	p0 =	seq.s32 s7, s2  }
0x1e: {  	s7 =	smul.u32 @!p0 $0xF7A, s2;
	p2 =	seq.s32 @!p0 s5, $0x0  }
0x1f: {  	s9 =	smul.u32 $0xF7A, s1;
	s8 =	simm.s32 @!p0 $0x1BF5;
	p2 =	por !p2, p0  }
0x20: {  	[sflag:s8] =	ssyncset.s32 @!p0 $0xFFFFF086;
	s6 =	sadd.s32 @!p0 s3, s7;
	s7 =	simm.s32 @!p0 $0x108  }
0x21: {  	s3 =	sadd.s32 s3, s9;
	s6 =	sadd.s32 @!p0 $0x88, s6;
	s7 =	simm.s32 @p2 $0x1082  }
0x22: {  	[simem:s7], [sflag:s8] =	dma.local @!p0 [hbm:s6], $0xF7A  }
0x23: {  	s9 =	sor.u32 $0xD0000000, s2;
	s6 =	simm.s32 $0x108;
	_ =	swait.ge @!p0 [sflag:s8], $0x0  }
0x24: {  	s3 =	sadd.s32 $0x88, s3;
	s6 =	simm.s32 @!p1 $0x1082;
	[sflag:s4] =	ssyncset.s32 $0xFFFFF086  }
0x25: {  	[simem:s6], [sflag:s4] =	dma.local [hbm:s3], $0xF7A  }
0x26: {  	[smem:$0x3F88] =	sst s1;
	(tag) =	ssettag s2;
	_ =	strace s9  }
0x27: {  	s1 =	sld [smem:$0x3F98]  }
0x28: {  	s2 =	sld [smem:$0x3F99]  }
0x29: {  	s4 =	sld [smem:$0x3F9B]  }
0x2a: {  	p0 =	seq.s32 s5, $0x0;
	s5 =	sld [smem:$0x3F9C]  }
0x2b: {  	s6 =	sld [smem:$0x3F9D]  }
0x2c: {  	s7 =	sld [smem:$0x3F9E]  }
0x2d: {  	s3 =	simm.s32 $0x108;
	s8 =	sld [smem:$0x3F9F]  }
0x2e: {  	s3 =	simm.s32 @!p0 $0x1082;
	s9 =	sld [smem:$0x3FA0]  }
0x2f: {  	lr =	sadd.s32 s0, s3;
	s0 =	sld [smem:$0x3F97]  }
0x30: {  	s3 =	sld [smem:$0x3F9A]  }
0x31: {  	[smem:$0x3FA3] =	sst s10  }
0x32: {  	s10 =	sld [smem:$0x3FA1];
	_ =	sdelay $0x3  }
0x33: {  	p0 =	seq.s32 s10, $0x1;
	s10 =	sld [smem:$0x3FA3];
	_ =	sdelay $0x3  }
0x34: {  	[smem:$0x3FA3] =	sst s10  }
0x35: {  	s10 =	sld [smem:$0x3FA2];
	_ =	sdelay $0x3  }
0x36: {  	p1 =	seq.s32 s10, $0x1;
	s10 =	sld [smem:$0x3FA3];
	_ =	sdelay $0x3  }
0x37: {  	[smem:$0x3FA3] =	sst s10  }
0x38: {  	s10 =	sld [smem:$0x3FA4]  }
0x39: {  	_ = 	snop;
	(pc) =	sbr.ind lr, $3  }
0x3a: {  	_ = 	snop  }
0x3b: {  	_ = 	snop  }
0x3c: {  	p2 =	seq.s32 s10, $0x1;
	s10 =	sld [smem:$0x3FA3]  }
0x3d: {  	_ =	shalt  }
0x3e: {  	_ =	shalt  }
0x3f: {  	_ =	shalt  }
0x40: {  	_ =	shalt  }
0x41: {  	_ =	shalt  }
0x42: {  	_ =	shalt  }
0x43: {  	_ =	shalt  }
0x44: {  	_ =	shalt  }
0x45: {  	_ =	shalt  }
0x46: {  	_ =	shalt  }
0x47: {  	_ =	shalt  }
0x48: {  	_ =	shalt  }
0x49: {  	_ =	shalt  }
0x4a: {  	_ =	shalt  }
0x4b: {  	_ =	shalt  }
0x4c: {  	_ =	shalt  }
0x4d: {  	_ =	shalt  }
0x4e: {  	_ =	shalt  }
0x4f: {  	_ =	shalt  }
0x50: {  	_ =	shalt  }
0x51: {  	_ =	shalt  }
0x52: {  	_ =	shalt  }
0x53: {  	_ =	shalt  }
0x54: {  	_ =	shalt  }
0x55: {  	_ =	shalt  }
0x56: {  	_ =	shalt  }
0x57: {  	_ =	shalt  }
0x58: {  	_ =	shalt  }
0x59: {  	_ =	shalt  }
0x5a: {  	_ =	shalt  }
0x5b: {  	_ =	shalt  }
0x5c: {  	_ =	shalt  }
0x5d: {  	_ =	shalt  }
0x5e: {  	_ =	shalt  }
0x5f: {  	_ =	shalt  }
0x60: {  	_ =	shalt  }
0x61: {  	_ =	shalt  }
0x62: {  	_ =	shalt  }
0x63: {  	_ =	shalt  }
0x64: {  	_ =	shalt  }
0x65: {  	_ =	shalt  }
0x66: {  	_ =	shalt  }
0x67: {  	_ =	shalt  }
0x68: {  	_ =	shalt  }
0x69: {  	_ =	shalt  }
0x6a: {  	_ =	shalt  }
0x6b: {  	_ =	shalt  }
0x6c: {  	_ =	shalt  }
0x6d: {  	_ =	shalt  }
0x6e: {  	_ =	shalt  }
0x6f: {  	_ =	shalt  }
0x70: {  	_ =	shalt  }
0x71: {  	_ =	shalt  }
0x72: {  	_ =	shalt  }
0x73: {  	_ =	shalt  }
0x74: {  	_ =	shalt  }
0x75: {  	_ =	shalt  }
0x76: {  	_ =	shalt  }
0x77: {  	_ =	shalt  }
0x78: {  	_ =	shalt  }
0x79: {  	_ =	shalt  }
0x7a: {  	_ =	shalt  }
0x7b: {  	_ =	shalt  }
0x7c: {  	_ =	shalt  }
0x7d: {  	_ =	shalt  }
0x7e: {  	_ =	shalt  }
0x7f: {  	_ =	shalt  }
0x80: {  	_ =	shalt  }
0x81: {  	_ =	shalt  }
0x82: {  	_ =	shalt  }
0x83: {  	_ =	shalt  }
0x84: {  	_ =	shalt  }
0x85: {  	_ =	shalt  }
0x86: {  	_ =	shalt  }
0x87: {  	_ =	shalt  }
.Lfunc_end0:
.L_simem_size_0:
called_computation.2_lowered:
.L_overlay_start_0:
0x88: {  	s2 =	sld [smem:$0x3FD9]  }
0x89: {  	s3 =	sld [smem:$0x3FFE];
	_ =	sdelay $0x1  }
0x8a: {  	s1 =	srdreg.scid  }
0x8b: {  	s0 =	sand.u32 $0x1, s1  }
0x8c: {  	s16 =	sshll.u32 s0, $0xA;
	s2 =	sadd.s32 s3, s2  }
0x8d: {  	s2 =	sadd.s32 s2, s16  }
0x8e: {  	[smem:$0x3FAF] =	sst s2  }
0x8f: {  	_ = 	snop  }
0x90: {  	(tm) =	ssettm $0x1  }
0x91: {  	s17 =	sld [smem:$0x3FFB];
	_ =	sdelay $0x3  }
0x92: {  	_ =	strace s17  }
0x93: {  	s2 =	sld [smem:$0x3FFC];
	_ =	sdelay $0x3  }
0x94: {  	_ =	strace s2  }
0x95: {  	s2 =	sld [smem:$0x3FFD];
	_ =	sdelay $0x3  }
0x96: {  	_ =	strace s2  }
0x97: {  	_ =	strace $0x8FFFFFFF  }
0x98: {  	s18 =	sld [smem:$0x3FDB];
	_ =	sdelay $0x1  }
0x99: {  	s19 =	simm.s32 $_scs_section_size  }
0x9a: {  	s4 =	simm.s32 $_size__tile_overlayer_lowered;
	s5 =	simm.s32 $_tile_overlayer_lowered  }
0x9b: {  	s22 =	simm.s32 $0x1BFF;
	s21 =	sshll.u32 s5, $0x1;
	s2 =	sadd.s32 s19, s18  }
0x9c: {  	s6 =	simm.s32 $0x0;
	s20 =	sshll.u32 s4, $0x1;
	s4 =	sadd.s32 s21, s2  }
0x9d: {  	[timem:s6], [sflag:s22] =	dma.local [hbm:s4], s20  }
0x9e: {  	_ =	swait.ge [sflag:s22], s20  }
0x9f: {  	s3 =	ssub.s32 $0x0, s20;
	[sflag:s22] =	ssyncset.done $0x0  }
0xa0: {  	[sflag:s22] =	ssyncadd.s32 s3;
	_ =	sdelay $0x1  }
0xa1: {  	s23 =	simm.s32 $0x1B8B  }
0xa2: {  	_ =	swait.ge [sflag:s23], $0x1  }
0xa3: {  	[sflag:s23] =	ssyncset.done $0x0  }
0xa4: {  	s25 =	simm.s32 $0x1B8E;
	s24 =	sld [smem:$0x3FFE];
	[sflag:s23] =	ssyncadd.s32 $0xFFFFFFFF  }
0xa5: {  	s26 =	simm.s32 $execute0_lowered;
	[smem:$0x3FD2] =	sst s25  }
0xa6: {  	s4 =	sshll.u32 s26, $0x1;
	_ =	strace $0x8000004C;
	[dreg:$0x1] =	wrdreg $0xFFFFFFFF  }
0xa7: {  	s28 =	simm.s32 $_size_execute0_lowered;
	s2 =	sadd.s32 s2, s4;
	[dreg:$0x0] =	wrdreg $0x0  }
0xa8: {  	s4 =	sshll.u32 s28, $0x1;
	[dreg:$0x2] =	wrdreg s2  }
0xa9: {  	[dreg:$0x3] =	wrdreg s4  }
0xaa: {  	[dreg:$0x4] =	wrdreg $0xC0  }
0xab: {  	_ =	task [dreg:s6], $0x5FFFF  }
0xac: {  	[dreg:$0x1] =	wrdreg $0xFFFFFFFF  }
0xad: {  	[dreg:$0x0] =	wrdreg $0x60  }
0xae: {  	[dreg:$0x2] =	wrdreg s24  }
0xaf: {  	[dreg:$0x3] =	wrdreg $0x0  }
0xb0: {  	[dreg:$0x4] =	wrdreg $0x9  }
0xb1: {  	_ =	task.clear_ibuf [dreg:s6], $0x5FFFF;
	_ =	strace $0x9000004C  }
0xb2: {  	s29 =	simm.s32 $0x9;
	_ =	strace $0x8000004E  }
0xb3: {  	_ =	swait.ge [sflag:s29], $0x1  }
0xb4: {  	[sflag:s29] =	ssyncadd.s32 $0xFFFFFFFF  }
0xb5: {  	_ =	strace $0x9000004E  }
0xb6: {  	_ =	sfence  }
0xb7: {  	s30 =	sld [smem:$0x0];
	_ =	sdelay $0x2  }
0xb8: {  	s31 =	sshll.u32 s1, $0xD;
	s1 =	sshrl.u32 s1, $0x2  }
0xb9: {  	s3 =	sand.u32 $0x4000, s31;
	s1 =	sadd.s32 s1, s30  }
0xba: {  	s0 =	sor.u32 s3, s0;
	s1 =	sshll.u32 s1, $0x11  }
0xbb: {  	s0 =	sor.u32 s1, s0  }
0xbc: {  	s0 =	sadd.s32 $0x8F2B, s0  }
0xbd: {  	[sflag:s0] =	ssyncadd.remote.s32 $0x1  }
0xbe: {  	_ =	sfence.sel $0xFFFF  }
0xbf: {  	[dreg:$0x0] =	wrdreg $0xFFFFFFFF;
	(pc) =	sbr.abs _section_cstart, $3  }
0xc0: {  	[dreg:$0x1] =	wrdreg $0xFFFFFFFF  }
0xc1: {  	_ =	task.clear_ibuf [dreg:s6], $0x2FFFF;
	_ =	strace $0x9FFFFFFF  }
0xc2: {  	(tm) =	ssettm $0x7FFFFFFF  }
0xc3: {  	_ =	shalt  }
tec
execute0_lowered:
.L_overlay_start_1:
0x0: {  	(tag) =	ssettag $0x1  }
0x1: {  	s5 =	rddreg [dreg:$0x0]  }
0x2: {  	s2 =	rddreg [dreg:$0x1]  }
0x3: {  	s0 =	rddreg [dreg:$0x2]  }
0x4: {  	s1 =	stileid.u32;
	s4 =	srdreg.scid;
	s3 =	simm.s32 $0x0  }
0x5: {  	s14 =	simm.s32 $0x13C80;
	s15 =	simm.s32 $0x80;
	s16 =	simm.s32 $0x13D00  }
0x6: {  	s17 =	simm.s32 $0x1;
	s18 =	simm.s32 $0x0;
	s6 =	smul.u32 $0x9E0, s1  }
0x7: {  	s7 =	smul.u32 $0x13C00, s1;
	s8 =	sand.u32 $0x1, s4;
	[smem:$0x7FF] =	sst s3  }
0x8: {  	s4 =	sadd.s32 $0x1BE00, s5;
	s28 =	smul.u32 $0x4F000, s1;
	s31 =	sshll.u32 s1, $0x6  }
0x9: {  	s9 =	smul.u32 $0x13C000, s8;
	_ =	strace $0x8000004D;
	s29 =	ssub.s32 $0x2, s8  }
0xa: {  	s8 =	smul.u32 $0x4F0, s8;
	s10 =	sadd.s32 s6, s5;
	s30 =	sshrl.u32 s29, $0x1  }
0xb: {  	s26 =	sadd.s32 s7, s9;
	s7 =	sshrl.u32 s7, $0x3;
	s9 =	sshrl.u32 s28, $0x2  }
0xc: {  	s12 =	ssub.s32 s29, s30;
	s10 =	sadd.s32 s8, s10;
	s6 =	sshrl.u32 s26, $0x3  }
0xd: {  	s7 =	sadd.s32 s7, s5;
	s13 =	sadd.s32 s9, s2;
	s8 =	smax.u32 s12, $0x1  }
0xe: {  	s9 =	sadd.s32 $0x12000, s10;
	s10 =	sadd.s32 $0x8200, s10;
	s12 =	simm.s32 $0x2  }
0xf: {  	s11 =	sadd.s32 s6, s5;
	s5 =	sadd.s32 $0x1A2800, s7;
	s6 =	sor.u32 $0x1C02, s31  }
0x10: {  	s7 =	sadd.s32 $0x1CA000, s11;
	s11 =	sshrl.u32 s13, $0x3;
	s13 =	simm.s32 $0x13C00  }
.LBB2_1:
0x11: {  	[spmem:s11], [sflag:s6] =	dma.local [hbm:s5], $0x2780  }
0x12: {  	_ =	swait.ge [sflag:s12], $0x2780  }
0x13: {  	[sflag:s12] =	ssyncset.done $0x0  }
0x14: {  	[sflag:s12] =	ssyncadd.s32 $0xFFFFD880  }
0x15: {  	s19 =	sadd.s32 $0x0, s10;
	[bflag:$0x0] =	sbarrier.arrive $0xFFFF  }
0x16: {  	[tilespmem:s13], [sflag:$0x2] =	stream.linear.gather [hbm4b:s19+s3], $0x80, $0x38;
	[tilespmem:$0x17D00] =	vst v63  }
0x17: {  	_ =	swait.ge [sflag:s12], $0x80  }
0x18: {  	[sflag:s12] =	ssyncset.done $0x0  }
0x19: {  	s31 =	sadd.s32 $0x0, s9;
	[sflag:s12] =	ssyncadd.s32 $0xFFFFFF80  }
0x1a: {  	[tilespmem:s14], [sflag:$0x2] =	stream.linear.gather [hbm4b:s31+s3], $0x80, $0x38;
	[tilespmem:$0x17D00] =	vst v63  }
0x1b: {  	_ =	swait.ge [sflag:s12], $0x80  }
0x1c: {  	[sflag:s12] =	ssyncset.done $0x0  }
0x1d: {  	[sflag:s12] =	ssyncadd.s32 $0xFFFFFF80  }
0x1e: {  	[tilespmem:s16], [sflag:$0x1] =	stream.indirect.gather [hbm4b:s4+s15], $0x80, s13, s15, $0xb8;
	[tilespmem:$0x17D00] =	vst v63  }
0x1f: {  	_ =	swait.ge [sflag:s17], $0x4000  }
0x20: {  	[sflag:s17] =	ssyncset.done $0x0  }
0x21: {  	[sflag:s17] =	ssyncadd.s32 $0xFFFFC000  }
0x22: {  	[spmem:s2] =	stream.indirect.scatter.add.f32 [tilespmem:s16], [sflag:$0x2], $0x80, s14, s15, $0xb8;
	[tilespmem:$0x17D00] =	vst v63  }
0x23: {  	_ =	swait.ge [sflag:s12], $0x4000  }
0x24: {  	s20 =	simm.s32 $0x20;
	s19 =	simm.s32 $0x10;
	[sflag:s12] =	ssyncset.done $0x0  }
.LBB2_2:
0x25: {  	s21 =	sadd.s32 s19, s10  }
0x26: {  	[sflag:s12] =	ssyncadd.s32 $0xFFFFC000;
	s22 =	smov.u32 s20;
	s23 =	sadd.s32 $0x10, s20  }
0x27: {  	[tilespmem:s13], [sflag:$0x2] =	stream.linear.gather [hbm4b:s21+s3], $0x80, $0x38;
	[tilespmem:$0x17D00] =	vst v63  }
0x28: {  	p0 =	sne.s32 s20, $0x4E0;
	_ =	swait.ge [sflag:s12], $0x80  }
0x29: {  	[sflag:s12] =	ssyncset.done $0x0  }
0x2a: {  	s20 =	sadd.s32 s19, s9;
	s19 =	smov.u32 s22;
	[sflag:s12] =	ssyncadd.s32 $0xFFFFFF80  }
0x2b: {  	[tilespmem:s14], [sflag:$0x2] =	stream.linear.gather [hbm4b:s20+s3], $0x80, $0x38;
	[tilespmem:$0x17D00] =	vst v63  }
0x2c: {  	_ =	swait.ge [sflag:s12], $0x80  }
0x2d: {  	[sflag:s12] =	ssyncset.done $0x0  }
0x2e: {  	[sflag:s12] =	ssyncadd.s32 $0xFFFFFF80  }
0x2f: {  	[tilespmem:s16], [sflag:$0x1] =	stream.indirect.gather [hbm4b:s4+s15], $0x80, s13, s15, $0xb8;
	[tilespmem:$0x17D00] =	vst v63  }
0x30: {  	_ =	swait.ge [sflag:s17], $0x4000  }
.Ltmp0:
0x31: {  	[sflag:s17] =	ssyncset.done $0x0;
	(pc) =	sbr.rel @p0 .LBB2_2-.Ltmp0, $4  }
0x32: {  	[sflag:s17] =	ssyncadd.s32 $0xFFFFC000  }
0x33: {  	[spmem:s2] =	stream.indirect.scatter.add.f32 [tilespmem:s16], [sflag:$0x2], $0x80, s14, s15, $0xb8;
	[tilespmem:$0x17D00] =	vst v63  }
0x34: {  	_ =	swait.ge [sflag:s12], $0x4000  }
0x35: {  	s20 =	smov.u32 s23;
	[sflag:s12] =	ssyncset.done $0x0  }
0x36: {  	s20 =	sadd.s32 s19, s10;
	[sflag:s12] =	ssyncadd.s32 $0xFFFFC000  }
0x37: {  	[tilespmem:s13], [sflag:$0x2] =	stream.linear.gather [hbm4b:s20+s3], $0x80, $0x38;
	[tilespmem:$0x17D00] =	vst v63  }
0x38: {  	_ =	swait.ge [sflag:s12], $0x80  }
0x39: {  	[sflag:s12] =	ssyncset.done $0x0  }
0x3a: {  	s31 =	sadd.s32 s19, s9;
	[sflag:s12] =	ssyncadd.s32 $0xFFFFFF80  }
0x3b: {  	[tilespmem:s14], [sflag:$0x2] =	stream.linear.gather [hbm4b:s31+s3], $0x80, $0x38;
	[tilespmem:$0x17D00] =	vst v63  }
0x3c: {  	_ =	swait.ge [sflag:s12], $0x80  }
0x3d: {  	[sflag:s12] =	ssyncset.done $0x0  }
0x3e: {  	[sflag:s12] =	ssyncadd.s32 $0xFFFFFF80  }
0x3f: {  	[tilespmem:s16], [sflag:$0x1] =	stream.indirect.gather [hbm4b:s4+s15], $0x80, s13, s15, $0xb8;
	[tilespmem:$0x17D00] =	vst v63  }
0x40: {  	_ =	swait.ge [sflag:s17], $0x4000  }
0x41: {  	[sflag:s17] =	ssyncset.done $0x0  }
0x42: {  	[sflag:s17] =	ssyncadd.s32 $0xFFFFC000  }
0x43: {  	[spmem:s2] =	stream.indirect.scatter.add.f32 [tilespmem:s16], [sflag:$0x2], $0x80, s14, s15, $0xb8;
	[tilespmem:$0x17D00] =	vst v63  }
0x44: {  	_ =	swait.ge [sflag:s12], $0x4000  }
0x45: {  	s18 =	sadd.s32 $0x1, s18;
	[sflag:s12] =	ssyncset.done $0x0  }
0x46: {  	p0 =	sne.s32 s18, s8;
	[sflag:s12] =	ssyncadd.s32 $0xFFFFC000  }
.Ltmp1:
0x47: {  	[bflag:$0x0] =	sbarrier.arrive $0xFFFF;
	(pc) =	sbr.rel @p0 .LBB2_1-.Ltmp1, $4  }
0x48: {  	[hbm:s7], [sflag:s6] =	dma.local [spmem:s11], $0x2780  }
0x49: {  	_ =	swait.ge [sflag:s12], $0x2780  }
0x4a: {  	[sflag:s12] =	ssyncset.done $0x0  }
0x4b: {  	[sflag:s12] =	ssyncadd.s32 $0xFFFFD880  }
0x4c: {  	_ =	sfence.sel $0x180000  }
0x4d: {  	[bflag:$0x0] =	sbarrier.arrive $0xFFFF  }
0x4e: {  	p0 =	sne.s32 s1, $0x0;
	_ =	strace $0x9000004D  }
0x4f: {  	s0 =	sadd.s32 @!p0 $0x100000, s0;
	[bflag:$0x2] =	sbarrier.arrive $0xFFFF  }
0x50: {  	[sflag:s0] =	ssyncadd.tile.s32 @!p0 $0x1;
	_ =	shalt  }
.Lfunc_end2:
_tile_overlayer_lowered:
.L_overlay_start_2:
0x51: {  	(tag) =	ssettag $0x2  }
0x52: {  	s0 =	rddreg [dreg:$0x0];
	s2 =	stileid.u32  }
0x53: {  	s1 =	rddreg [dreg:$0x1];
	p0 =	sne.s32 s2, $0x0  }
0x54: {  	s3 =	rddreg [dreg:$0x2];
	[bflag:$0x3] =	sbarrier.arrive $0xFFFF;
	s2 =	simm.s32 @!p0 $0x1C02  }
0x55: {  	[timem:s3], [sflag:s2] =	dma.local @!p0 [hbm:s0], s1  }
0x56: {  	s0 =	simm.s32 @!p0 $0x2  }
0x57: {  	_ =	swait.ge @!p0 [sflag:s0], s1  }
0x58: {  	s1 =	ssub.s32 @!p0 $0x0, s1;
	[sflag:s0] =	ssyncset.done @!p0 $0x0  }
0x59: {  	[sflag:s0] =	ssyncadd.s32 @!p0 s1  }
0x5a: {  	[bflag:$0x3] =	sbarrier.arrive $0xFFFF  }
0x5b: {  	_ =	shalt  }

// kernel: kernel.31.cloned.1.call-start
scs
__scs_entry_jumppad:
0x0: {  	(pc) =	sbr.rel $0x88, $3  }
0x1: {  	(tag) =	ssettag $0x0;
	lr =	simm.s32 $0x1  }
0x2: {  	[smem:$0x3F88] =	sst lr;
	_ =	strace $0xD0000000  }
0x3: {  	_ = 	snop  }
0x4: {  	_ = 	snop  }
0x5: {  	_ = 	snop  }
0x6: {  	_ = 	snop  }
0x7: {  	_ = 	snop  }
__scs_overlays_trampoline_lowered:
0x8: {  	[smem:$0x3F97] =	sst s0  }
0x9: {  	[smem:$0x3F98] =	sst s1  }
0xa: {  	[smem:$0x3F99] =	sst s2  }
0xb: {  	[smem:$0x3F9A] =	sst s3  }
0xc: {  	[smem:$0x3F9B] =	sst s4  }
0xd: {  	[smem:$0x3F9C] =	sst s5  }
0xe: {  	[smem:$0x3F9D] =	sst s6  }
0xf: {  	[smem:$0x3F9E] =	sst s7  }
0x10: {  	[smem:$0x3F9F] =	sst s8  }
0x11: {  	[smem:$0x3FA0] =	sst s9;
	s0 =	simm.s32 @!p0 $0x0  }
0x12: {  	s1 =	sld [smem:$0x3F86];
	s0 =	simm.s32 @p0 $0x1  }
0x13: {  	[smem:$0x3FA1] =	sst s0;
	s0 =	simm.s32 @!p1 $0x0  }
0x14: {  	s2 =	sld [smem:$0x3F85];
	s0 =	simm.s32 @p1 $0x1  }
0x15: {  	[smem:$0x3FA2] =	sst s0;
	s0 =	simm.s32 @!p2 $0x0  }
0x16: {  	s3 =	sld [smem:$0x3FDB];
	s0 =	simm.s32 @p2 $0x1  }
0x17: {  	s4 =	simm.s32 $0x1BF5;
	[smem:$0x3FA4] =	sst s0  }
0x18: {  	s0 =	sld [smem:$0x3F87];
	_ =	swait.ge [sflag:s4], $0x0  }
0x19: {  	s7 =	sld [smem:$0x3F88]  }
0x1a: {  	s8 =	sadd.s32 $0xFFFFE003, lr  }
0x1b: {  	s9 =	sadd.s32 $0xFFFFFEF7, lr;
	s5 =	simm.s32 $0xFFFFFFFF;
	p2 =	slt.u32 s8, $0xFFFFF086  }
0x1c: {  	p1 =	slt.u32 s9, $0xF7A;
	s5 =	simm.s32 @!p2 $0x0  }
0x1d: {  	s5 =	simm.s32 @p1 $0x1;
	p0 =	seq.s32 s7, s2  }
0x1e: {  	s7 =	smul.u32 @!p0 $0xF7A, s2;
	p2 =	seq.s32 @!p0 s5, $0x0  }
0x1f: {  	s9 =	smul.u32 $0xF7A, s1;
	s8 =	simm.s32 @!p0 $0x1BF5;
	p2 =	por !p2, p0  }
0x20: {  	[sflag:s8] =	ssyncset.s32 @!p0 $0xFFFFF086;
	s6 =	sadd.s32 @!p0 s3, s7;
	s7 =	simm.s32 @!p0 $0x108  }
0x21: {  	s3 =	sadd.s32 s3, s9;
	s6 =	sadd.s32 @!p0 $0x88, s6;
	s7 =	simm.s32 @p2 $0x1082  }
0x22: {  	[simem:s7], [sflag:s8] =	dma.local @!p0 [hbm:s6], $0xF7A  }
0x23: {  	s9 =	sor.u32 $0xD0000000, s2;
	s6 =	simm.s32 $0x108;
	_ =	swait.ge @!p0 [sflag:s8], $0x0  }
0x24: {  	s3 =	sadd.s32 $0x88, s3;
	s6 =	simm.s32 @!p1 $0x1082;
	[sflag:s4] =	ssyncset.s32 $0xFFFFF086  }
0x25: {  	[simem:s6], [sflag:s4] =	dma.local [hbm:s3], $0xF7A  }
0x26: {  	[smem:$0x3F88] =	sst s1;
	(tag) =	ssettag s2;
	_ =	strace s9  }
0x27: {  	s1 =	sld [smem:$0x3F98]  }
0x28: {  	s2 =	sld [smem:$0x3F99]  }
0x29: {  	s4 =	sld [smem:$0x3F9B]  }
0x2a: {  	p0 =	seq.s32 s5, $0x0;
	s5 =	sld [smem:$0x3F9C]  }
0x2b: {  	s6 =	sld [smem:$0x3F9D]  }
0x2c: {  	s7 =	sld [smem:$0x3F9E]  }
0x2d: {  	s3 =	simm.s32 $0x108;
	s8 =	sld [smem:$0x3F9F]  }
0x2e: {  	s3 =	simm.s32 @!p0 $0x1082;
	s9 =	sld [smem:$0x3FA0]  }
0x2f: {  	lr =	sadd.s32 s0, s3;
	s0 =	sld [smem:$0x3F97]  }
0x30: {  	s3 =	sld [smem:$0x3F9A]  }
0x31: {  	[smem:$0x3FA3] =	sst s10  }
0x32: {  	s10 =	sld [smem:$0x3FA1];
	_ =	sdelay $0x3  }
0x33: {  	p0 =	seq.s32 s10, $0x1;
	s10 =	sld [smem:$0x3FA3];
	_ =	sdelay $0x3  }
0x34: {  	[smem:$0x3FA3] =	sst s10  }
0x35: {  	s10 =	sld [smem:$0x3FA2];
	_ =	sdelay $0x3  }
0x36: {  	p1 =	seq.s32 s10, $0x1;
	s10 =	sld [smem:$0x3FA3];
	_ =	sdelay $0x3  }
0x37: {  	[smem:$0x3FA3] =	sst s10  }
0x38: {  	s10 =	sld [smem:$0x3FA4]  }
0x39: {  	_ = 	snop;
	(pc) =	sbr.ind lr, $3  }
0x3a: {  	_ = 	snop  }
0x3b: {  	_ = 	snop  }
0x3c: {  	p2 =	seq.s32 s10, $0x1;
	s10 =	sld [smem:$0x3FA3]  }
0x3d: {  	_ =	shalt  }
0x3e: {  	_ =	shalt  }
0x3f: {  	_ =	shalt  }
0x40: {  	_ =	shalt  }
0x41: {  	_ =	shalt  }
0x42: {  	_ =	shalt  }
0x43: {  	_ =	shalt  }
0x44: {  	_ =	shalt  }
0x45: {  	_ =	shalt  }
0x46: {  	_ =	shalt  }
0x47: {  	_ =	shalt  }
0x48: {  	_ =	shalt  }
0x49: {  	_ =	shalt  }
0x4a: {  	_ =	shalt  }
0x4b: {  	_ =	shalt  }
0x4c: {  	_ =	shalt  }
0x4d: {  	_ =	shalt  }
0x4e: {  	_ =	shalt  }
0x4f: {  	_ =	shalt  }
0x50: {  	_ =	shalt  }
0x51: {  	_ =	shalt  }
0x52: {  	_ =	shalt  }
0x53: {  	_ =	shalt  }
0x54: {  	_ =	shalt  }
0x55: {  	_ =	shalt  }
0x56: {  	_ =	shalt  }
0x57: {  	_ =	shalt  }
0x58: {  	_ =	shalt  }
0x59: {  	_ =	shalt  }
0x5a: {  	_ =	shalt  }
0x5b: {  	_ =	shalt  }
0x5c: {  	_ =	shalt  }
0x5d: {  	_ =	shalt  }
0x5e: {  	_ =	shalt  }
0x5f: {  	_ =	shalt  }
0x60: {  	_ =	shalt  }
0x61: {  	_ =	shalt  }
0x62: {  	_ =	shalt  }
0x63: {  	_ =	shalt  }
0x64: {  	_ =	shalt  }
0x65: {  	_ =	shalt  }
0x66: {  	_ =	shalt  }
0x67: {  	_ =	shalt  }
0x68: {  	_ =	shalt  }
0x69: {  	_ =	shalt  }
0x6a: {  	_ =	shalt  }
0x6b: {  	_ =	shalt  }
0x6c: {  	_ =	shalt  }
0x6d: {  	_ =	shalt  }
0x6e: {  	_ =	shalt  }
0x6f: {  	_ =	shalt  }
0x70: {  	_ =	shalt  }
0x71: {  	_ =	shalt  }
0x72: {  	_ =	shalt  }
0x73: {  	_ =	shalt  }
0x74: {  	_ =	shalt  }
0x75: {  	_ =	shalt  }
0x76: {  	_ =	shalt  }
0x77: {  	_ =	shalt  }
0x78: {  	_ =	shalt  }
0x79: {  	_ =	shalt  }
0x7a: {  	_ =	shalt  }
0x7b: {  	_ =	shalt  }
0x7c: {  	_ =	shalt  }
0x7d: {  	_ =	shalt  }
0x7e: {  	_ =	shalt  }
0x7f: {  	_ =	shalt  }
0x80: {  	_ =	shalt  }
0x81: {  	_ =	shalt  }
0x82: {  	_ =	shalt  }
0x83: {  	_ =	shalt  }
0x84: {  	_ =	shalt  }
0x85: {  	_ =	shalt  }
0x86: {  	_ =	shalt  }
0x87: {  	_ =	shalt  }
.Lfunc_end0:
.L_simem_size_0:
called_computation.3_lowered:
.L_overlay_start_0:
0x88: {  	s2 =	sld [smem:$0x3FD9]  }
0x89: {  	s3 =	sld [smem:$0x3FFE];
	_ =	sdelay $0x1  }
0x8a: {  	s1 =	srdreg.scid  }
0x8b: {  	s0 =	sand.u32 $0x1, s1  }
0x8c: {  	s16 =	sshll.u32 s0, $0xA;
	s2 =	sadd.s32 s3, s2  }
0x8d: {  	s2 =	sadd.s32 s2, s16  }
0x8e: {  	[smem:$0x3FAF] =	sst s2  }
0x8f: {  	_ = 	snop  }
0x90: {  	(tm) =	ssettm $0x1  }
0x91: {  	s17 =	sld [smem:$0x3FFB];
	_ =	sdelay $0x3  }
0x92: {  	_ =	strace s17  }
0x93: {  	s2 =	sld [smem:$0x3FFC];
	_ =	sdelay $0x3  }
0x94: {  	_ =	strace s2  }
0x95: {  	s2 =	sld [smem:$0x3FFD];
	_ =	sdelay $0x3  }
0x96: {  	_ =	strace s2  }
0x97: {  	_ =	strace $0x8FFFFFFF  }
0x98: {  	s18 =	sld [smem:$0x3FDB];
	_ =	sdelay $0x1  }
0x99: {  	s19 =	simm.s32 $_scs_section_size  }
0x9a: {  	s4 =	simm.s32 $_size__tile_overlayer_lowered;
	s5 =	simm.s32 $_tile_overlayer_lowered  }
0x9b: {  	s22 =	simm.s32 $0x1BFF;
	s21 =	sshll.u32 s5, $0x1;
	s2 =	sadd.s32 s19, s18  }
0x9c: {  	s6 =	simm.s32 $0x0;
	s20 =	sshll.u32 s4, $0x1;
	s4 =	sadd.s32 s21, s2  }
0x9d: {  	[timem:s6], [sflag:s22] =	dma.local [hbm:s4], s20  }
0x9e: {  	_ =	swait.ge [sflag:s22], s20  }
0x9f: {  	s3 =	ssub.s32 $0x0, s20;
	[sflag:s22] =	ssyncset.done $0x0  }
0xa0: {  	[sflag:s22] =	ssyncadd.s32 s3;
	_ =	sdelay $0x1  }
0xa1: {  	s23 =	simm.s32 $0x1B8B  }
0xa2: {  	_ =	swait.ge [sflag:s23], $0x1  }
0xa3: {  	[sflag:s23] =	ssyncset.done $0x0  }
0xa4: {  	s25 =	simm.s32 $0x1B8E;
	s24 =	sld [smem:$0x3FFE];
	[sflag:s23] =	ssyncadd.s32 $0xFFFFFFFF  }
0xa5: {  	s26 =	simm.s32 $execute0_lowered;
	[smem:$0x3FD2] =	sst s25  }
0xa6: {  	s4 =	sshll.u32 s26, $0x1;
	_ =	strace $0x8000004F;
	[dreg:$0x1] =	wrdreg $0xFFFFFFFF  }
0xa7: {  	s28 =	simm.s32 $_size_execute0_lowered;
	s2 =	sadd.s32 s2, s4;
	[dreg:$0x0] =	wrdreg $0x0  }
0xa8: {  	s4 =	sshll.u32 s28, $0x1;
	[dreg:$0x2] =	wrdreg s2  }
0xa9: {  	[dreg:$0x3] =	wrdreg s4  }
0xaa: {  	[dreg:$0x4] =	wrdreg $0xC0  }
0xab: {  	_ =	task [dreg:s6], $0x5FFFF  }
0xac: {  	[dreg:$0x1] =	wrdreg $0xFFFFFFFF  }
0xad: {  	[dreg:$0x0] =	wrdreg $0x60  }
0xae: {  	[dreg:$0x2] =	wrdreg s24  }
0xaf: {  	[dreg:$0x3] =	wrdreg $0x0  }
0xb0: {  	[dreg:$0x4] =	wrdreg $0x9  }
0xb1: {  	_ =	task.clear_ibuf [dreg:s6], $0x5FFFF;
	_ =	strace $0x9000004F  }
0xb2: {  	s29 =	simm.s32 $0x9;
	_ =	strace $0x80000051  }
0xb3: {  	_ =	swait.ge [sflag:s29], $0x1  }
0xb4: {  	[sflag:s29] =	ssyncadd.s32 $0xFFFFFFFF  }
0xb5: {  	_ =	strace $0x90000051  }
0xb6: {  	_ =	sfence  }
0xb7: {  	s30 =	sld [smem:$0x0];
	_ =	sdelay $0x2  }
0xb8: {  	s31 =	sshll.u32 s1, $0xD;
	s1 =	sshrl.u32 s1, $0x2  }
0xb9: {  	s3 =	sand.u32 $0x4000, s31;
	s1 =	sadd.s32 s1, s30  }
0xba: {  	s0 =	sor.u32 s3, s0;
	s1 =	sshll.u32 s1, $0x11  }
0xbb: {  	s0 =	sor.u32 s1, s0  }
0xbc: {  	s0 =	sadd.s32 $0x8F2B, s0  }
0xbd: {  	[sflag:s0] =	ssyncadd.remote.s32 $0x1  }
0xbe: {  	_ =	sfence.sel $0xFFFF  }
0xbf: {  	[dreg:$0x0] =	wrdreg $0xFFFFFFFF;
	(pc) =	sbr.abs _section_cstart, $3  }
0xc0: {  	[dreg:$0x1] =	wrdreg $0xFFFFFFFF  }
0xc1: {  	_ =	task.clear_ibuf [dreg:s6], $0x2FFFF;
	_ =	strace $0x9FFFFFFF  }
0xc2: {  	(tm) =	ssettm $0x7FFFFFFF  }
0xc3: {  	_ =	shalt  }
tec
execute0_lowered:
.L_overlay_start_1:
0x0: {  	(tag) =	ssettag $0x1  }
0x1: {  	s5 =	rddreg [dreg:$0x0]  }
0x2: {  	s2 =	rddreg [dreg:$0x1]  }
0x3: {  	s0 =	rddreg [dreg:$0x2]  }
0x4: {  	s1 =	stileid.u32;
	s4 =	srdreg.scid;
	s3 =	simm.s32 $0x0  }
0x5: {  	s14 =	simm.s32 $0x13C80;
	s15 =	simm.s32 $0x80;
	s16 =	simm.s32 $0x13D00  }
0x6: {  	s17 =	simm.s32 $0x1;
	s18 =	simm.s32 $0x0;
	s6 =	smul.u32 $0x9E0, s1  }
0x7: {  	s7 =	smul.u32 $0x13C00, s1;
	s8 =	sand.u32 $0x1, s4;
	[smem:$0x7FF] =	sst s3  }
0x8: {  	s4 =	sadd.s32 $0x1BE00, s5;
	s28 =	smul.u32 $0x4F000, s1;
	s31 =	sshll.u32 s1, $0x6  }
0x9: {  	s9 =	smul.u32 $0x13C000, s8;
	_ =	strace $0x80000050;
	s29 =	ssub.s32 $0x2, s8  }
0xa: {  	s8 =	smul.u32 $0x4F0, s8;
	s10 =	sadd.s32 s6, s5;
	s30 =	sshrl.u32 s29, $0x1  }
0xb: {  	s26 =	sadd.s32 s7, s9;
	s7 =	sshrl.u32 s7, $0x3;
	s9 =	sshrl.u32 s28, $0x2  }
0xc: {  	s12 =	ssub.s32 s29, s30;
	s10 =	sadd.s32 s8, s10;
	s6 =	sshrl.u32 s26, $0x3  }
0xd: {  	s7 =	sadd.s32 s7, s5;
	s13 =	sadd.s32 s9, s2;
	s8 =	smax.u32 s12, $0x1  }
0xe: {  	s9 =	sadd.s32 $0x12000, s10;
	s10 =	sadd.s32 $0x8200, s10;
	s12 =	simm.s32 $0x2  }
0xf: {  	s11 =	sadd.s32 s6, s5;
	s5 =	sadd.s32 $0x1A2800, s7;
	s6 =	sor.u32 $0x1C02, s31  }
0x10: {  	s7 =	sadd.s32 $0x1CA000, s11;
	s11 =	sshrl.u32 s13, $0x3;
	s13 =	simm.s32 $0x13C00  }
.LBB2_1:
0x11: {  	[spmem:s11], [sflag:s6] =	dma.local [hbm:s5], $0x2780  }
0x12: {  	_ =	swait.ge [sflag:s12], $0x2780  }
0x13: {  	[sflag:s12] =	ssyncset.done $0x0  }
0x14: {  	[sflag:s12] =	ssyncadd.s32 $0xFFFFD880  }
0x15: {  	s19 =	sadd.s32 $0x0, s10;
	[bflag:$0x0] =	sbarrier.arrive $0xFFFF  }
0x16: {  	[tilespmem:s13], [sflag:$0x2] =	stream.linear.gather [hbm4b:s19+s3], $0x80, $0x38;
	[tilespmem:$0x17D00] =	vst v63  }
0x17: {  	_ =	swait.ge [sflag:s12], $0x80  }
0x18: {  	[sflag:s12] =	ssyncset.done $0x0  }
0x19: {  	s31 =	sadd.s32 $0x0, s9;
	[sflag:s12] =	ssyncadd.s32 $0xFFFFFF80  }
0x1a: {  	[tilespmem:s14], [sflag:$0x2] =	stream.linear.gather [hbm4b:s31+s3], $0x80, $0x38;
	[tilespmem:$0x17D00] =	vst v63  }
0x1b: {  	_ =	swait.ge [sflag:s12], $0x80  }
0x1c: {  	[sflag:s12] =	ssyncset.done $0x0  }
0x1d: {  	[sflag:s12] =	ssyncadd.s32 $0xFFFFFF80  }
0x1e: {  	[tilespmem:s16], [sflag:$0x1] =	stream.indirect.gather [hbm4b:s4+s15], $0x80, s13, s15, $0xb8;
	[tilespmem:$0x17D00] =	vst v63  }
0x1f: {  	_ =	swait.ge [sflag:s17], $0x4000  }
0x20: {  	[sflag:s17] =	ssyncset.done $0x0  }
0x21: {  	[sflag:s17] =	ssyncadd.s32 $0xFFFFC000  }
0x22: {  	[spmem:s2] =	stream.indirect.scatter.add.f32 [tilespmem:s16], [sflag:$0x2], $0x80, s14, s15, $0xb8;
	[tilespmem:$0x17D00] =	vst v63  }
0x23: {  	_ =	swait.ge [sflag:s12], $0x4000  }
0x24: {  	s20 =	simm.s32 $0x20;
	s19 =	simm.s32 $0x10;
	[sflag:s12] =	ssyncset.done $0x0  }
.LBB2_2:
0x25: {  	s21 =	sadd.s32 s19, s10  }
0x26: {  	[sflag:s12] =	ssyncadd.s32 $0xFFFFC000;
	s22 =	smov.u32 s20;
	s23 =	sadd.s32 $0x10, s20  }
0x27: {  	[tilespmem:s13], [sflag:$0x2] =	stream.linear.gather [hbm4b:s21+s3], $0x80, $0x38;
	[tilespmem:$0x17D00] =	vst v63  }
0x28: {  	p0 =	sne.s32 s20, $0x4E0;
	_ =	swait.ge [sflag:s12], $0x80  }
0x29: {  	[sflag:s12] =	ssyncset.done $0x0  }
0x2a: {  	s20 =	sadd.s32 s19, s9;
	s19 =	smov.u32 s22;
	[sflag:s12] =	ssyncadd.s32 $0xFFFFFF80  }
0x2b: {  	[tilespmem:s14], [sflag:$0x2] =	stream.linear.gather [hbm4b:s20+s3], $0x80, $0x38;
	[tilespmem:$0x17D00] =	vst v63  }
0x2c: {  	_ =	swait.ge [sflag:s12], $0x80  }
0x2d: {  	[sflag:s12] =	ssyncset.done $0x0  }
0x2e: {  	[sflag:s12] =	ssyncadd.s32 $0xFFFFFF80  }
0x2f: {  	[tilespmem:s16], [sflag:$0x1] =	stream.indirect.gather [hbm4b:s4+s15], $0x80, s13, s15, $0xb8;
	[tilespmem:$0x17D00] =	vst v63  }
0x30: {  	_ =	swait.ge [sflag:s17], $0x4000  }
.Ltmp0:
0x31: {  	[sflag:s17] =	ssyncset.done $0x0;
	(pc) =	sbr.rel @p0 .LBB2_2-.Ltmp0, $4  }
0x32: {  	[sflag:s17] =	ssyncadd.s32 $0xFFFFC000  }
0x33: {  	[spmem:s2] =	stream.indirect.scatter.add.f32 [tilespmem:s16], [sflag:$0x2], $0x80, s14, s15, $0xb8;
	[tilespmem:$0x17D00] =	vst v63  }
0x34: {  	_ =	swait.ge [sflag:s12], $0x4000  }
0x35: {  	s20 =	smov.u32 s23;
	[sflag:s12] =	ssyncset.done $0x0  }
0x36: {  	s20 =	sadd.s32 s19, s10;
	[sflag:s12] =	ssyncadd.s32 $0xFFFFC000  }
0x37: {  	[tilespmem:s13], [sflag:$0x2] =	stream.linear.gather [hbm4b:s20+s3], $0x80, $0x38;
	[tilespmem:$0x17D00] =	vst v63  }
0x38: {  	_ =	swait.ge [sflag:s12], $0x80  }
0x39: {  	[sflag:s12] =	ssyncset.done $0x0  }
0x3a: {  	s31 =	sadd.s32 s19, s9;
	[sflag:s12] =	ssyncadd.s32 $0xFFFFFF80  }
0x3b: {  	[tilespmem:s14], [sflag:$0x2] =	stream.linear.gather [hbm4b:s31+s3], $0x80, $0x38;
	[tilespmem:$0x17D00] =	vst v63  }
0x3c: {  	_ =	swait.ge [sflag:s12], $0x80  }
0x3d: {  	[sflag:s12] =	ssyncset.done $0x0  }
0x3e: {  	[sflag:s12] =	ssyncadd.s32 $0xFFFFFF80  }
0x3f: {  	[tilespmem:s16], [sflag:$0x1] =	stream.indirect.gather [hbm4b:s4+s15], $0x80, s13, s15, $0xb8;
	[tilespmem:$0x17D00] =	vst v63  }
0x40: {  	_ =	swait.ge [sflag:s17], $0x4000  }
0x41: {  	[sflag:s17] =	ssyncset.done $0x0  }
0x42: {  	[sflag:s17] =	ssyncadd.s32 $0xFFFFC000  }
0x43: {  	[spmem:s2] =	stream.indirect.scatter.add.f32 [tilespmem:s16], [sflag:$0x2], $0x80, s14, s15, $0xb8;
	[tilespmem:$0x17D00] =	vst v63  }
0x44: {  	_ =	swait.ge [sflag:s12], $0x4000  }
0x45: {  	s18 =	sadd.s32 $0x1, s18;
	[sflag:s12] =	ssyncset.done $0x0  }
0x46: {  	p0 =	sne.s32 s18, s8;
	[sflag:s12] =	ssyncadd.s32 $0xFFFFC000  }
.Ltmp1:
0x47: {  	[bflag:$0x0] =	sbarrier.arrive $0xFFFF;
	(pc) =	sbr.rel @p0 .LBB2_1-.Ltmp1, $4  }
0x48: {  	[hbm:s7], [sflag:s6] =	dma.local [spmem:s11], $0x2780  }
0x49: {  	_ =	swait.ge [sflag:s12], $0x2780  }
0x4a: {  	[sflag:s12] =	ssyncset.done $0x0  }
0x4b: {  	[sflag:s12] =	ssyncadd.s32 $0xFFFFD880  }
0x4c: {  	_ =	sfence.sel $0x180000  }
0x4d: {  	[bflag:$0x0] =	sbarrier.arrive $0xFFFF  }
0x4e: {  	p0 =	sne.s32 s1, $0x0;
	_ =	strace $0x90000050  }
0x4f: {  	s0 =	sadd.s32 @!p0 $0x100000, s0;
	[bflag:$0x2] =	sbarrier.arrive $0xFFFF  }
0x50: {  	[sflag:s0] =	ssyncadd.tile.s32 @!p0 $0x1;
	_ =	shalt  }
.Lfunc_end2:
_tile_overlayer_lowered:
.L_overlay_start_2:
0x51: {  	(tag) =	ssettag $0x2  }
0x52: {  	s0 =	rddreg [dreg:$0x0];
	s2 =	stileid.u32  }
0x53: {  	s1 =	rddreg [dreg:$0x1];
	p0 =	sne.s32 s2, $0x0  }
0x54: {  	s3 =	rddreg [dreg:$0x2];
	[bflag:$0x3] =	sbarrier.arrive $0xFFFF;
	s2 =	simm.s32 @!p0 $0x1C02  }
0x55: {  	[timem:s3], [sflag:s2] =	dma.local @!p0 [hbm:s0], s1  }
0x56: {  	s0 =	simm.s32 @!p0 $0x2  }
0x57: {  	_ =	swait.ge @!p0 [sflag:s0], s1  }
0x58: {  	s1 =	ssub.s32 @!p0 $0x0, s1;
	[sflag:s0] =	ssyncset.done @!p0 $0x0  }
0x59: {  	[sflag:s0] =	ssyncadd.s32 @!p0 s1  }
0x5a: {  	[bflag:$0x3] =	sbarrier.arrive $0xFFFF  }
0x5b: {  	_ =	shalt  }

// kernel: kernel.34.cloned.1.call-start
scs
__scs_entry_jumppad:
0x0: {  	(pc) =	sbr.rel $0x88, $3  }
0x1: {  	(tag) =	ssettag $0x0;
	lr =	simm.s32 $0x1  }
0x2: {  	[smem:$0x3F88] =	sst lr;
	_ =	strace $0xD0000000  }
0x3: {  	_ = 	snop  }
0x4: {  	_ = 	snop  }
0x5: {  	_ = 	snop  }
0x6: {  	_ = 	snop  }
0x7: {  	_ = 	snop  }
__scs_overlays_trampoline_lowered:
0x8: {  	[smem:$0x3F97] =	sst s0  }
0x9: {  	[smem:$0x3F98] =	sst s1  }
0xa: {  	[smem:$0x3F99] =	sst s2  }
0xb: {  	[smem:$0x3F9A] =	sst s3  }
0xc: {  	[smem:$0x3F9B] =	sst s4  }
0xd: {  	[smem:$0x3F9C] =	sst s5  }
0xe: {  	[smem:$0x3F9D] =	sst s6  }
0xf: {  	[smem:$0x3F9E] =	sst s7  }
0x10: {  	[smem:$0x3F9F] =	sst s8  }
0x11: {  	[smem:$0x3FA0] =	sst s9;
	s0 =	simm.s32 @!p0 $0x0  }
0x12: {  	s1 =	sld [smem:$0x3F86];
	s0 =	simm.s32 @p0 $0x1  }
0x13: {  	[smem:$0x3FA1] =	sst s0;
	s0 =	simm.s32 @!p1 $0x0  }
0x14: {  	s2 =	sld [smem:$0x3F85];
	s0 =	simm.s32 @p1 $0x1  }
0x15: {  	[smem:$0x3FA2] =	sst s0;
	s0 =	simm.s32 @!p2 $0x0  }
0x16: {  	s3 =	sld [smem:$0x3FDB];
	s0 =	simm.s32 @p2 $0x1  }
0x17: {  	s4 =	simm.s32 $0x1BF5;
	[smem:$0x3FA4] =	sst s0  }
0x18: {  	s0 =	sld [smem:$0x3F87];
	_ =	swait.ge [sflag:s4], $0x0  }
0x19: {  	s7 =	sld [smem:$0x3F88]  }
0x1a: {  	s8 =	sadd.s32 $0xFFFFE003, lr  }
0x1b: {  	s9 =	sadd.s32 $0xFFFFFEF7, lr;
	s5 =	simm.s32 $0xFFFFFFFF;
	p2 =	slt.u32 s8, $0xFFFFF086  }
0x1c: {  	p1 =	slt.u32 s9, $0xF7A;
	s5 =	simm.s32 @!p2 $0x0  }
0x1d: {  	s5 =	simm.s32 @p1 $0x1;
	p0 =	seq.s32 s7, s2  }
0x1e: {  	s7 =	smul.u32 @!p0 $0xF7A, s2;
	p2 =	seq.s32 @!p0 s5, $0x0  }
0x1f: {  	s9 =	smul.u32 $0xF7A, s1;
	s8 =	simm.s32 @!p0 $0x1BF5;
	p2 =	por !p2, p0  }
0x20: {  	[sflag:s8] =	ssyncset.s32 @!p0 $0xFFFFF086;
	s6 =	sadd.s32 @!p0 s3, s7;
	s7 =	simm.s32 @!p0 $0x108  }
0x21: {  	s3 =	sadd.s32 s3, s9;
	s6 =	sadd.s32 @!p0 $0x88, s6;
	s7 =	simm.s32 @p2 $0x1082  }
0x22: {  	[simem:s7], [sflag:s8] =	dma.local @!p0 [hbm:s6], $0xF7A  }
0x23: {  	s9 =	sor.u32 $0xD0000000, s2;
	s6 =	simm.s32 $0x108;
	_ =	swait.ge @!p0 [sflag:s8], $0x0  }
0x24: {  	s3 =	sadd.s32 $0x88, s3;
	s6 =	simm.s32 @!p1 $0x1082;
	[sflag:s4] =	ssyncset.s32 $0xFFFFF086  }
0x25: {  	[simem:s6], [sflag:s4] =	dma.local [hbm:s3], $0xF7A  }
0x26: {  	[smem:$0x3F88] =	sst s1;
	(tag) =	ssettag s2;
	_ =	strace s9  }
0x27: {  	s1 =	sld [smem:$0x3F98]  }
0x28: {  	s2 =	sld [smem:$0x3F99]  }
0x29: {  	s4 =	sld [smem:$0x3F9B]  }
0x2a: {  	p0 =	seq.s32 s5, $0x0;
	s5 =	sld [smem:$0x3F9C]  }
0x2b: {  	s6 =	sld [smem:$0x3F9D]  }
0x2c: {  	s7 =	sld [smem:$0x3F9E]  }
0x2d: {  	s3 =	simm.s32 $0x108;
	s8 =	sld [smem:$0x3F9F]  }
0x2e: {  	s3 =	simm.s32 @!p0 $0x1082;
	s9 =	sld [smem:$0x3FA0]  }
0x2f: {  	lr =	sadd.s32 s0, s3;
	s0 =	sld [smem:$0x3F97]  }
0x30: {  	s3 =	sld [smem:$0x3F9A]  }
0x31: {  	[smem:$0x3FA3] =	sst s10  }
0x32: {  	s10 =	sld [smem:$0x3FA1];
	_ =	sdelay $0x3  }
0x33: {  	p0 =	seq.s32 s10, $0x1;
	s10 =	sld [smem:$0x3FA3];
	_ =	sdelay $0x3  }
0x34: {  	[smem:$0x3FA3] =	sst s10  }
0x35: {  	s10 =	sld [smem:$0x3FA2];
	_ =	sdelay $0x3  }
0x36: {  	p1 =	seq.s32 s10, $0x1;
	s10 =	sld [smem:$0x3FA3];
	_ =	sdelay $0x3  }
0x37: {  	[smem:$0x3FA3] =	sst s10  }
0x38: {  	s10 =	sld [smem:$0x3FA4]  }
0x39: {  	_ = 	snop;
	(pc) =	sbr.ind lr, $3  }
0x3a: {  	_ = 	snop  }
0x3b: {  	_ = 	snop  }
0x3c: {  	p2 =	seq.s32 s10, $0x1;
	s10 =	sld [smem:$0x3FA3]  }
0x3d: {  	_ =	shalt  }
0x3e: {  	_ =	shalt  }
0x3f: {  	_ =	shalt  }
0x40: {  	_ =	shalt  }
0x41: {  	_ =	shalt  }
0x42: {  	_ =	shalt  }
0x43: {  	_ =	shalt  }
0x44: {  	_ =	shalt  }
0x45: {  	_ =	shalt  }
0x46: {  	_ =	shalt  }
0x47: {  	_ =	shalt  }
0x48: {  	_ =	shalt  }
0x49: {  	_ =	shalt  }
0x4a: {  	_ =	shalt  }
0x4b: {  	_ =	shalt  }
0x4c: {  	_ =	shalt  }
0x4d: {  	_ =	shalt  }
0x4e: {  	_ =	shalt  }
0x4f: {  	_ =	shalt  }
0x50: {  	_ =	shalt  }
0x51: {  	_ =	shalt  }
0x52: {  	_ =	shalt  }
0x53: {  	_ =	shalt  }
0x54: {  	_ =	shalt  }
0x55: {  	_ =	shalt  }
0x56: {  	_ =	shalt  }
0x57: {  	_ =	shalt  }
0x58: {  	_ =	shalt  }
0x59: {  	_ =	shalt  }
0x5a: {  	_ =	shalt  }
0x5b: {  	_ =	shalt  }
0x5c: {  	_ =	shalt  }
0x5d: {  	_ =	shalt  }
0x5e: {  	_ =	shalt  }
0x5f: {  	_ =	shalt  }
0x60: {  	_ =	shalt  }
0x61: {  	_ =	shalt  }
0x62: {  	_ =	shalt  }
0x63: {  	_ =	shalt  }
0x64: {  	_ =	shalt  }
0x65: {  	_ =	shalt  }
0x66: {  	_ =	shalt  }
0x67: {  	_ =	shalt  }
0x68: {  	_ =	shalt  }
0x69: {  	_ =	shalt  }
0x6a: {  	_ =	shalt  }
0x6b: {  	_ =	shalt  }
0x6c: {  	_ =	shalt  }
0x6d: {  	_ =	shalt  }
0x6e: {  	_ =	shalt  }
0x6f: {  	_ =	shalt  }
0x70: {  	_ =	shalt  }
0x71: {  	_ =	shalt  }
0x72: {  	_ =	shalt  }
0x73: {  	_ =	shalt  }
0x74: {  	_ =	shalt  }
0x75: {  	_ =	shalt  }
0x76: {  	_ =	shalt  }
0x77: {  	_ =	shalt  }
0x78: {  	_ =	shalt  }
0x79: {  	_ =	shalt  }
0x7a: {  	_ =	shalt  }
0x7b: {  	_ =	shalt  }
0x7c: {  	_ =	shalt  }
0x7d: {  	_ =	shalt  }
0x7e: {  	_ =	shalt  }
0x7f: {  	_ =	shalt  }
0x80: {  	_ =	shalt  }
0x81: {  	_ =	shalt  }
0x82: {  	_ =	shalt  }
0x83: {  	_ =	shalt  }
0x84: {  	_ =	shalt  }
0x85: {  	_ =	shalt  }
0x86: {  	_ =	shalt  }
0x87: {  	_ =	shalt  }
.Lfunc_end0:
.L_simem_size_0:
called_computation.4_lowered:
.L_overlay_start_0:
0x88: {  	s2 =	sld [smem:$0x3FD9]  }
0x89: {  	s3 =	sld [smem:$0x3FFE];
	_ =	sdelay $0x1  }
0x8a: {  	s1 =	srdreg.scid  }
0x8b: {  	s0 =	sand.u32 $0x1, s1  }
0x8c: {  	s16 =	sshll.u32 s0, $0xA;
	s2 =	sadd.s32 s3, s2  }
0x8d: {  	s2 =	sadd.s32 s2, s16  }
0x8e: {  	[smem:$0x3FAF] =	sst s2  }
0x8f: {  	_ = 	snop  }
0x90: {  	(tm) =	ssettm $0x1  }
0x91: {  	s17 =	sld [smem:$0x3FFB];
	_ =	sdelay $0x3  }
0x92: {  	_ =	strace s17  }
0x93: {  	s2 =	sld [smem:$0x3FFC];
	_ =	sdelay $0x3  }
0x94: {  	_ =	strace s2  }
0x95: {  	s2 =	sld [smem:$0x3FFD];
	_ =	sdelay $0x3  }
0x96: {  	_ =	strace s2  }
0x97: {  	_ =	strace $0x8FFFFFFF  }
0x98: {  	s18 =	sld [smem:$0x3FDB];
	_ =	sdelay $0x1  }
0x99: {  	s19 =	simm.s32 $_scs_section_size  }
0x9a: {  	s4 =	simm.s32 $_size__tile_overlayer_lowered;
	s5 =	simm.s32 $_tile_overlayer_lowered  }
0x9b: {  	s22 =	simm.s32 $0x1BFF;
	s21 =	sshll.u32 s5, $0x1;
	s2 =	sadd.s32 s19, s18  }
0x9c: {  	s6 =	simm.s32 $0x0;
	s20 =	sshll.u32 s4, $0x1;
	s4 =	sadd.s32 s21, s2  }
0x9d: {  	[timem:s6], [sflag:s22] =	dma.local [hbm:s4], s20  }
0x9e: {  	_ =	swait.ge [sflag:s22], s20  }
0x9f: {  	s3 =	ssub.s32 $0x0, s20;
	[sflag:s22] =	ssyncset.done $0x0  }
0xa0: {  	[sflag:s22] =	ssyncadd.s32 s3;
	_ =	sdelay $0x1  }
0xa1: {  	s23 =	simm.s32 $0x1B8B  }
0xa2: {  	_ =	swait.ge [sflag:s23], $0x1  }
0xa3: {  	[sflag:s23] =	ssyncset.done $0x0  }
0xa4: {  	s25 =	simm.s32 $0x1B8E;
	s24 =	sld [smem:$0x3FFE];
	[sflag:s23] =	ssyncadd.s32 $0xFFFFFFFF  }
0xa5: {  	s26 =	simm.s32 $execute0_lowered;
	[smem:$0x3FD2] =	sst s25  }
0xa6: {  	s4 =	sshll.u32 s26, $0x1;
	_ =	strace $0x80000052;
	[dreg:$0x1] =	wrdreg $0xFFFFFFFF  }
0xa7: {  	s28 =	simm.s32 $_size_execute0_lowered;
	s2 =	sadd.s32 s2, s4;
	[dreg:$0x0] =	wrdreg $0x0  }
0xa8: {  	s4 =	sshll.u32 s28, $0x1;
	[dreg:$0x2] =	wrdreg s2  }
0xa9: {  	[dreg:$0x3] =	wrdreg s4  }
0xaa: {  	[dreg:$0x4] =	wrdreg $0xC0  }
0xab: {  	_ =	task [dreg:s6], $0x5FFFF  }
0xac: {  	[dreg:$0x1] =	wrdreg $0xFFFFFFFF  }
0xad: {  	[dreg:$0x0] =	wrdreg $0x60  }
0xae: {  	[dreg:$0x2] =	wrdreg s24  }
0xaf: {  	[dreg:$0x3] =	wrdreg $0x0  }
0xb0: {  	[dreg:$0x4] =	wrdreg $0x9  }
0xb1: {  	_ =	task.clear_ibuf [dreg:s6], $0x5FFFF;
	_ =	strace $0x90000052  }
0xb2: {  	s29 =	simm.s32 $0x9;
	_ =	strace $0x80000054  }
0xb3: {  	_ =	swait.ge [sflag:s29], $0x1  }
0xb4: {  	[sflag:s29] =	ssyncadd.s32 $0xFFFFFFFF  }
0xb5: {  	_ =	strace $0x90000054  }
0xb6: {  	_ =	sfence  }
0xb7: {  	s30 =	sld [smem:$0x0];
	_ =	sdelay $0x2  }
0xb8: {  	s31 =	sshll.u32 s1, $0xD;
	s1 =	sshrl.u32 s1, $0x2  }
0xb9: {  	s3 =	sand.u32 $0x4000, s31;
	s1 =	sadd.s32 s1, s30  }
0xba: {  	s0 =	sor.u32 s3, s0;
	s1 =	sshll.u32 s1, $0x11  }
0xbb: {  	s0 =	sor.u32 s1, s0  }
0xbc: {  	s0 =	sadd.s32 $0x8F2B, s0  }
0xbd: {  	[sflag:s0] =	ssyncadd.remote.s32 $0x1  }
0xbe: {  	_ =	sfence.sel $0xFFFF  }
0xbf: {  	[dreg:$0x0] =	wrdreg $0xFFFFFFFF;
	(pc) =	sbr.abs _section_cstart, $3  }
0xc0: {  	[dreg:$0x1] =	wrdreg $0xFFFFFFFF  }
0xc1: {  	_ =	task.clear_ibuf [dreg:s6], $0x2FFFF;
	_ =	strace $0x9FFFFFFF  }
0xc2: {  	(tm) =	ssettm $0x7FFFFFFF  }
0xc3: {  	_ =	shalt  }
tec
execute0_lowered:
.L_overlay_start_1:
0x0: {  	(tag) =	ssettag $0x1  }
0x1: {  	s5 =	rddreg [dreg:$0x0]  }
0x2: {  	s2 =	rddreg [dreg:$0x1]  }
0x3: {  	s0 =	rddreg [dreg:$0x2]  }
0x4: {  	s1 =	stileid.u32;
	s4 =	srdreg.scid;
	s3 =	simm.s32 $0x0  }
0x5: {  	s14 =	simm.s32 $0x13C80;
	s15 =	simm.s32 $0x80;
	s16 =	simm.s32 $0x13D00  }
0x6: {  	s17 =	simm.s32 $0x1;
	s18 =	simm.s32 $0x0;
	s6 =	smul.u32 $0x9E0, s1  }
0x7: {  	s7 =	smul.u32 $0x13C00, s1;
	s8 =	sand.u32 $0x1, s4;
	[smem:$0x7FF] =	sst s3  }
0x8: {  	s4 =	sadd.s32 $0x1BE00, s5;
	s28 =	smul.u32 $0x4F000, s1;
	s31 =	sshll.u32 s1, $0x6  }
0x9: {  	s9 =	smul.u32 $0x13C000, s8;
	_ =	strace $0x80000053;
	s29 =	ssub.s32 $0x2, s8  }
0xa: {  	s8 =	smul.u32 $0x4F0, s8;
	s10 =	sadd.s32 s6, s5;
	s30 =	sshrl.u32 s29, $0x1  }
0xb: {  	s26 =	sadd.s32 s7, s9;
	s7 =	sshrl.u32 s7, $0x3;
	s9 =	sshrl.u32 s28, $0x2  }
0xc: {  	s12 =	ssub.s32 s29, s30;
	s10 =	sadd.s32 s8, s10;
	s6 =	sshrl.u32 s26, $0x3  }
0xd: {  	s7 =	sadd.s32 s7, s5;
	s13 =	sadd.s32 s9, s2;
	s8 =	smax.u32 s12, $0x1  }
0xe: {  	s9 =	sadd.s32 $0x12000, s10;
	s10 =	sadd.s32 $0x8200, s10;
	s12 =	simm.s32 $0x2  }
0xf: {  	s11 =	sadd.s32 s6, s5;
	s5 =	sadd.s32 $0x1A2800, s7;
	s6 =	sor.u32 $0x1C02, s31  }
0x10: {  	s7 =	sadd.s32 $0x1CA000, s11;
	s11 =	sshrl.u32 s13, $0x3;
	s13 =	simm.s32 $0x13C00  }
.LBB2_1:
0x11: {  	[spmem:s11], [sflag:s6] =	dma.local [hbm:s5], $0x2780  }
0x12: {  	_ =	swait.ge [sflag:s12], $0x2780  }
0x13: {  	[sflag:s12] =	ssyncset.done $0x0  }
0x14: {  	[sflag:s12] =	ssyncadd.s32 $0xFFFFD880  }
0x15: {  	s19 =	sadd.s32 $0x0, s10;
	[bflag:$0x0] =	sbarrier.arrive $0xFFFF  }
0x16: {  	[tilespmem:s13], [sflag:$0x2] =	stream.linear.gather [hbm4b:s19+s3], $0x80, $0x38;
	[tilespmem:$0x17D00] =	vst v63  }
0x17: {  	_ =	swait.ge [sflag:s12], $0x80  }
0x18: {  	[sflag:s12] =	ssyncset.done $0x0  }
0x19: {  	s31 =	sadd.s32 $0x0, s9;
	[sflag:s12] =	ssyncadd.s32 $0xFFFFFF80  }
0x1a: {  	[tilespmem:s14], [sflag:$0x2] =	stream.linear.gather [hbm4b:s31+s3], $0x80, $0x38;
	[tilespmem:$0x17D00] =	vst v63  }
0x1b: {  	_ =	swait.ge [sflag:s12], $0x80  }
0x1c: {  	[sflag:s12] =	ssyncset.done $0x0  }
0x1d: {  	[sflag:s12] =	ssyncadd.s32 $0xFFFFFF80  }
0x1e: {  	[tilespmem:s16], [sflag:$0x1] =	stream.indirect.gather [hbm4b:s4+s15], $0x80, s13, s15, $0xb8;
	[tilespmem:$0x17D00] =	vst v63  }
0x1f: {  	_ =	swait.ge [sflag:s17], $0x4000  }
0x20: {  	[sflag:s17] =	ssyncset.done $0x0  }
0x21: {  	[sflag:s17] =	ssyncadd.s32 $0xFFFFC000  }
0x22: {  	[spmem:s2] =	stream.indirect.scatter.add.f32 [tilespmem:s16], [sflag:$0x2], $0x80, s14, s15, $0xb8;
	[tilespmem:$0x17D00] =	vst v63  }
0x23: {  	_ =	swait.ge [sflag:s12], $0x4000  }
0x24: {  	s20 =	simm.s32 $0x20;
	s19 =	simm.s32 $0x10;
	[sflag:s12] =	ssyncset.done $0x0  }
.LBB2_2:
0x25: {  	s21 =	sadd.s32 s19, s10  }
0x26: {  	[sflag:s12] =	ssyncadd.s32 $0xFFFFC000;
	s22 =	smov.u32 s20;
	s23 =	sadd.s32 $0x10, s20  }
0x27: {  	[tilespmem:s13], [sflag:$0x2] =	stream.linear.gather [hbm4b:s21+s3], $0x80, $0x38;
	[tilespmem:$0x17D00] =	vst v63  }
0x28: {  	p0 =	sne.s32 s20, $0x4E0;
	_ =	swait.ge [sflag:s12], $0x80  }
0x29: {  	[sflag:s12] =	ssyncset.done $0x0  }
0x2a: {  	s20 =	sadd.s32 s19, s9;
	s19 =	smov.u32 s22;
	[sflag:s12] =	ssyncadd.s32 $0xFFFFFF80  }
0x2b: {  	[tilespmem:s14], [sflag:$0x2] =	stream.linear.gather [hbm4b:s20+s3], $0x80, $0x38;
	[tilespmem:$0x17D00] =	vst v63  }
0x2c: {  	_ =	swait.ge [sflag:s12], $0x80  }
0x2d: {  	[sflag:s12] =	ssyncset.done $0x0  }
0x2e: {  	[sflag:s12] =	ssyncadd.s32 $0xFFFFFF80  }
0x2f: {  	[tilespmem:s16], [sflag:$0x1] =	stream.indirect.gather [hbm4b:s4+s15], $0x80, s13, s15, $0xb8;
	[tilespmem:$0x17D00] =	vst v63  }
0x30: {  	_ =	swait.ge [sflag:s17], $0x4000  }
.Ltmp0:
0x31: {  	[sflag:s17] =	ssyncset.done $0x0;
	(pc) =	sbr.rel @p0 .LBB2_2-.Ltmp0, $4  }
0x32: {  	[sflag:s17] =	ssyncadd.s32 $0xFFFFC000  }
0x33: {  	[spmem:s2] =	stream.indirect.scatter.add.f32 [tilespmem:s16], [sflag:$0x2], $0x80, s14, s15, $0xb8;
	[tilespmem:$0x17D00] =	vst v63  }
0x34: {  	_ =	swait.ge [sflag:s12], $0x4000  }
0x35: {  	s20 =	smov.u32 s23;
	[sflag:s12] =	ssyncset.done $0x0  }
0x36: {  	s20 =	sadd.s32 s19, s10;
	[sflag:s12] =	ssyncadd.s32 $0xFFFFC000  }
0x37: {  	[tilespmem:s13], [sflag:$0x2] =	stream.linear.gather [hbm4b:s20+s3], $0x80, $0x38;
	[tilespmem:$0x17D00] =	vst v63  }
0x38: {  	_ =	swait.ge [sflag:s12], $0x80  }
0x39: {  	[sflag:s12] =	ssyncset.done $0x0  }
0x3a: {  	s31 =	sadd.s32 s19, s9;
	[sflag:s12] =	ssyncadd.s32 $0xFFFFFF80  }
0x3b: {  	[tilespmem:s14], [sflag:$0x2] =	stream.linear.gather [hbm4b:s31+s3], $0x80, $0x38;
	[tilespmem:$0x17D00] =	vst v63  }
0x3c: {  	_ =	swait.ge [sflag:s12], $0x80  }
0x3d: {  	[sflag:s12] =	ssyncset.done $0x0  }
0x3e: {  	[sflag:s12] =	ssyncadd.s32 $0xFFFFFF80  }
0x3f: {  	[tilespmem:s16], [sflag:$0x1] =	stream.indirect.gather [hbm4b:s4+s15], $0x80, s13, s15, $0xb8;
	[tilespmem:$0x17D00] =	vst v63  }
0x40: {  	_ =	swait.ge [sflag:s17], $0x4000  }
0x41: {  	[sflag:s17] =	ssyncset.done $0x0  }
0x42: {  	[sflag:s17] =	ssyncadd.s32 $0xFFFFC000  }
0x43: {  	[spmem:s2] =	stream.indirect.scatter.add.f32 [tilespmem:s16], [sflag:$0x2], $0x80, s14, s15, $0xb8;
	[tilespmem:$0x17D00] =	vst v63  }
0x44: {  	_ =	swait.ge [sflag:s12], $0x4000  }
0x45: {  	s18 =	sadd.s32 $0x1, s18;
	[sflag:s12] =	ssyncset.done $0x0  }
0x46: {  	p0 =	sne.s32 s18, s8;
	[sflag:s12] =	ssyncadd.s32 $0xFFFFC000  }
.Ltmp1:
0x47: {  	[bflag:$0x0] =	sbarrier.arrive $0xFFFF;
	(pc) =	sbr.rel @p0 .LBB2_1-.Ltmp1, $4  }
0x48: {  	[hbm:s7], [sflag:s6] =	dma.local [spmem:s11], $0x2780  }
0x49: {  	_ =	swait.ge [sflag:s12], $0x2780  }
0x4a: {  	[sflag:s12] =	ssyncset.done $0x0  }
0x4b: {  	[sflag:s12] =	ssyncadd.s32 $0xFFFFD880  }
0x4c: {  	_ =	sfence.sel $0x180000  }
0x4d: {  	[bflag:$0x0] =	sbarrier.arrive $0xFFFF  }
0x4e: {  	p0 =	sne.s32 s1, $0x0;
	_ =	strace $0x90000053  }
0x4f: {  	s0 =	sadd.s32 @!p0 $0x100000, s0;
	[bflag:$0x2] =	sbarrier.arrive $0xFFFF  }
0x50: {  	[sflag:s0] =	ssyncadd.tile.s32 @!p0 $0x1;
	_ =	shalt  }
.Lfunc_end2:
_tile_overlayer_lowered:
.L_overlay_start_2:
0x51: {  	(tag) =	ssettag $0x2  }
0x52: {  	s0 =	rddreg [dreg:$0x0];
	s2 =	stileid.u32  }
0x53: {  	s1 =	rddreg [dreg:$0x1];
	p0 =	sne.s32 s2, $0x0  }
0x54: {  	s3 =	rddreg [dreg:$0x2];
	[bflag:$0x3] =	sbarrier.arrive $0xFFFF;
	s2 =	simm.s32 @!p0 $0x1C02  }
0x55: {  	[timem:s3], [sflag:s2] =	dma.local @!p0 [hbm:s0], s1  }
0x56: {  	s0 =	simm.s32 @!p0 $0x2  }
0x57: {  	_ =	swait.ge @!p0 [sflag:s0], s1  }
0x58: {  	s1 =	ssub.s32 @!p0 $0x0, s1;
	[sflag:s0] =	ssyncset.done @!p0 $0x0  }
0x59: {  	[sflag:s0] =	ssyncadd.s32 @!p0 s1  }
0x5a: {  	[bflag:$0x3] =	sbarrier.arrive $0xFFFF  }
0x5b: {  	_ =	shalt  }

// kernel: kernel.37.cloned.1.call-start
scs
__scs_entry_jumppad:
0x0: {  	(pc) =	sbr.rel $0x88, $3  }
0x1: {  	(tag) =	ssettag $0x0;
	lr =	simm.s32 $0x1  }
0x2: {  	[smem:$0x3F88] =	sst lr;
	_ =	strace $0xD0000000  }
0x3: {  	_ = 	snop  }
0x4: {  	_ = 	snop  }
0x5: {  	_ = 	snop  }
0x6: {  	_ = 	snop  }
0x7: {  	_ = 	snop  }
__scs_overlays_trampoline_lowered:
0x8: {  	[smem:$0x3F97] =	sst s0  }
0x9: {  	[smem:$0x3F98] =	sst s1  }
0xa: {  	[smem:$0x3F99] =	sst s2  }
0xb: {  	[smem:$0x3F9A] =	sst s3  }
0xc: {  	[smem:$0x3F9B] =	sst s4  }
0xd: {  	[smem:$0x3F9C] =	sst s5  }
0xe: {  	[smem:$0x3F9D] =	sst s6  }
0xf: {  	[smem:$0x3F9E] =	sst s7  }
0x10: {  	[smem:$0x3F9F] =	sst s8  }
0x11: {  	[smem:$0x3FA0] =	sst s9;
	s0 =	simm.s32 @!p0 $0x0  }
0x12: {  	s1 =	sld [smem:$0x3F86];
	s0 =	simm.s32 @p0 $0x1  }
0x13: {  	[smem:$0x3FA1] =	sst s0;
	s0 =	simm.s32 @!p1 $0x0  }
0x14: {  	s2 =	sld [smem:$0x3F85];
	s0 =	simm.s32 @p1 $0x1  }
0x15: {  	[smem:$0x3FA2] =	sst s0;
	s0 =	simm.s32 @!p2 $0x0  }
0x16: {  	s3 =	sld [smem:$0x3FDB];
	s0 =	simm.s32 @p2 $0x1  }
0x17: {  	s4 =	simm.s32 $0x1BF5;
	[smem:$0x3FA4] =	sst s0  }
0x18: {  	s0 =	sld [smem:$0x3F87];
	_ =	swait.ge [sflag:s4], $0x0  }
0x19: {  	s7 =	sld [smem:$0x3F88]  }
0x1a: {  	s8 =	sadd.s32 $0xFFFFE003, lr  }
0x1b: {  	s9 =	sadd.s32 $0xFFFFFEF7, lr;
	s5 =	simm.s32 $0xFFFFFFFF;
	p2 =	slt.u32 s8, $0xFFFFF086  }
0x1c: {  	p1 =	slt.u32 s9, $0xF7A;
	s5 =	simm.s32 @!p2 $0x0  }
0x1d: {  	s5 =	simm.s32 @p1 $0x1;
	p0 =	seq.s32 s7, s2  }
0x1e: {  	s7 =	smul.u32 @!p0 $0xF7A, s2;
	p2 =	seq.s32 @!p0 s5, $0x0  }
0x1f: {  	s9 =	smul.u32 $0xF7A, s1;
	s8 =	simm.s32 @!p0 $0x1BF5;
	p2 =	por !p2, p0  }
0x20: {  	[sflag:s8] =	ssyncset.s32 @!p0 $0xFFFFF086;
	s6 =	sadd.s32 @!p0 s3, s7;
	s7 =	simm.s32 @!p0 $0x108  }
0x21: {  	s3 =	sadd.s32 s3, s9;
	s6 =	sadd.s32 @!p0 $0x88, s6;
	s7 =	simm.s32 @p2 $0x1082  }
0x22: {  	[simem:s7], [sflag:s8] =	dma.local @!p0 [hbm:s6], $0xF7A  }
0x23: {  	s9 =	sor.u32 $0xD0000000, s2;
	s6 =	simm.s32 $0x108;
	_ =	swait.ge @!p0 [sflag:s8], $0x0  }
0x24: {  	s3 =	sadd.s32 $0x88, s3;
	s6 =	simm.s32 @!p1 $0x1082;
	[sflag:s4] =	ssyncset.s32 $0xFFFFF086  }
0x25: {  	[simem:s6], [sflag:s4] =	dma.local [hbm:s3], $0xF7A  }
0x26: {  	[smem:$0x3F88] =	sst s1;
	(tag) =	ssettag s2;
	_ =	strace s9  }
0x27: {  	s1 =	sld [smem:$0x3F98]  }
0x28: {  	s2 =	sld [smem:$0x3F99]  }
0x29: {  	s4 =	sld [smem:$0x3F9B]  }
0x2a: {  	p0 =	seq.s32 s5, $0x0;
	s5 =	sld [smem:$0x3F9C]  }
0x2b: {  	s6 =	sld [smem:$0x3F9D]  }
0x2c: {  	s7 =	sld [smem:$0x3F9E]  }
0x2d: {  	s3 =	simm.s32 $0x108;
	s8 =	sld [smem:$0x3F9F]  }
0x2e: {  	s3 =	simm.s32 @!p0 $0x1082;
	s9 =	sld [smem:$0x3FA0]  }
0x2f: {  	lr =	sadd.s32 s0, s3;
	s0 =	sld [smem:$0x3F97]  }
0x30: {  	s3 =	sld [smem:$0x3F9A]  }
0x31: {  	[smem:$0x3FA3] =	sst s10  }
0x32: {  	s10 =	sld [smem:$0x3FA1];
	_ =	sdelay $0x3  }
0x33: {  	p0 =	seq.s32 s10, $0x1;
	s10 =	sld [smem:$0x3FA3];
	_ =	sdelay $0x3  }
0x34: {  	[smem:$0x3FA3] =	sst s10  }
0x35: {  	s10 =	sld [smem:$0x3FA2];
	_ =	sdelay $0x3  }
0x36: {  	p1 =	seq.s32 s10, $0x1;
	s10 =	sld [smem:$0x3FA3];
	_ =	sdelay $0x3  }
0x37: {  	[smem:$0x3FA3] =	sst s10  }
0x38: {  	s10 =	sld [smem:$0x3FA4]  }
0x39: {  	_ = 	snop;
	(pc) =	sbr.ind lr, $3  }
0x3a: {  	_ = 	snop  }
0x3b: {  	_ = 	snop  }
0x3c: {  	p2 =	seq.s32 s10, $0x1;
	s10 =	sld [smem:$0x3FA3]  }
0x3d: {  	_ =	shalt  }
0x3e: {  	_ =	shalt  }
0x3f: {  	_ =	shalt  }
0x40: {  	_ =	shalt  }
0x41: {  	_ =	shalt  }
0x42: {  	_ =	shalt  }
0x43: {  	_ =	shalt  }
0x44: {  	_ =	shalt  }
0x45: {  	_ =	shalt  }
0x46: {  	_ =	shalt  }
0x47: {  	_ =	shalt  }
0x48: {  	_ =	shalt  }
0x49: {  	_ =	shalt  }
0x4a: {  	_ =	shalt  }
0x4b: {  	_ =	shalt  }
0x4c: {  	_ =	shalt  }
0x4d: {  	_ =	shalt  }
0x4e: {  	_ =	shalt  }
0x4f: {  	_ =	shalt  }
0x50: {  	_ =	shalt  }
0x51: {  	_ =	shalt  }
0x52: {  	_ =	shalt  }
0x53: {  	_ =	shalt  }
0x54: {  	_ =	shalt  }
0x55: {  	_ =	shalt  }
0x56: {  	_ =	shalt  }
0x57: {  	_ =	shalt  }
0x58: {  	_ =	shalt  }
0x59: {  	_ =	shalt  }
0x5a: {  	_ =	shalt  }
0x5b: {  	_ =	shalt  }
0x5c: {  	_ =	shalt  }
0x5d: {  	_ =	shalt  }
0x5e: {  	_ =	shalt  }
0x5f: {  	_ =	shalt  }
0x60: {  	_ =	shalt  }
0x61: {  	_ =	shalt  }
0x62: {  	_ =	shalt  }
0x63: {  	_ =	shalt  }
0x64: {  	_ =	shalt  }
0x65: {  	_ =	shalt  }
0x66: {  	_ =	shalt  }
0x67: {  	_ =	shalt  }
0x68: {  	_ =	shalt  }
0x69: {  	_ =	shalt  }
0x6a: {  	_ =	shalt  }
0x6b: {  	_ =	shalt  }
0x6c: {  	_ =	shalt  }
0x6d: {  	_ =	shalt  }
0x6e: {  	_ =	shalt  }
0x6f: {  	_ =	shalt  }
0x70: {  	_ =	shalt  }
0x71: {  	_ =	shalt  }
0x72: {  	_ =	shalt  }
0x73: {  	_ =	shalt  }
0x74: {  	_ =	shalt  }
0x75: {  	_ =	shalt  }
0x76: {  	_ =	shalt  }
0x77: {  	_ =	shalt  }
0x78: {  	_ =	shalt  }
0x79: {  	_ =	shalt  }
0x7a: {  	_ =	shalt  }
0x7b: {  	_ =	shalt  }
0x7c: {  	_ =	shalt  }
0x7d: {  	_ =	shalt  }
0x7e: {  	_ =	shalt  }
0x7f: {  	_ =	shalt  }
0x80: {  	_ =	shalt  }
0x81: {  	_ =	shalt  }
0x82: {  	_ =	shalt  }
0x83: {  	_ =	shalt  }
0x84: {  	_ =	shalt  }
0x85: {  	_ =	shalt  }
0x86: {  	_ =	shalt  }
0x87: {  	_ =	shalt  }
.Lfunc_end0:
.L_simem_size_0:
called_computation.5_lowered:
.L_overlay_start_0:
0x88: {  	s2 =	sld [smem:$0x3FD9]  }
0x89: {  	s3 =	sld [smem:$0x3FFE];
	_ =	sdelay $0x1  }
0x8a: {  	s1 =	srdreg.scid  }
0x8b: {  	s0 =	sand.u32 $0x1, s1  }
0x8c: {  	s16 =	sshll.u32 s0, $0xA;
	s2 =	sadd.s32 s3, s2  }
0x8d: {  	s2 =	sadd.s32 s2, s16  }
0x8e: {  	[smem:$0x3FAF] =	sst s2  }
0x8f: {  	_ = 	snop  }
0x90: {  	(tm) =	ssettm $0x1  }
0x91: {  	s17 =	sld [smem:$0x3FFB];
	_ =	sdelay $0x3  }
0x92: {  	_ =	strace s17  }
0x93: {  	s2 =	sld [smem:$0x3FFC];
	_ =	sdelay $0x3  }
0x94: {  	_ =	strace s2  }
0x95: {  	s2 =	sld [smem:$0x3FFD];
	_ =	sdelay $0x3  }
0x96: {  	_ =	strace s2  }
0x97: {  	_ =	strace $0x8FFFFFFF  }
0x98: {  	s18 =	sld [smem:$0x3FDB];
	_ =	sdelay $0x1  }
0x99: {  	s19 =	simm.s32 $_scs_section_size  }
0x9a: {  	s4 =	simm.s32 $_size__tile_overlayer_lowered;
	s5 =	simm.s32 $_tile_overlayer_lowered  }
0x9b: {  	s22 =	simm.s32 $0x1BFF;
	s21 =	sshll.u32 s5, $0x1;
	s2 =	sadd.s32 s19, s18  }
0x9c: {  	s6 =	simm.s32 $0x0;
	s20 =	sshll.u32 s4, $0x1;
	s4 =	sadd.s32 s21, s2  }
0x9d: {  	[timem:s6], [sflag:s22] =	dma.local [hbm:s4], s20  }
0x9e: {  	_ =	swait.ge [sflag:s22], s20  }
0x9f: {  	s3 =	ssub.s32 $0x0, s20;
	[sflag:s22] =	ssyncset.done $0x0  }
0xa0: {  	[sflag:s22] =	ssyncadd.s32 s3;
	_ =	sdelay $0x1  }
0xa1: {  	s23 =	simm.s32 $0x1B8B  }
0xa2: {  	_ =	swait.ge [sflag:s23], $0x1  }
0xa3: {  	[sflag:s23] =	ssyncset.done $0x0  }
0xa4: {  	s25 =	simm.s32 $0x1B8E;
	s24 =	sld [smem:$0x3FFE];
	[sflag:s23] =	ssyncadd.s32 $0xFFFFFFFF  }
0xa5: {  	s26 =	simm.s32 $execute0_lowered;
	[smem:$0x3FD2] =	sst s25  }
0xa6: {  	s4 =	sshll.u32 s26, $0x1;
	_ =	strace $0x80000055;
	[dreg:$0x1] =	wrdreg $0xFFFFFFFF  }
0xa7: {  	s28 =	simm.s32 $_size_execute0_lowered;
	s2 =	sadd.s32 s2, s4;
	[dreg:$0x0] =	wrdreg $0x0  }
0xa8: {  	s4 =	sshll.u32 s28, $0x1;
	[dreg:$0x2] =	wrdreg s2  }
0xa9: {  	[dreg:$0x3] =	wrdreg s4  }
0xaa: {  	[dreg:$0x4] =	wrdreg $0xC0  }
0xab: {  	_ =	task [dreg:s6], $0x5FFFF  }
0xac: {  	[dreg:$0x1] =	wrdreg $0xFFFFFFFF  }
0xad: {  	[dreg:$0x0] =	wrdreg $0x60  }
0xae: {  	[dreg:$0x2] =	wrdreg s24  }
0xaf: {  	[dreg:$0x3] =	wrdreg $0x0  }
0xb0: {  	[dreg:$0x4] =	wrdreg $0x9  }
0xb1: {  	_ =	task.clear_ibuf [dreg:s6], $0x5FFFF;
	_ =	strace $0x90000055  }
0xb2: {  	s29 =	simm.s32 $0x9;
	_ =	strace $0x80000057  }
0xb3: {  	_ =	swait.ge [sflag:s29], $0x1  }
0xb4: {  	[sflag:s29] =	ssyncadd.s32 $0xFFFFFFFF  }
0xb5: {  	_ =	strace $0x90000057  }
0xb6: {  	_ =	sfence  }
0xb7: {  	s30 =	sld [smem:$0x0];
	_ =	sdelay $0x2  }
0xb8: {  	s31 =	sshll.u32 s1, $0xD;
	s1 =	sshrl.u32 s1, $0x2  }
0xb9: {  	s3 =	sand.u32 $0x4000, s31;
	s1 =	sadd.s32 s1, s30  }
0xba: {  	s0 =	sor.u32 s3, s0;
	s1 =	sshll.u32 s1, $0x11  }
0xbb: {  	s0 =	sor.u32 s1, s0  }
0xbc: {  	s0 =	sadd.s32 $0x8F2B, s0  }
0xbd: {  	[sflag:s0] =	ssyncadd.remote.s32 $0x1  }
0xbe: {  	_ =	sfence.sel $0xFFFF  }
0xbf: {  	[dreg:$0x0] =	wrdreg $0xFFFFFFFF;
	(pc) =	sbr.abs _section_cstart, $3  }
0xc0: {  	[dreg:$0x1] =	wrdreg $0xFFFFFFFF  }
0xc1: {  	_ =	task.clear_ibuf [dreg:s6], $0x2FFFF;
	_ =	strace $0x9FFFFFFF  }
0xc2: {  	(tm) =	ssettm $0x7FFFFFFF  }
0xc3: {  	_ =	shalt  }
tec
execute0_lowered:
.L_overlay_start_1:
0x0: {  	(tag) =	ssettag $0x1  }
0x1: {  	s5 =	rddreg [dreg:$0x0]  }
0x2: {  	s2 =	rddreg [dreg:$0x1]  }
0x3: {  	s0 =	rddreg [dreg:$0x2]  }
0x4: {  	s1 =	stileid.u32;
	s4 =	srdreg.scid;
	s3 =	simm.s32 $0x0  }
0x5: {  	s14 =	simm.s32 $0x13C80;
	s15 =	simm.s32 $0x80;
	s16 =	simm.s32 $0x13D00  }
0x6: {  	s17 =	simm.s32 $0x1;
	s18 =	simm.s32 $0x0;
	s6 =	smul.u32 $0x9E0, s1  }
0x7: {  	s7 =	smul.u32 $0x13C00, s1;
	s8 =	sand.u32 $0x1, s4;
	[smem:$0x7FF] =	sst s3  }
0x8: {  	s4 =	sadd.s32 $0x1BE00, s5;
	s28 =	smul.u32 $0x4F000, s1;
	s31 =	sshll.u32 s1, $0x6  }
0x9: {  	s9 =	smul.u32 $0x13C000, s8;
	_ =	strace $0x80000056;
	s29 =	ssub.s32 $0x2, s8  }
0xa: {  	s8 =	smul.u32 $0x4F0, s8;
	s10 =	sadd.s32 s6, s5;
	s30 =	sshrl.u32 s29, $0x1  }
0xb: {  	s26 =	sadd.s32 s7, s9;
	s7 =	sshrl.u32 s7, $0x3;
	s9 =	sshrl.u32 s28, $0x2  }
0xc: {  	s12 =	ssub.s32 s29, s30;
	s10 =	sadd.s32 s8, s10;
	s6 =	sshrl.u32 s26, $0x3  }
0xd: {  	s7 =	sadd.s32 s7, s5;
	s13 =	sadd.s32 s9, s2;
	s8 =	smax.u32 s12, $0x1  }
0xe: {  	s9 =	sadd.s32 $0x12000, s10;
	s10 =	sadd.s32 $0x8200, s10;
	s12 =	simm.s32 $0x2  }
0xf: {  	s11 =	sadd.s32 s6, s5;
	s5 =	sadd.s32 $0x1A2800, s7;
	s6 =	sor.u32 $0x1C02, s31  }
0x10: {  	s7 =	sadd.s32 $0x1CA000, s11;
	s11 =	sshrl.u32 s13, $0x3;
	s13 =	simm.s32 $0x13C00  }
.LBB2_1:
0x11: {  	[spmem:s11], [sflag:s6] =	dma.local [hbm:s5], $0x2780  }
0x12: {  	_ =	swait.ge [sflag:s12], $0x2780  }
0x13: {  	[sflag:s12] =	ssyncset.done $0x0  }
0x14: {  	[sflag:s12] =	ssyncadd.s32 $0xFFFFD880  }
0x15: {  	s19 =	sadd.s32 $0x0, s10;
	[bflag:$0x0] =	sbarrier.arrive $0xFFFF  }
0x16: {  	[tilespmem:s13], [sflag:$0x2] =	stream.linear.gather [hbm4b:s19+s3], $0x80, $0x38;
	[tilespmem:$0x17D00] =	vst v63  }
0x17: {  	_ =	swait.ge [sflag:s12], $0x80  }
0x18: {  	[sflag:s12] =	ssyncset.done $0x0  }
0x19: {  	s31 =	sadd.s32 $0x0, s9;
	[sflag:s12] =	ssyncadd.s32 $0xFFFFFF80  }
0x1a: {  	[tilespmem:s14], [sflag:$0x2] =	stream.linear.gather [hbm4b:s31+s3], $0x80, $0x38;
	[tilespmem:$0x17D00] =	vst v63  }
0x1b: {  	_ =	swait.ge [sflag:s12], $0x80  }
0x1c: {  	[sflag:s12] =	ssyncset.done $0x0  }
0x1d: {  	[sflag:s12] =	ssyncadd.s32 $0xFFFFFF80  }
0x1e: {  	[tilespmem:s16], [sflag:$0x1] =	stream.indirect.gather [hbm4b:s4+s15], $0x80, s13, s15, $0xb8;
	[tilespmem:$0x17D00] =	vst v63  }
0x1f: {  	_ =	swait.ge [sflag:s17], $0x4000  }
0x20: {  	[sflag:s17] =	ssyncset.done $0x0  }
0x21: {  	[sflag:s17] =	ssyncadd.s32 $0xFFFFC000  }
0x22: {  	[spmem:s2] =	stream.indirect.scatter.add.f32 [tilespmem:s16], [sflag:$0x2], $0x80, s14, s15, $0xb8;
	[tilespmem:$0x17D00] =	vst v63  }
0x23: {  	_ =	swait.ge [sflag:s12], $0x4000  }
0x24: {  	s20 =	simm.s32 $0x20;
	s19 =	simm.s32 $0x10;
	[sflag:s12] =	ssyncset.done $0x0  }
.LBB2_2:
0x25: {  	s21 =	sadd.s32 s19, s10  }
0x26: {  	[sflag:s12] =	ssyncadd.s32 $0xFFFFC000;
	s22 =	smov.u32 s20;
	s23 =	sadd.s32 $0x10, s20  }
0x27: {  	[tilespmem:s13], [sflag:$0x2] =	stream.linear.gather [hbm4b:s21+s3], $0x80, $0x38;
	[tilespmem:$0x17D00] =	vst v63  }
0x28: {  	p0 =	sne.s32 s20, $0x4E0;
	_ =	swait.ge [sflag:s12], $0x80  }
0x29: {  	[sflag:s12] =	ssyncset.done $0x0  }
0x2a: {  	s20 =	sadd.s32 s19, s9;
	s19 =	smov.u32 s22;
	[sflag:s12] =	ssyncadd.s32 $0xFFFFFF80  }
0x2b: {  	[tilespmem:s14], [sflag:$0x2] =	stream.linear.gather [hbm4b:s20+s3], $0x80, $0x38;
	[tilespmem:$0x17D00] =	vst v63  }
0x2c: {  	_ =	swait.ge [sflag:s12], $0x80  }
0x2d: {  	[sflag:s12] =	ssyncset.done $0x0  }
0x2e: {  	[sflag:s12] =	ssyncadd.s32 $0xFFFFFF80  }
0x2f: {  	[tilespmem:s16], [sflag:$0x1] =	stream.indirect.gather [hbm4b:s4+s15], $0x80, s13, s15, $0xb8;
	[tilespmem:$0x17D00] =	vst v63  }
0x30: {  	_ =	swait.ge [sflag:s17], $0x4000  }
.Ltmp0:
0x31: {  	[sflag:s17] =	ssyncset.done $0x0;
	(pc) =	sbr.rel @p0 .LBB2_2-.Ltmp0, $4  }
0x32: {  	[sflag:s17] =	ssyncadd.s32 $0xFFFFC000  }
0x33: {  	[spmem:s2] =	stream.indirect.scatter.add.f32 [tilespmem:s16], [sflag:$0x2], $0x80, s14, s15, $0xb8;
	[tilespmem:$0x17D00] =	vst v63  }
0x34: {  	_ =	swait.ge [sflag:s12], $0x4000  }
0x35: {  	s20 =	smov.u32 s23;
	[sflag:s12] =	ssyncset.done $0x0  }
0x36: {  	s20 =	sadd.s32 s19, s10;
	[sflag:s12] =	ssyncadd.s32 $0xFFFFC000  }
0x37: {  	[tilespmem:s13], [sflag:$0x2] =	stream.linear.gather [hbm4b:s20+s3], $0x80, $0x38;
	[tilespmem:$0x17D00] =	vst v63  }
0x38: {  	_ =	swait.ge [sflag:s12], $0x80  }
0x39: {  	[sflag:s12] =	ssyncset.done $0x0  }
0x3a: {  	s31 =	sadd.s32 s19, s9;
	[sflag:s12] =	ssyncadd.s32 $0xFFFFFF80  }
0x3b: {  	[tilespmem:s14], [sflag:$0x2] =	stream.linear.gather [hbm4b:s31+s3], $0x80, $0x38;
	[tilespmem:$0x17D00] =	vst v63  }
0x3c: {  	_ =	swait.ge [sflag:s12], $0x80  }
0x3d: {  	[sflag:s12] =	ssyncset.done $0x0  }
0x3e: {  	[sflag:s12] =	ssyncadd.s32 $0xFFFFFF80  }
0x3f: {  	[tilespmem:s16], [sflag:$0x1] =	stream.indirect.gather [hbm4b:s4+s15], $0x80, s13, s15, $0xb8;
	[tilespmem:$0x17D00] =	vst v63  }
0x40: {  	_ =	swait.ge [sflag:s17], $0x4000  }
0x41: {  	[sflag:s17] =	ssyncset.done $0x0  }
0x42: {  	[sflag:s17] =	ssyncadd.s32 $0xFFFFC000  }
0x43: {  	[spmem:s2] =	stream.indirect.scatter.add.f32 [tilespmem:s16], [sflag:$0x2], $0x80, s14, s15, $0xb8;
	[tilespmem:$0x17D00] =	vst v63  }
0x44: {  	_ =	swait.ge [sflag:s12], $0x4000  }
0x45: {  	s18 =	sadd.s32 $0x1, s18;
	[sflag:s12] =	ssyncset.done $0x0  }
0x46: {  	p0 =	sne.s32 s18, s8;
	[sflag:s12] =	ssyncadd.s32 $0xFFFFC000  }
.Ltmp1:
0x47: {  	[bflag:$0x0] =	sbarrier.arrive $0xFFFF;
	(pc) =	sbr.rel @p0 .LBB2_1-.Ltmp1, $4  }
0x48: {  	[hbm:s7], [sflag:s6] =	dma.local [spmem:s11], $0x2780  }
0x49: {  	_ =	swait.ge [sflag:s12], $0x2780  }
0x4a: {  	[sflag:s12] =	ssyncset.done $0x0  }
0x4b: {  	[sflag:s12] =	ssyncadd.s32 $0xFFFFD880  }
0x4c: {  	_ =	sfence.sel $0x180000  }
0x4d: {  	[bflag:$0x0] =	sbarrier.arrive $0xFFFF  }
0x4e: {  	p0 =	sne.s32 s1, $0x0;
	_ =	strace $0x90000056  }
0x4f: {  	s0 =	sadd.s32 @!p0 $0x100000, s0;
	[bflag:$0x2] =	sbarrier.arrive $0xFFFF  }
0x50: {  	[sflag:s0] =	ssyncadd.tile.s32 @!p0 $0x1;
	_ =	shalt  }
.Lfunc_end2:
_tile_overlayer_lowered:
.L_overlay_start_2:
0x51: {  	(tag) =	ssettag $0x2  }
0x52: {  	s0 =	rddreg [dreg:$0x0];
	s2 =	stileid.u32  }
0x53: {  	s1 =	rddreg [dreg:$0x1];
	p0 =	sne.s32 s2, $0x0  }
0x54: {  	s3 =	rddreg [dreg:$0x2];
	[bflag:$0x3] =	sbarrier.arrive $0xFFFF;
	s2 =	simm.s32 @!p0 $0x1C02  }
0x55: {  	[timem:s3], [sflag:s2] =	dma.local @!p0 [hbm:s0], s1  }
0x56: {  	s0 =	simm.s32 @!p0 $0x2  }
0x57: {  	_ =	swait.ge @!p0 [sflag:s0], s1  }
0x58: {  	s1 =	ssub.s32 @!p0 $0x0, s1;
	[sflag:s0] =	ssyncset.done @!p0 $0x0  }
0x59: {  	[sflag:s0] =	ssyncadd.s32 @!p0 s1  }
0x5a: {  	[bflag:$0x3] =	sbarrier.arrive $0xFFFF  }
0x5b: {  	_ =	shalt  }

// kernel: kernel.40.cloned.1.call-start
scs
__scs_entry_jumppad:
0x0: {  	(pc) =	sbr.rel $0x88, $3  }
0x1: {  	(tag) =	ssettag $0x0;
	lr =	simm.s32 $0x1  }
0x2: {  	[smem:$0x3F88] =	sst lr;
	_ =	strace $0xD0000000  }
0x3: {  	_ = 	snop  }
0x4: {  	_ = 	snop  }
0x5: {  	_ = 	snop  }
0x6: {  	_ = 	snop  }
0x7: {  	_ = 	snop  }
__scs_overlays_trampoline_lowered:
0x8: {  	[smem:$0x3F97] =	sst s0  }
0x9: {  	[smem:$0x3F98] =	sst s1  }
0xa: {  	[smem:$0x3F99] =	sst s2  }
0xb: {  	[smem:$0x3F9A] =	sst s3  }
0xc: {  	[smem:$0x3F9B] =	sst s4  }
0xd: {  	[smem:$0x3F9C] =	sst s5  }
0xe: {  	[smem:$0x3F9D] =	sst s6  }
0xf: {  	[smem:$0x3F9E] =	sst s7  }
0x10: {  	[smem:$0x3F9F] =	sst s8  }
0x11: {  	[smem:$0x3FA0] =	sst s9;
	s0 =	simm.s32 @!p0 $0x0  }
0x12: {  	s1 =	sld [smem:$0x3F86];
	s0 =	simm.s32 @p0 $0x1  }
0x13: {  	[smem:$0x3FA1] =	sst s0;
	s0 =	simm.s32 @!p1 $0x0  }
0x14: {  	s2 =	sld [smem:$0x3F85];
	s0 =	simm.s32 @p1 $0x1  }
0x15: {  	[smem:$0x3FA2] =	sst s0;
	s0 =	simm.s32 @!p2 $0x0  }
0x16: {  	s3 =	sld [smem:$0x3FDB];
	s0 =	simm.s32 @p2 $0x1  }
0x17: {  	s4 =	simm.s32 $0x1BF5;
	[smem:$0x3FA4] =	sst s0  }
0x18: {  	s0 =	sld [smem:$0x3F87];
	_ =	swait.ge [sflag:s4], $0x0  }
0x19: {  	s7 =	sld [smem:$0x3F88]  }
0x1a: {  	s8 =	sadd.s32 $0xFFFFE003, lr  }
0x1b: {  	s9 =	sadd.s32 $0xFFFFFEF7, lr;
	s5 =	simm.s32 $0xFFFFFFFF;
	p2 =	slt.u32 s8, $0xFFFFF086  }
0x1c: {  	p1 =	slt.u32 s9, $0xF7A;
	s5 =	simm.s32 @!p2 $0x0  }
0x1d: {  	s5 =	simm.s32 @p1 $0x1;
	p0 =	seq.s32 s7, s2  }
0x1e: {  	s7 =	smul.u32 @!p0 $0xF7A, s2;
	p2 =	seq.s32 @!p0 s5, $0x0  }
0x1f: {  	s9 =	smul.u32 $0xF7A, s1;
	s8 =	simm.s32 @!p0 $0x1BF5;
	p2 =	por !p2, p0  }
0x20: {  	[sflag:s8] =	ssyncset.s32 @!p0 $0xFFFFF086;
	s6 =	sadd.s32 @!p0 s3, s7;
	s7 =	simm.s32 @!p0 $0x108  }
0x21: {  	s3 =	sadd.s32 s3, s9;
	s6 =	sadd.s32 @!p0 $0x88, s6;
	s7 =	simm.s32 @p2 $0x1082  }
0x22: {  	[simem:s7], [sflag:s8] =	dma.local @!p0 [hbm:s6], $0xF7A  }
0x23: {  	s9 =	sor.u32 $0xD0000000, s2;
	s6 =	simm.s32 $0x108;
	_ =	swait.ge @!p0 [sflag:s8], $0x0  }
0x24: {  	s3 =	sadd.s32 $0x88, s3;
	s6 =	simm.s32 @!p1 $0x1082;
	[sflag:s4] =	ssyncset.s32 $0xFFFFF086  }
0x25: {  	[simem:s6], [sflag:s4] =	dma.local [hbm:s3], $0xF7A  }
0x26: {  	[smem:$0x3F88] =	sst s1;
	(tag) =	ssettag s2;
	_ =	strace s9  }
0x27: {  	s1 =	sld [smem:$0x3F98]  }
0x28: {  	s2 =	sld [smem:$0x3F99]  }
0x29: {  	s4 =	sld [smem:$0x3F9B]  }
0x2a: {  	p0 =	seq.s32 s5, $0x0;
	s5 =	sld [smem:$0x3F9C]  }
0x2b: {  	s6 =	sld [smem:$0x3F9D]  }
0x2c: {  	s7 =	sld [smem:$0x3F9E]  }
0x2d: {  	s3 =	simm.s32 $0x108;
	s8 =	sld [smem:$0x3F9F]  }
0x2e: {  	s3 =	simm.s32 @!p0 $0x1082;
	s9 =	sld [smem:$0x3FA0]  }
0x2f: {  	lr =	sadd.s32 s0, s3;
	s0 =	sld [smem:$0x3F97]  }
0x30: {  	s3 =	sld [smem:$0x3F9A]  }
0x31: {  	[smem:$0x3FA3] =	sst s10  }
0x32: {  	s10 =	sld [smem:$0x3FA1];
	_ =	sdelay $0x3  }
0x33: {  	p0 =	seq.s32 s10, $0x1;
	s10 =	sld [smem:$0x3FA3];
	_ =	sdelay $0x3  }
0x34: {  	[smem:$0x3FA3] =	sst s10  }
0x35: {  	s10 =	sld [smem:$0x3FA2];
	_ =	sdelay $0x3  }
0x36: {  	p1 =	seq.s32 s10, $0x1;
	s10 =	sld [smem:$0x3FA3];
	_ =	sdelay $0x3  }
0x37: {  	[smem:$0x3FA3] =	sst s10  }
0x38: {  	s10 =	sld [smem:$0x3FA4]  }
0x39: {  	_ = 	snop;
	(pc) =	sbr.ind lr, $3  }
0x3a: {  	_ = 	snop  }
0x3b: {  	_ = 	snop  }
0x3c: {  	p2 =	seq.s32 s10, $0x1;
	s10 =	sld [smem:$0x3FA3]  }
0x3d: {  	_ =	shalt  }
0x3e: {  	_ =	shalt  }
0x3f: {  	_ =	shalt  }
0x40: {  	_ =	shalt  }
0x41: {  	_ =	shalt  }
0x42: {  	_ =	shalt  }
0x43: {  	_ =	shalt  }
0x44: {  	_ =	shalt  }
0x45: {  	_ =	shalt  }
0x46: {  	_ =	shalt  }
0x47: {  	_ =	shalt  }
0x48: {  	_ =	shalt  }
0x49: {  	_ =	shalt  }
0x4a: {  	_ =	shalt  }
0x4b: {  	_ =	shalt  }
0x4c: {  	_ =	shalt  }
0x4d: {  	_ =	shalt  }
0x4e: {  	_ =	shalt  }
0x4f: {  	_ =	shalt  }
0x50: {  	_ =	shalt  }
0x51: {  	_ =	shalt  }
0x52: {  	_ =	shalt  }
0x53: {  	_ =	shalt  }
0x54: {  	_ =	shalt  }
0x55: {  	_ =	shalt  }
0x56: {  	_ =	shalt  }
0x57: {  	_ =	shalt  }
0x58: {  	_ =	shalt  }
0x59: {  	_ =	shalt  }
0x5a: {  	_ =	shalt  }
0x5b: {  	_ =	shalt  }
0x5c: {  	_ =	shalt  }
0x5d: {  	_ =	shalt  }
0x5e: {  	_ =	shalt  }
0x5f: {  	_ =	shalt  }
0x60: {  	_ =	shalt  }
0x61: {  	_ =	shalt  }
0x62: {  	_ =	shalt  }
0x63: {  	_ =	shalt  }
0x64: {  	_ =	shalt  }
0x65: {  	_ =	shalt  }
0x66: {  	_ =	shalt  }
0x67: {  	_ =	shalt  }
0x68: {  	_ =	shalt  }
0x69: {  	_ =	shalt  }
0x6a: {  	_ =	shalt  }
0x6b: {  	_ =	shalt  }
0x6c: {  	_ =	shalt  }
0x6d: {  	_ =	shalt  }
0x6e: {  	_ =	shalt  }
0x6f: {  	_ =	shalt  }
0x70: {  	_ =	shalt  }
0x71: {  	_ =	shalt  }
0x72: {  	_ =	shalt  }
0x73: {  	_ =	shalt  }
0x74: {  	_ =	shalt  }
0x75: {  	_ =	shalt  }
0x76: {  	_ =	shalt  }
0x77: {  	_ =	shalt  }
0x78: {  	_ =	shalt  }
0x79: {  	_ =	shalt  }
0x7a: {  	_ =	shalt  }
0x7b: {  	_ =	shalt  }
0x7c: {  	_ =	shalt  }
0x7d: {  	_ =	shalt  }
0x7e: {  	_ =	shalt  }
0x7f: {  	_ =	shalt  }
0x80: {  	_ =	shalt  }
0x81: {  	_ =	shalt  }
0x82: {  	_ =	shalt  }
0x83: {  	_ =	shalt  }
0x84: {  	_ =	shalt  }
0x85: {  	_ =	shalt  }
0x86: {  	_ =	shalt  }
0x87: {  	_ =	shalt  }
.Lfunc_end0:
.L_simem_size_0:
called_computation.6_lowered:
.L_overlay_start_0:
0x88: {  	s2 =	sld [smem:$0x3FD9]  }
0x89: {  	s3 =	sld [smem:$0x3FFE];
	_ =	sdelay $0x1  }
0x8a: {  	s1 =	srdreg.scid  }
0x8b: {  	s0 =	sand.u32 $0x1, s1  }
0x8c: {  	s16 =	sshll.u32 s0, $0xA;
	s2 =	sadd.s32 s3, s2  }
0x8d: {  	s2 =	sadd.s32 s2, s16  }
0x8e: {  	[smem:$0x3FAF] =	sst s2  }
0x8f: {  	_ = 	snop  }
0x90: {  	(tm) =	ssettm $0x1  }
0x91: {  	s17 =	sld [smem:$0x3FFB];
	_ =	sdelay $0x3  }
0x92: {  	_ =	strace s17  }
0x93: {  	s2 =	sld [smem:$0x3FFC];
	_ =	sdelay $0x3  }
0x94: {  	_ =	strace s2  }
0x95: {  	s2 =	sld [smem:$0x3FFD];
	_ =	sdelay $0x3  }
0x96: {  	_ =	strace s2  }
0x97: {  	_ =	strace $0x8FFFFFFF  }
0x98: {  	s18 =	sld [smem:$0x3FDB];
	_ =	sdelay $0x1  }
0x99: {  	s19 =	simm.s32 $_scs_section_size  }
0x9a: {  	s4 =	simm.s32 $_size__tile_overlayer_lowered;
	s5 =	simm.s32 $_tile_overlayer_lowered  }
0x9b: {  	s22 =	simm.s32 $0x1BFF;
	s21 =	sshll.u32 s5, $0x1;
	s2 =	sadd.s32 s19, s18  }
0x9c: {  	s6 =	simm.s32 $0x0;
	s20 =	sshll.u32 s4, $0x1;
	s4 =	sadd.s32 s21, s2  }
0x9d: {  	[timem:s6], [sflag:s22] =	dma.local [hbm:s4], s20  }
0x9e: {  	_ =	swait.ge [sflag:s22], s20  }
0x9f: {  	s3 =	ssub.s32 $0x0, s20;
	[sflag:s22] =	ssyncset.done $0x0  }
0xa0: {  	[sflag:s22] =	ssyncadd.s32 s3;
	_ =	sdelay $0x1  }
0xa1: {  	s23 =	simm.s32 $0x1B8B  }
0xa2: {  	_ =	swait.ge [sflag:s23], $0x1  }
0xa3: {  	[sflag:s23] =	ssyncset.done $0x0  }
0xa4: {  	s25 =	simm.s32 $0x1B8E;
	s24 =	sld [smem:$0x3FFE];
	[sflag:s23] =	ssyncadd.s32 $0xFFFFFFFF  }
0xa5: {  	s26 =	simm.s32 $execute0_lowered;
	[smem:$0x3FD2] =	sst s25  }
0xa6: {  	s4 =	sshll.u32 s26, $0x1;
	_ =	strace $0x80000058;
	[dreg:$0x1] =	wrdreg $0xFFFFFFFF  }
0xa7: {  	s28 =	simm.s32 $_size_execute0_lowered;
	s2 =	sadd.s32 s2, s4;
	[dreg:$0x0] =	wrdreg $0x0  }
0xa8: {  	s4 =	sshll.u32 s28, $0x1;
	[dreg:$0x2] =	wrdreg s2  }
0xa9: {  	[dreg:$0x3] =	wrdreg s4  }
0xaa: {  	[dreg:$0x4] =	wrdreg $0xC0  }
0xab: {  	_ =	task [dreg:s6], $0x5FFFF  }
0xac: {  	[dreg:$0x1] =	wrdreg $0xFFFFFFFF  }
0xad: {  	[dreg:$0x0] =	wrdreg $0x60  }
0xae: {  	[dreg:$0x2] =	wrdreg s24  }
0xaf: {  	[dreg:$0x3] =	wrdreg $0x0  }
0xb0: {  	[dreg:$0x4] =	wrdreg $0x9  }
0xb1: {  	_ =	task.clear_ibuf [dreg:s6], $0x5FFFF;
	_ =	strace $0x90000058  }
0xb2: {  	s29 =	simm.s32 $0x9;
	_ =	strace $0x8000005A  }
0xb3: {  	_ =	swait.ge [sflag:s29], $0x1  }
0xb4: {  	[sflag:s29] =	ssyncadd.s32 $0xFFFFFFFF  }
0xb5: {  	_ =	strace $0x9000005A  }
0xb6: {  	_ =	sfence  }
0xb7: {  	s30 =	sld [smem:$0x0];
	_ =	sdelay $0x2  }
0xb8: {  	s31 =	sshll.u32 s1, $0xD;
	s1 =	sshrl.u32 s1, $0x2  }
0xb9: {  	s3 =	sand.u32 $0x4000, s31;
	s1 =	sadd.s32 s1, s30  }
0xba: {  	s0 =	sor.u32 s3, s0;
	s1 =	sshll.u32 s1, $0x11  }
0xbb: {  	s0 =	sor.u32 s1, s0  }
0xbc: {  	s0 =	sadd.s32 $0x8F2B, s0  }
0xbd: {  	[sflag:s0] =	ssyncadd.remote.s32 $0x1  }
0xbe: {  	_ =	sfence.sel $0xFFFF  }
0xbf: {  	[dreg:$0x0] =	wrdreg $0xFFFFFFFF;
	(pc) =	sbr.abs _section_cstart, $3  }
0xc0: {  	[dreg:$0x1] =	wrdreg $0xFFFFFFFF  }
0xc1: {  	_ =	task.clear_ibuf [dreg:s6], $0x2FFFF;
	_ =	strace $0x9FFFFFFF  }
0xc2: {  	(tm) =	ssettm $0x7FFFFFFF  }
0xc3: {  	_ =	shalt  }
tec
execute0_lowered:
.L_overlay_start_1:
0x0: {  	(tag) =	ssettag $0x1  }
0x1: {  	s5 =	rddreg [dreg:$0x0]  }
0x2: {  	s2 =	rddreg [dreg:$0x1]  }
0x3: {  	s0 =	rddreg [dreg:$0x2]  }
0x4: {  	s1 =	stileid.u32;
	s4 =	srdreg.scid;
	s3 =	simm.s32 $0x0  }
0x5: {  	s14 =	simm.s32 $0x13C80;
	s15 =	simm.s32 $0x80;
	s16 =	simm.s32 $0x13D00  }
0x6: {  	s17 =	simm.s32 $0x1;
	s18 =	simm.s32 $0x0;
	s6 =	smul.u32 $0x9E0, s1  }
0x7: {  	s7 =	smul.u32 $0x13C00, s1;
	s8 =	sand.u32 $0x1, s4;
	[smem:$0x7FF] =	sst s3  }
0x8: {  	s4 =	sadd.s32 $0x1BE00, s5;
	s28 =	smul.u32 $0x4F000, s1;
	s31 =	sshll.u32 s1, $0x6  }
0x9: {  	s9 =	smul.u32 $0x13C000, s8;
	_ =	strace $0x80000059;
	s29 =	ssub.s32 $0x2, s8  }
0xa: {  	s8 =	smul.u32 $0x4F0, s8;
	s10 =	sadd.s32 s6, s5;
	s30 =	sshrl.u32 s29, $0x1  }
0xb: {  	s26 =	sadd.s32 s7, s9;
	s7 =	sshrl.u32 s7, $0x3;
	s9 =	sshrl.u32 s28, $0x2  }
0xc: {  	s12 =	ssub.s32 s29, s30;
	s10 =	sadd.s32 s8, s10;
	s6 =	sshrl.u32 s26, $0x3  }
0xd: {  	s7 =	sadd.s32 s7, s5;
	s13 =	sadd.s32 s9, s2;
	s8 =	smax.u32 s12, $0x1  }
0xe: {  	s9 =	sadd.s32 $0x12000, s10;
	s10 =	sadd.s32 $0x8200, s10;
	s12 =	simm.s32 $0x2  }
0xf: {  	s11 =	sadd.s32 s6, s5;
	s5 =	sadd.s32 $0x1A2800, s7;
	s6 =	sor.u32 $0x1C02, s31  }
0x10: {  	s7 =	sadd.s32 $0x1CA000, s11;
	s11 =	sshrl.u32 s13, $0x3;
	s13 =	simm.s32 $0x13C00  }
.LBB2_1:
0x11: {  	[spmem:s11], [sflag:s6] =	dma.local [hbm:s5], $0x2780  }
0x12: {  	_ =	swait.ge [sflag:s12], $0x2780  }
0x13: {  	[sflag:s12] =	ssyncset.done $0x0  }
0x14: {  	[sflag:s12] =	ssyncadd.s32 $0xFFFFD880  }
0x15: {  	s19 =	sadd.s32 $0x0, s10;
	[bflag:$0x0] =	sbarrier.arrive $0xFFFF  }
0x16: {  	[tilespmem:s13], [sflag:$0x2] =	stream.linear.gather [hbm4b:s19+s3], $0x80, $0x38;
	[tilespmem:$0x17D00] =	vst v63  }
0x17: {  	_ =	swait.ge [sflag:s12], $0x80  }
0x18: {  	[sflag:s12] =	ssyncset.done $0x0  }
0x19: {  	s31 =	sadd.s32 $0x0, s9;
	[sflag:s12] =	ssyncadd.s32 $0xFFFFFF80  }
0x1a: {  	[tilespmem:s14], [sflag:$0x2] =	stream.linear.gather [hbm4b:s31+s3], $0x80, $0x38;
	[tilespmem:$0x17D00] =	vst v63  }
0x1b: {  	_ =	swait.ge [sflag:s12], $0x80  }
0x1c: {  	[sflag:s12] =	ssyncset.done $0x0  }
0x1d: {  	[sflag:s12] =	ssyncadd.s32 $0xFFFFFF80  }
0x1e: {  	[tilespmem:s16], [sflag:$0x1] =	stream.indirect.gather [hbm4b:s4+s15], $0x80, s13, s15, $0xb8;
	[tilespmem:$0x17D00] =	vst v63  }
0x1f: {  	_ =	swait.ge [sflag:s17], $0x4000  }
0x20: {  	[sflag:s17] =	ssyncset.done $0x0  }
0x21: {  	[sflag:s17] =	ssyncadd.s32 $0xFFFFC000  }
0x22: {  	[spmem:s2] =	stream.indirect.scatter.add.f32 [tilespmem:s16], [sflag:$0x2], $0x80, s14, s15, $0xb8;
	[tilespmem:$0x17D00] =	vst v63  }
0x23: {  	_ =	swait.ge [sflag:s12], $0x4000  }
0x24: {  	s20 =	simm.s32 $0x20;
	s19 =	simm.s32 $0x10;
	[sflag:s12] =	ssyncset.done $0x0  }
.LBB2_2:
0x25: {  	s21 =	sadd.s32 s19, s10  }
0x26: {  	[sflag:s12] =	ssyncadd.s32 $0xFFFFC000;
	s22 =	smov.u32 s20;
	s23 =	sadd.s32 $0x10, s20  }
0x27: {  	[tilespmem:s13], [sflag:$0x2] =	stream.linear.gather [hbm4b:s21+s3], $0x80, $0x38;
	[tilespmem:$0x17D00] =	vst v63  }
0x28: {  	p0 =	sne.s32 s20, $0x4E0;
	_ =	swait.ge [sflag:s12], $0x80  }
0x29: {  	[sflag:s12] =	ssyncset.done $0x0  }
0x2a: {  	s20 =	sadd.s32 s19, s9;
	s19 =	smov.u32 s22;
	[sflag:s12] =	ssyncadd.s32 $0xFFFFFF80  }
0x2b: {  	[tilespmem:s14], [sflag:$0x2] =	stream.linear.gather [hbm4b:s20+s3], $0x80, $0x38;
	[tilespmem:$0x17D00] =	vst v63  }
0x2c: {  	_ =	swait.ge [sflag:s12], $0x80  }
0x2d: {  	[sflag:s12] =	ssyncset.done $0x0  }
0x2e: {  	[sflag:s12] =	ssyncadd.s32 $0xFFFFFF80  }
0x2f: {  	[tilespmem:s16], [sflag:$0x1] =	stream.indirect.gather [hbm4b:s4+s15], $0x80, s13, s15, $0xb8;
	[tilespmem:$0x17D00] =	vst v63  }
0x30: {  	_ =	swait.ge [sflag:s17], $0x4000  }
.Ltmp0:
0x31: {  	[sflag:s17] =	ssyncset.done $0x0;
	(pc) =	sbr.rel @p0 .LBB2_2-.Ltmp0, $4  }
0x32: {  	[sflag:s17] =	ssyncadd.s32 $0xFFFFC000  }
0x33: {  	[spmem:s2] =	stream.indirect.scatter.add.f32 [tilespmem:s16], [sflag:$0x2], $0x80, s14, s15, $0xb8;
	[tilespmem:$0x17D00] =	vst v63  }
0x34: {  	_ =	swait.ge [sflag:s12], $0x4000  }
0x35: {  	s20 =	smov.u32 s23;
	[sflag:s12] =	ssyncset.done $0x0  }
0x36: {  	s20 =	sadd.s32 s19, s10;
	[sflag:s12] =	ssyncadd.s32 $0xFFFFC000  }
0x37: {  	[tilespmem:s13], [sflag:$0x2] =	stream.linear.gather [hbm4b:s20+s3], $0x80, $0x38;
	[tilespmem:$0x17D00] =	vst v63  }
0x38: {  	_ =	swait.ge [sflag:s12], $0x80  }
0x39: {  	[sflag:s12] =	ssyncset.done $0x0  }
0x3a: {  	s31 =	sadd.s32 s19, s9;
	[sflag:s12] =	ssyncadd.s32 $0xFFFFFF80  }
0x3b: {  	[tilespmem:s14], [sflag:$0x2] =	stream.linear.gather [hbm4b:s31+s3], $0x80, $0x38;
	[tilespmem:$0x17D00] =	vst v63  }
0x3c: {  	_ =	swait.ge [sflag:s12], $0x80  }
0x3d: {  	[sflag:s12] =	ssyncset.done $0x0  }
0x3e: {  	[sflag:s12] =	ssyncadd.s32 $0xFFFFFF80  }
0x3f: {  	[tilespmem:s16], [sflag:$0x1] =	stream.indirect.gather [hbm4b:s4+s15], $0x80, s13, s15, $0xb8;
	[tilespmem:$0x17D00] =	vst v63  }
0x40: {  	_ =	swait.ge [sflag:s17], $0x4000  }
0x41: {  	[sflag:s17] =	ssyncset.done $0x0  }
0x42: {  	[sflag:s17] =	ssyncadd.s32 $0xFFFFC000  }
0x43: {  	[spmem:s2] =	stream.indirect.scatter.add.f32 [tilespmem:s16], [sflag:$0x2], $0x80, s14, s15, $0xb8;
	[tilespmem:$0x17D00] =	vst v63  }
0x44: {  	_ =	swait.ge [sflag:s12], $0x4000  }
0x45: {  	s18 =	sadd.s32 $0x1, s18;
	[sflag:s12] =	ssyncset.done $0x0  }
0x46: {  	p0 =	sne.s32 s18, s8;
	[sflag:s12] =	ssyncadd.s32 $0xFFFFC000  }
.Ltmp1:
0x47: {  	[bflag:$0x0] =	sbarrier.arrive $0xFFFF;
	(pc) =	sbr.rel @p0 .LBB2_1-.Ltmp1, $4  }
0x48: {  	[hbm:s7], [sflag:s6] =	dma.local [spmem:s11], $0x2780  }
0x49: {  	_ =	swait.ge [sflag:s12], $0x2780  }
0x4a: {  	[sflag:s12] =	ssyncset.done $0x0  }
0x4b: {  	[sflag:s12] =	ssyncadd.s32 $0xFFFFD880  }
0x4c: {  	_ =	sfence.sel $0x180000  }
0x4d: {  	[bflag:$0x0] =	sbarrier.arrive $0xFFFF  }
0x4e: {  	p0 =	sne.s32 s1, $0x0;
	_ =	strace $0x90000059  }
0x4f: {  	s0 =	sadd.s32 @!p0 $0x100000, s0;
	[bflag:$0x2] =	sbarrier.arrive $0xFFFF  }
0x50: {  	[sflag:s0] =	ssyncadd.tile.s32 @!p0 $0x1;
	_ =	shalt  }
.Lfunc_end2:
_tile_overlayer_lowered:
.L_overlay_start_2:
0x51: {  	(tag) =	ssettag $0x2  }
0x52: {  	s0 =	rddreg [dreg:$0x0];
	s2 =	stileid.u32  }
0x53: {  	s1 =	rddreg [dreg:$0x1];
	p0 =	sne.s32 s2, $0x0  }
0x54: {  	s3 =	rddreg [dreg:$0x2];
	[bflag:$0x3] =	sbarrier.arrive $0xFFFF;
	s2 =	simm.s32 @!p0 $0x1C02  }
0x55: {  	[timem:s3], [sflag:s2] =	dma.local @!p0 [hbm:s0], s1  }
0x56: {  	s0 =	simm.s32 @!p0 $0x2  }
0x57: {  	_ =	swait.ge @!p0 [sflag:s0], s1  }
0x58: {  	s1 =	ssub.s32 @!p0 $0x0, s1;
	[sflag:s0] =	ssyncset.done @!p0 $0x0  }
0x59: {  	[sflag:s0] =	ssyncadd.s32 @!p0 s1  }
0x5a: {  	[bflag:$0x3] =	sbarrier.arrive $0xFFFF  }
0x5b: {  	_ =	shalt  }

// kernel: kernel.43.cloned.1.call-start
scs
__scs_entry_jumppad:
0x0: {  	(pc) =	sbr.rel $0x88, $3  }
0x1: {  	(tag) =	ssettag $0x0;
	lr =	simm.s32 $0x1  }
0x2: {  	[smem:$0x3F88] =	sst lr;
	_ =	strace $0xD0000000  }
0x3: {  	_ = 	snop  }
0x4: {  	_ = 	snop  }
0x5: {  	_ = 	snop  }
0x6: {  	_ = 	snop  }
0x7: {  	_ = 	snop  }
__scs_overlays_trampoline_lowered:
0x8: {  	[smem:$0x3F97] =	sst s0  }
0x9: {  	[smem:$0x3F98] =	sst s1  }
0xa: {  	[smem:$0x3F99] =	sst s2  }
0xb: {  	[smem:$0x3F9A] =	sst s3  }
0xc: {  	[smem:$0x3F9B] =	sst s4  }
0xd: {  	[smem:$0x3F9C] =	sst s5  }
0xe: {  	[smem:$0x3F9D] =	sst s6  }
0xf: {  	[smem:$0x3F9E] =	sst s7  }
0x10: {  	[smem:$0x3F9F] =	sst s8  }
0x11: {  	[smem:$0x3FA0] =	sst s9;
	s0 =	simm.s32 @!p0 $0x0  }
0x12: {  	s1 =	sld [smem:$0x3F86];
	s0 =	simm.s32 @p0 $0x1  }
0x13: {  	[smem:$0x3FA1] =	sst s0;
	s0 =	simm.s32 @!p1 $0x0  }
0x14: {  	s2 =	sld [smem:$0x3F85];
	s0 =	simm.s32 @p1 $0x1  }
0x15: {  	[smem:$0x3FA2] =	sst s0;
	s0 =	simm.s32 @!p2 $0x0  }
0x16: {  	s3 =	sld [smem:$0x3FDB];
	s0 =	simm.s32 @p2 $0x1  }
0x17: {  	s4 =	simm.s32 $0x1BF5;
	[smem:$0x3FA4] =	sst s0  }
0x18: {  	s0 =	sld [smem:$0x3F87];
	_ =	swait.ge [sflag:s4], $0x0  }
0x19: {  	s7 =	sld [smem:$0x3F88]  }
0x1a: {  	s8 =	sadd.s32 $0xFFFFE003, lr  }
0x1b: {  	s9 =	sadd.s32 $0xFFFFFEF7, lr;
	s5 =	simm.s32 $0xFFFFFFFF;
	p2 =	slt.u32 s8, $0xFFFFF086  }
0x1c: {  	p1 =	slt.u32 s9, $0xF7A;
	s5 =	simm.s32 @!p2 $0x0  }
0x1d: {  	s5 =	simm.s32 @p1 $0x1;
	p0 =	seq.s32 s7, s2  }
0x1e: {  	s7 =	smul.u32 @!p0 $0xF7A, s2;
	p2 =	seq.s32 @!p0 s5, $0x0  }
0x1f: {  	s9 =	smul.u32 $0xF7A, s1;
	s8 =	simm.s32 @!p0 $0x1BF5;
	p2 =	por !p2, p0  }
0x20: {  	[sflag:s8] =	ssyncset.s32 @!p0 $0xFFFFF086;
	s6 =	sadd.s32 @!p0 s3, s7;
	s7 =	simm.s32 @!p0 $0x108  }
0x21: {  	s3 =	sadd.s32 s3, s9;
	s6 =	sadd.s32 @!p0 $0x88, s6;
	s7 =	simm.s32 @p2 $0x1082  }
0x22: {  	[simem:s7], [sflag:s8] =	dma.local @!p0 [hbm:s6], $0xF7A  }
0x23: {  	s9 =	sor.u32 $0xD0000000, s2;
	s6 =	simm.s32 $0x108;
	_ =	swait.ge @!p0 [sflag:s8], $0x0  }
0x24: {  	s3 =	sadd.s32 $0x88, s3;
	s6 =	simm.s32 @!p1 $0x1082;
	[sflag:s4] =	ssyncset.s32 $0xFFFFF086  }
0x25: {  	[simem:s6], [sflag:s4] =	dma.local [hbm:s3], $0xF7A  }
0x26: {  	[smem:$0x3F88] =	sst s1;
	(tag) =	ssettag s2;
	_ =	strace s9  }
0x27: {  	s1 =	sld [smem:$0x3F98]  }
0x28: {  	s2 =	sld [smem:$0x3F99]  }
0x29: {  	s4 =	sld [smem:$0x3F9B]  }
0x2a: {  	p0 =	seq.s32 s5, $0x0;
	s5 =	sld [smem:$0x3F9C]  }
0x2b: {  	s6 =	sld [smem:$0x3F9D]  }
0x2c: {  	s7 =	sld [smem:$0x3F9E]  }
0x2d: {  	s3 =	simm.s32 $0x108;
	s8 =	sld [smem:$0x3F9F]  }
0x2e: {  	s3 =	simm.s32 @!p0 $0x1082;
	s9 =	sld [smem:$0x3FA0]  }
0x2f: {  	lr =	sadd.s32 s0, s3;
	s0 =	sld [smem:$0x3F97]  }
0x30: {  	s3 =	sld [smem:$0x3F9A]  }
0x31: {  	[smem:$0x3FA3] =	sst s10  }
0x32: {  	s10 =	sld [smem:$0x3FA1];
	_ =	sdelay $0x3  }
0x33: {  	p0 =	seq.s32 s10, $0x1;
	s10 =	sld [smem:$0x3FA3];
	_ =	sdelay $0x3  }
0x34: {  	[smem:$0x3FA3] =	sst s10  }
0x35: {  	s10 =	sld [smem:$0x3FA2];
	_ =	sdelay $0x3  }
0x36: {  	p1 =	seq.s32 s10, $0x1;
	s10 =	sld [smem:$0x3FA3];
	_ =	sdelay $0x3  }
0x37: {  	[smem:$0x3FA3] =	sst s10  }
0x38: {  	s10 =	sld [smem:$0x3FA4]  }
0x39: {  	_ = 	snop;
	(pc) =	sbr.ind lr, $3  }
0x3a: {  	_ = 	snop  }
0x3b: {  	_ = 	snop  }
0x3c: {  	p2 =	seq.s32 s10, $0x1;
	s10 =	sld [smem:$0x3FA3]  }
0x3d: {  	_ =	shalt  }
0x3e: {  	_ =	shalt  }
0x3f: {  	_ =	shalt  }
0x40: {  	_ =	shalt  }
0x41: {  	_ =	shalt  }
0x42: {  	_ =	shalt  }
0x43: {  	_ =	shalt  }
0x44: {  	_ =	shalt  }
0x45: {  	_ =	shalt  }
0x46: {  	_ =	shalt  }
0x47: {  	_ =	shalt  }
0x48: {  	_ =	shalt  }
0x49: {  	_ =	shalt  }
0x4a: {  	_ =	shalt  }
0x4b: {  	_ =	shalt  }
0x4c: {  	_ =	shalt  }
0x4d: {  	_ =	shalt  }
0x4e: {  	_ =	shalt  }
0x4f: {  	_ =	shalt  }
0x50: {  	_ =	shalt  }
0x51: {  	_ =	shalt  }
0x52: {  	_ =	shalt  }
0x53: {  	_ =	shalt  }
0x54: {  	_ =	shalt  }
0x55: {  	_ =	shalt  }
0x56: {  	_ =	shalt  }
0x57: {  	_ =	shalt  }
0x58: {  	_ =	shalt  }
0x59: {  	_ =	shalt  }
0x5a: {  	_ =	shalt  }
0x5b: {  	_ =	shalt  }
0x5c: {  	_ =	shalt  }
0x5d: {  	_ =	shalt  }
0x5e: {  	_ =	shalt  }
0x5f: {  	_ =	shalt  }
0x60: {  	_ =	shalt  }
0x61: {  	_ =	shalt  }
0x62: {  	_ =	shalt  }
0x63: {  	_ =	shalt  }
0x64: {  	_ =	shalt  }
0x65: {  	_ =	shalt  }
0x66: {  	_ =	shalt  }
0x67: {  	_ =	shalt  }
0x68: {  	_ =	shalt  }
0x69: {  	_ =	shalt  }
0x6a: {  	_ =	shalt  }
0x6b: {  	_ =	shalt  }
0x6c: {  	_ =	shalt  }
0x6d: {  	_ =	shalt  }
0x6e: {  	_ =	shalt  }
0x6f: {  	_ =	shalt  }
0x70: {  	_ =	shalt  }
0x71: {  	_ =	shalt  }
0x72: {  	_ =	shalt  }
0x73: {  	_ =	shalt  }
0x74: {  	_ =	shalt  }
0x75: {  	_ =	shalt  }
0x76: {  	_ =	shalt  }
0x77: {  	_ =	shalt  }
0x78: {  	_ =	shalt  }
0x79: {  	_ =	shalt  }
0x7a: {  	_ =	shalt  }
0x7b: {  	_ =	shalt  }
0x7c: {  	_ =	shalt  }
0x7d: {  	_ =	shalt  }
0x7e: {  	_ =	shalt  }
0x7f: {  	_ =	shalt  }
0x80: {  	_ =	shalt  }
0x81: {  	_ =	shalt  }
0x82: {  	_ =	shalt  }
0x83: {  	_ =	shalt  }
0x84: {  	_ =	shalt  }
0x85: {  	_ =	shalt  }
0x86: {  	_ =	shalt  }
0x87: {  	_ =	shalt  }
.Lfunc_end0:
.L_simem_size_0:
called_computation.7_lowered:
.L_overlay_start_0:
0x88: {  	s2 =	sld [smem:$0x3FD9]  }
0x89: {  	s3 =	sld [smem:$0x3FFE];
	_ =	sdelay $0x1  }
0x8a: {  	s1 =	srdreg.scid  }
0x8b: {  	s0 =	sand.u32 $0x1, s1  }
0x8c: {  	s16 =	sshll.u32 s0, $0xA;
	s2 =	sadd.s32 s3, s2  }
0x8d: {  	s2 =	sadd.s32 s2, s16  }
0x8e: {  	[smem:$0x3FAF] =	sst s2  }
0x8f: {  	_ = 	snop  }
0x90: {  	(tm) =	ssettm $0x1  }
0x91: {  	s17 =	sld [smem:$0x3FFB];
	_ =	sdelay $0x3  }
0x92: {  	_ =	strace s17  }
0x93: {  	s2 =	sld [smem:$0x3FFC];
	_ =	sdelay $0x3  }
0x94: {  	_ =	strace s2  }
0x95: {  	s2 =	sld [smem:$0x3FFD];
	_ =	sdelay $0x3  }
0x96: {  	_ =	strace s2  }
0x97: {  	_ =	strace $0x8FFFFFFF  }
0x98: {  	s18 =	sld [smem:$0x3FDB];
	_ =	sdelay $0x1  }
0x99: {  	s19 =	simm.s32 $_scs_section_size  }
0x9a: {  	s4 =	simm.s32 $_size__tile_overlayer_lowered;
	s5 =	simm.s32 $_tile_overlayer_lowered  }
0x9b: {  	s22 =	simm.s32 $0x1BFF;
	s21 =	sshll.u32 s5, $0x1;
	s2 =	sadd.s32 s19, s18  }
0x9c: {  	s6 =	simm.s32 $0x0;
	s20 =	sshll.u32 s4, $0x1;
	s4 =	sadd.s32 s21, s2  }
0x9d: {  	[timem:s6], [sflag:s22] =	dma.local [hbm:s4], s20  }
0x9e: {  	_ =	swait.ge [sflag:s22], s20  }
0x9f: {  	s3 =	ssub.s32 $0x0, s20;
	[sflag:s22] =	ssyncset.done $0x0  }
0xa0: {  	[sflag:s22] =	ssyncadd.s32 s3;
	_ =	sdelay $0x1  }
0xa1: {  	s23 =	simm.s32 $0x1B8B  }
0xa2: {  	_ =	swait.ge [sflag:s23], $0x1  }
0xa3: {  	[sflag:s23] =	ssyncset.done $0x0  }
0xa4: {  	s25 =	simm.s32 $0x1B8E;
	s24 =	sld [smem:$0x3FFE];
	[sflag:s23] =	ssyncadd.s32 $0xFFFFFFFF  }
0xa5: {  	s26 =	simm.s32 $execute0_lowered;
	[smem:$0x3FD2] =	sst s25  }
0xa6: {  	s4 =	sshll.u32 s26, $0x1;
	_ =	strace $0x8000005B;
	[dreg:$0x1] =	wrdreg $0xFFFFFFFF  }
0xa7: {  	s28 =	simm.s32 $_size_execute0_lowered;
	s2 =	sadd.s32 s2, s4;
	[dreg:$0x0] =	wrdreg $0x0  }
0xa8: {  	s4 =	sshll.u32 s28, $0x1;
	[dreg:$0x2] =	wrdreg s2  }
0xa9: {  	[dreg:$0x3] =	wrdreg s4  }
0xaa: {  	[dreg:$0x4] =	wrdreg $0xC0  }
0xab: {  	_ =	task [dreg:s6], $0x5FFFF  }
0xac: {  	[dreg:$0x1] =	wrdreg $0xFFFFFFFF  }
0xad: {  	[dreg:$0x0] =	wrdreg $0x60  }
0xae: {  	[dreg:$0x2] =	wrdreg s24  }
0xaf: {  	[dreg:$0x3] =	wrdreg $0x0  }
0xb0: {  	[dreg:$0x4] =	wrdreg $0x9  }
0xb1: {  	_ =	task.clear_ibuf [dreg:s6], $0x5FFFF;
	_ =	strace $0x9000005B  }
0xb2: {  	s29 =	simm.s32 $0x9;
	_ =	strace $0x8000005D  }
0xb3: {  	_ =	swait.ge [sflag:s29], $0x1  }
0xb4: {  	[sflag:s29] =	ssyncadd.s32 $0xFFFFFFFF  }
0xb5: {  	_ =	strace $0x9000005D  }
0xb6: {  	_ =	sfence  }
0xb7: {  	s30 =	sld [smem:$0x0];
	_ =	sdelay $0x2  }
0xb8: {  	s31 =	sshll.u32 s1, $0xD;
	s1 =	sshrl.u32 s1, $0x2  }
0xb9: {  	s3 =	sand.u32 $0x4000, s31;
	s1 =	sadd.s32 s1, s30  }
0xba: {  	s0 =	sor.u32 s3, s0;
	s1 =	sshll.u32 s1, $0x11  }
0xbb: {  	s0 =	sor.u32 s1, s0  }
0xbc: {  	s0 =	sadd.s32 $0x8F2B, s0  }
0xbd: {  	[sflag:s0] =	ssyncadd.remote.s32 $0x1  }
0xbe: {  	_ =	sfence.sel $0xFFFF  }
0xbf: {  	[dreg:$0x0] =	wrdreg $0xFFFFFFFF;
	(pc) =	sbr.abs _section_cstart, $3  }
0xc0: {  	[dreg:$0x1] =	wrdreg $0xFFFFFFFF  }
0xc1: {  	_ =	task.clear_ibuf [dreg:s6], $0x2FFFF;
	_ =	strace $0x9FFFFFFF  }
0xc2: {  	(tm) =	ssettm $0x7FFFFFFF  }
0xc3: {  	_ =	shalt  }
tec
execute0_lowered:
.L_overlay_start_1:
0x0: {  	(tag) =	ssettag $0x1  }
0x1: {  	s5 =	rddreg [dreg:$0x0]  }
0x2: {  	s2 =	rddreg [dreg:$0x1]  }
0x3: {  	s0 =	rddreg [dreg:$0x2]  }
0x4: {  	s1 =	stileid.u32;
	s4 =	srdreg.scid;
	s3 =	simm.s32 $0x0  }
0x5: {  	s14 =	simm.s32 $0x13C80;
	s15 =	simm.s32 $0x80;
	s16 =	simm.s32 $0x13D00  }
0x6: {  	s17 =	simm.s32 $0x1;
	s18 =	simm.s32 $0x0;
	s6 =	smul.u32 $0x9E0, s1  }
0x7: {  	s7 =	smul.u32 $0x13C00, s1;
	s8 =	sand.u32 $0x1, s4;
	[smem:$0x7FF] =	sst s3  }
0x8: {  	s4 =	sadd.s32 $0x1BE00, s5;
	s28 =	smul.u32 $0x4F000, s1;
	s31 =	sshll.u32 s1, $0x6  }
0x9: {  	s9 =	smul.u32 $0x13C000, s8;
	_ =	strace $0x8000005C;
	s29 =	ssub.s32 $0x2, s8  }
0xa: {  	s8 =	smul.u32 $0x4F0, s8;
	s10 =	sadd.s32 s6, s5;
	s30 =	sshrl.u32 s29, $0x1  }
0xb: {  	s26 =	sadd.s32 s7, s9;
	s7 =	sshrl.u32 s7, $0x3;
	s9 =	sshrl.u32 s28, $0x2  }
0xc: {  	s12 =	ssub.s32 s29, s30;
	s10 =	sadd.s32 s8, s10;
	s6 =	sshrl.u32 s26, $0x3  }
0xd: {  	s7 =	sadd.s32 s7, s5;
	s13 =	sadd.s32 s9, s2;
	s8 =	smax.u32 s12, $0x1  }
0xe: {  	s9 =	sadd.s32 $0x12000, s10;
	s10 =	sadd.s32 $0x8200, s10;
	s12 =	simm.s32 $0x2  }
0xf: {  	s11 =	sadd.s32 s6, s5;
	s5 =	sadd.s32 $0x1A2800, s7;
	s6 =	sor.u32 $0x1C02, s31  }
0x10: {  	s7 =	sadd.s32 $0x1CA000, s11;
	s11 =	sshrl.u32 s13, $0x3;
	s13 =	simm.s32 $0x13C00  }
.LBB2_1:
0x11: {  	[spmem:s11], [sflag:s6] =	dma.local [hbm:s5], $0x2780  }
0x12: {  	_ =	swait.ge [sflag:s12], $0x2780  }
0x13: {  	[sflag:s12] =	ssyncset.done $0x0  }
0x14: {  	[sflag:s12] =	ssyncadd.s32 $0xFFFFD880  }
0x15: {  	s19 =	sadd.s32 $0x0, s10;
	[bflag:$0x0] =	sbarrier.arrive $0xFFFF  }
0x16: {  	[tilespmem:s13], [sflag:$0x2] =	stream.linear.gather [hbm4b:s19+s3], $0x80, $0x38;
	[tilespmem:$0x17D00] =	vst v63  }
0x17: {  	_ =	swait.ge [sflag:s12], $0x80  }
0x18: {  	[sflag:s12] =	ssyncset.done $0x0  }
0x19: {  	s31 =	sadd.s32 $0x0, s9;
	[sflag:s12] =	ssyncadd.s32 $0xFFFFFF80  }
0x1a: {  	[tilespmem:s14], [sflag:$0x2] =	stream.linear.gather [hbm4b:s31+s3], $0x80, $0x38;
	[tilespmem:$0x17D00] =	vst v63  }
0x1b: {  	_ =	swait.ge [sflag:s12], $0x80  }
0x1c: {  	[sflag:s12] =	ssyncset.done $0x0  }
0x1d: {  	[sflag:s12] =	ssyncadd.s32 $0xFFFFFF80  }
0x1e: {  	[tilespmem:s16], [sflag:$0x1] =	stream.indirect.gather [hbm4b:s4+s15], $0x80, s13, s15, $0xb8;
	[tilespmem:$0x17D00] =	vst v63  }
0x1f: {  	_ =	swait.ge [sflag:s17], $0x4000  }
0x20: {  	[sflag:s17] =	ssyncset.done $0x0  }
0x21: {  	[sflag:s17] =	ssyncadd.s32 $0xFFFFC000  }
0x22: {  	[spmem:s2] =	stream.indirect.scatter.add.f32 [tilespmem:s16], [sflag:$0x2], $0x80, s14, s15, $0xb8;
	[tilespmem:$0x17D00] =	vst v63  }
0x23: {  	_ =	swait.ge [sflag:s12], $0x4000  }
0x24: {  	s20 =	simm.s32 $0x20;
	s19 =	simm.s32 $0x10;
	[sflag:s12] =	ssyncset.done $0x0  }
.LBB2_2:
0x25: {  	s21 =	sadd.s32 s19, s10  }
0x26: {  	[sflag:s12] =	ssyncadd.s32 $0xFFFFC000;
	s22 =	smov.u32 s20;
	s23 =	sadd.s32 $0x10, s20  }
0x27: {  	[tilespmem:s13], [sflag:$0x2] =	stream.linear.gather [hbm4b:s21+s3], $0x80, $0x38;
	[tilespmem:$0x17D00] =	vst v63  }
0x28: {  	p0 =	sne.s32 s20, $0x4E0;
	_ =	swait.ge [sflag:s12], $0x80  }
0x29: {  	[sflag:s12] =	ssyncset.done $0x0  }
0x2a: {  	s20 =	sadd.s32 s19, s9;
	s19 =	smov.u32 s22;
	[sflag:s12] =	ssyncadd.s32 $0xFFFFFF80  }
0x2b: {  	[tilespmem:s14], [sflag:$0x2] =	stream.linear.gather [hbm4b:s20+s3], $0x80, $0x38;
	[tilespmem:$0x17D00] =	vst v63  }
0x2c: {  	_ =	swait.ge [sflag:s12], $0x80  }
0x2d: {  	[sflag:s12] =	ssyncset.done $0x0  }
0x2e: {  	[sflag:s12] =	ssyncadd.s32 $0xFFFFFF80  }
0x2f: {  	[tilespmem:s16], [sflag:$0x1] =	stream.indirect.gather [hbm4b:s4+s15], $0x80, s13, s15, $0xb8;
	[tilespmem:$0x17D00] =	vst v63  }
0x30: {  	_ =	swait.ge [sflag:s17], $0x4000  }
.Ltmp0:
0x31: {  	[sflag:s17] =	ssyncset.done $0x0;
	(pc) =	sbr.rel @p0 .LBB2_2-.Ltmp0, $4  }
0x32: {  	[sflag:s17] =	ssyncadd.s32 $0xFFFFC000  }
0x33: {  	[spmem:s2] =	stream.indirect.scatter.add.f32 [tilespmem:s16], [sflag:$0x2], $0x80, s14, s15, $0xb8;
	[tilespmem:$0x17D00] =	vst v63  }
0x34: {  	_ =	swait.ge [sflag:s12], $0x4000  }
0x35: {  	s20 =	smov.u32 s23;
	[sflag:s12] =	ssyncset.done $0x0  }
0x36: {  	s20 =	sadd.s32 s19, s10;
	[sflag:s12] =	ssyncadd.s32 $0xFFFFC000  }
0x37: {  	[tilespmem:s13], [sflag:$0x2] =	stream.linear.gather [hbm4b:s20+s3], $0x80, $0x38;
	[tilespmem:$0x17D00] =	vst v63  }
0x38: {  	_ =	swait.ge [sflag:s12], $0x80  }
0x39: {  	[sflag:s12] =	ssyncset.done $0x0  }
0x3a: {  	s31 =	sadd.s32 s19, s9;
	[sflag:s12] =	ssyncadd.s32 $0xFFFFFF80  }
0x3b: {  	[tilespmem:s14], [sflag:$0x2] =	stream.linear.gather [hbm4b:s31+s3], $0x80, $0x38;
	[tilespmem:$0x17D00] =	vst v63  }
0x3c: {  	_ =	swait.ge [sflag:s12], $0x80  }
0x3d: {  	[sflag:s12] =	ssyncset.done $0x0  }
0x3e: {  	[sflag:s12] =	ssyncadd.s32 $0xFFFFFF80  }
0x3f: {  	[tilespmem:s16], [sflag:$0x1] =	stream.indirect.gather [hbm4b:s4+s15], $0x80, s13, s15, $0xb8;
	[tilespmem:$0x17D00] =	vst v63  }
0x40: {  	_ =	swait.ge [sflag:s17], $0x4000  }
0x41: {  	[sflag:s17] =	ssyncset.done $0x0  }
0x42: {  	[sflag:s17] =	ssyncadd.s32 $0xFFFFC000  }
0x43: {  	[spmem:s2] =	stream.indirect.scatter.add.f32 [tilespmem:s16], [sflag:$0x2], $0x80, s14, s15, $0xb8;
	[tilespmem:$0x17D00] =	vst v63  }
0x44: {  	_ =	swait.ge [sflag:s12], $0x4000  }
0x45: {  	s18 =	sadd.s32 $0x1, s18;
	[sflag:s12] =	ssyncset.done $0x0  }
0x46: {  	p0 =	sne.s32 s18, s8;
	[sflag:s12] =	ssyncadd.s32 $0xFFFFC000  }
.Ltmp1:
0x47: {  	[bflag:$0x0] =	sbarrier.arrive $0xFFFF;
	(pc) =	sbr.rel @p0 .LBB2_1-.Ltmp1, $4  }
0x48: {  	[hbm:s7], [sflag:s6] =	dma.local [spmem:s11], $0x2780  }
0x49: {  	_ =	swait.ge [sflag:s12], $0x2780  }
0x4a: {  	[sflag:s12] =	ssyncset.done $0x0  }
0x4b: {  	[sflag:s12] =	ssyncadd.s32 $0xFFFFD880  }
0x4c: {  	_ =	sfence.sel $0x180000  }
0x4d: {  	[bflag:$0x0] =	sbarrier.arrive $0xFFFF  }
0x4e: {  	p0 =	sne.s32 s1, $0x0;
	_ =	strace $0x9000005C  }
0x4f: {  	s0 =	sadd.s32 @!p0 $0x100000, s0;
	[bflag:$0x2] =	sbarrier.arrive $0xFFFF  }
0x50: {  	[sflag:s0] =	ssyncadd.tile.s32 @!p0 $0x1;
	_ =	shalt  }
.Lfunc_end2:
_tile_overlayer_lowered:
.L_overlay_start_2:
0x51: {  	(tag) =	ssettag $0x2  }
0x52: {  	s0 =	rddreg [dreg:$0x0];
	s2 =	stileid.u32  }
0x53: {  	s1 =	rddreg [dreg:$0x1];
	p0 =	sne.s32 s2, $0x0  }
0x54: {  	s3 =	rddreg [dreg:$0x2];
	[bflag:$0x3] =	sbarrier.arrive $0xFFFF;
	s2 =	simm.s32 @!p0 $0x1C02  }
0x55: {  	[timem:s3], [sflag:s2] =	dma.local @!p0 [hbm:s0], s1  }
0x56: {  	s0 =	simm.s32 @!p0 $0x2  }
0x57: {  	_ =	swait.ge @!p0 [sflag:s0], s1  }
0x58: {  	s1 =	ssub.s32 @!p0 $0x0, s1;
	[sflag:s0] =	ssyncset.done @!p0 $0x0  }
0x59: {  	[sflag:s0] =	ssyncadd.s32 @!p0 s1  }
0x5a: {  	[bflag:$0x3] =	sbarrier.arrive $0xFFFF  }
0x5b: {  	_ =	shalt  }

</sc_bundles>
